<compile_context>
chip_gen: v7x
topology: tpu7x:2x2x1
jax: 0.10.2.dev20260603
libtpu: 0.0.44.dev20260713+nightly
codegen_flags: <defaults>
</compile_context>

<pallas_src>
import functools

import jax
import jax.numpy as jnp
from jax import lax
from jax.experimental import pallas as pl
from jax.experimental.pallas import tpu as pltpu
from jax.experimental.pallas import tpu_sc as plsc

SCALE = 10.0
NUM_ROWS = 16384
NUM_COLS = 26
EMBED_DIM = 32
VOCAB = 1000000
NW = 32

TCH = 256
VMAIN = (VOCAB // TCH) * TCH
NCHT = VMAIN // TCH
ITER1 = (NCHT + NW - 1) // NW
NB1 = 4
TAIL = VOCAB - VMAIN

ROWS_W = NUM_ROWS // NW
PER_W = ROWS_W * NUM_COLS
NBLK = 4 * NUM_COLS
NB = 6
NSB = 6
OUT_WORDS = NUM_ROWS * NUM_COLS * EMBED_DIM

_mesh = plsc.VectorSubcoreMesh(core_axis_name="c", subcore_axis_name="s")


@functools.partial(
    pl.kernel,
    out_type=jax.ShapeDtypeStruct((VOCAB * EMBED_DIM,), jnp.float32),
    mesh=_mesh,
    scratch_types=[
        pltpu.VMEM((NB1, EMBED_DIM, TCH + 1), jnp.float32),
        pltpu.VMEM((NB1, TCH * EMBED_DIM), jnp.float32),
        pltpu.VMEM((TAIL * EMBED_DIM,), jnp.float32),
        pltpu.SemaphoreType.DMA,
        pltpu.SemaphoreType.DMA,
    ],
    compiler_params=pltpu.CompilerParams(
        use_tc_tiling_on_sc=True, needs_layout_passes=False
    ),
)
def _transpose_table(tt_hbm, tail_hbm, out_hbm, tbuf, obuf, tailv, lsem, ssem):
    wid = lax.axis_index("s") * 2 + lax.axis_index("c")
    lane = lax.iota(jnp.int32, 16)
    fvec = [lane + k * 16 for k in range(EMBED_DIM // 16)]

    @pl.when(wid == 0)
    def _tail():
        pltpu.sync_copy(tail_hbm, tailv)
        pltpu.sync_copy(tailv, out_hbm.at[pl.ds(VMAIN * EMBED_DIM, TAIL * EMBED_DIM)])

    def load_chunk(g, b):
        for fb in range(4):
            pltpu.async_copy(
                tt_hbm.at[pl.ds(fb * 8, 8), pl.ds(g * TCH, TCH)],
                tbuf.at[b, pl.ds(fb * 8, 8), pl.ds(0, TCH)],
                lsem,
            )

    for p in range(NB1 - 1):
        if p == 0:
            load_chunk(wid, 0)
        else:
            @pl.when(p * NW + wid < NCHT)
            def _pl(p=p):
                load_chunk(p * NW + wid, p)

    def step(n, carry):
        b = lax.rem(n, NB1)
        g = n * NW + wid

        @pl.when(g + (NB1 - 1) * NW < NCHT)
        def _next_load():
            load_chunk(g + (NB1 - 1) * NW, lax.rem(n + NB1 - 1, NB1))

        @pl.when(g < NCHT)
        def _work():
            pltpu.make_async_copy(
                tt_hbm.at[:, pl.ds(g * TCH, TCH)],
                tbuf.at[b, :, pl.ds(0, TCH)],
                lsem,
            ).wait()

            @pl.when(n >= NB1)
            def _wait_store():
                pltpu.make_async_copy(
                    obuf.at[b], out_hbm.at[pl.ds(0, TCH * EMBED_DIM)], ssem
                ).wait()

            bsplat = jnp.full((16,), b, jnp.int32)

            @plsc.parallel_loop(0, TCH, unroll=8)
            def _t(rr):
                cc = jnp.full((16,), rr, jnp.int32)
                for k in range(EMBED_DIM // 16):
                    vals = plsc.load_gather(tbuf, [bsplat, fvec[k], cc])
                    obuf[b, pl.ds(rr * EMBED_DIM + k * 16, 16)] = vals

            pltpu.async_copy(
                obuf.at[b],
                out_hbm.at[pl.ds(g * TCH * EMBED_DIM, TCH * EMBED_DIM)],
                ssem,
            )

        return carry

    lax.fori_loop(0, ITER1, step, 0)

    for _ in range(NB1):
        pltpu.make_async_copy(
            obuf.at[0], out_hbm.at[pl.ds(0, TCH * EMBED_DIM)], ssem
        ).wait()


@functools.partial(
    pl.kernel,
    out_type=jax.ShapeDtypeStruct((OUT_WORDS,), jnp.float32),
    mesh=_mesh,
    scratch_types=[
        pltpu.VMEM((PER_W,), jnp.int32),
        pltpu.VMEM((NB, 128), jnp.int32),
        pltpu.VMEM((NB, 128, EMBED_DIM), jnp.float32),
        pltpu.VMEM((NSB, 4 * 1024), jnp.float32),
        pltpu.SemaphoreType.DMA,
        pltpu.SemaphoreType.DMA,
    ],
    compiler_params=pltpu.CompilerParams(
        use_tc_tiling_on_sc=False, needs_layout_passes=False
    ),
)
def _gather_scale(x_hbm, t_hbm, out_hbm, idx_raw, bidx, gbuf, obuf, gsem, ssem):
    wid = lax.axis_index("s") * 2 + lax.axis_index("c")
    lane = lax.iota(jnp.int32, 16)
    lane26 = lane * NUM_COLS

    pltpu.sync_copy(x_hbm.at[pl.ds(wid * PER_W, PER_W)], idx_raw)

    def build_and_issue(n, slot):
        c = lax.shift_right_logical(n, 2)
        rb = lax.bitwise_and(n, 3)

        @plsc.parallel_loop(0, 8, unroll=8)
        def _b(t):
            base = (rb * 128 + t * 16) * NUM_COLS + c
            vals = plsc.load_gather(idx_raw, [lane26 + base])
            bidx[slot, pl.ds(t * 16, 16)] = vals

        pltpu.async_copy(t_hbm.at[bidx.at[slot]], gbuf.at[slot], gsem)

    for p in range(NB - 1):
        build_and_issue(jnp.int32(p), p)

    def step(n, carry):
        slot = lax.rem(n, NB)
        pslot = lax.rem(n + NB - 1, NB)
        sb = lax.rem(n, NSB)
        c = lax.shift_right_logical(n, 2)
        rb = lax.bitwise_and(n, 3)
        rbg = wid * 4 + rb

        @pl.when(n + NB - 1 < NBLK)
        def _lookahead():
            build_and_issue(n + NB - 1, pslot)

        @pl.when(n >= NSB)
        def _wait_store():
            pltpu.make_async_copy(
                obuf.at[sb], out_hbm.at[pl.ds(0, 4 * 1024)], ssem
            ).wait()

        pltpu.make_async_copy(
            t_hbm.at[bidx.at[slot]], gbuf.at[slot], gsem
        ).wait()

        slotv = jnp.full((16,), slot, jnp.int32)

        @plsc.parallel_loop(0, 8, unroll=4)
        def _t(m):
            rows = m * 16 + lane
            for f in range(EMBED_DIM):
                vals = plsc.load_gather(
                    gbuf, [slotv, rows, jnp.full((16,), f, jnp.int32)]
                )
                obuf[sb, pl.ds(f * 128 + m * 16, 16)] = vals * SCALE

        for fb in range(4):
            base = ((c * 4 + fb) * 128 + rbg) * 1024
            pltpu.async_copy(
                obuf.at[sb, pl.ds(fb * 1024, 1024)],
                out_hbm.at[pl.ds(base, 1024)],
                ssem,
            )
        return carry

    lax.fori_loop(0, NBLK, step, 0)

    for _ in range(NSB):
        pltpu.make_async_copy(
            obuf.at[0], out_hbm.at[pl.ds(0, 4 * 1024)], ssem
        ).wait()


@jax.jit
def kernel(x, table):
    tail = table[VMAIN:].reshape(-1)
    tflat = _transpose_table(table.T, tail)
    tlin = tflat.reshape(VOCAB, EMBED_DIM)
    oflat = _gather_scale(x.reshape(-1), tlin)
    out = oflat.reshape(NUM_COLS, 4, 128, 8, 128)
    return out.transpose(2, 4, 0, 1, 3).reshape(NUM_ROWS, NUM_COLS, EMBED_DIM)

# --- scband reference (transcript-rebuilt; emitter-appended) ---
"""Pipeline reference for scband-scaled-embedding-29953101922466 (READ-ONLY COPY).

The authoritative reference and input builder live on the scoring server;
editing this copy changes nothing except your own understanding.
"""

import jax, jax.numpy as jnp
import numpy as np

SCALE = 10.0
NUM_EMBEDDINGS = 1000000
EMBED_DIM = 32

def setup_inputs(seed: int = 0) -> dict:
    key = jax.random.key(seed)
    k1, k2 = jax.random.split(key)
    x = jax.random.randint(k1, (16384, 26), 0, NUM_EMBEDDINGS, dtype=jnp.int32)
    # nn.Embedding default init is N(0,1); module divides weights by scale at init
    table = jax.random.normal(k2, (NUM_EMBEDDINGS, EMBED_DIM), dtype=jnp.float32) / SCALE
    return {"x": x, "table": table}

def reference(x, table):
    # forward: embedding(x) * scale
    return jnp.take(table, x, axis=0) * SCALE

if __name__ == "__main__":
    import jax
    _d = setup_inputs()
    print(jax.jit(kernel)(*tuple(_d.values())))

</pallas_src>

<mosaic_0001>
#map = affine_map<(d0, d1) -> (0, 0)>
#map1 = affine_map<(d0, d1) -> (0)>
module attributes {stable_mosaic.version = 14 : i64} {
  func.func @_transpose_table(%arg0: i32, %arg1: i32, %arg2: memref<32x1000000xf32, #tpu.memory_space<hbm>>, %arg3: memref<2048xf32, #tpu.memory_space<hbm>>, %arg4: memref<32000000xf32, #tpu.memory_space<hbm>>, %arg5: memref<4x32x257xf32, #tpu.memory_space<vmem>>, %arg6: memref<4x8192xf32, #tpu.memory_space<vmem>>, %arg7: memref<2048xf32, #tpu.memory_space<vmem>>, %arg8: memref<!tpu.dma_semaphore, #tpu.memory_space<semaphore_mem>>, %arg9: memref<!tpu.dma_semaphore, #tpu.memory_space<semaphore_mem>>) attributes {dimension_semantics = [#tpu.dimension_semantics<core_parallel>, #tpu.dimension_semantics<subcore_parallel>], iteration_bounds = array<i64: 2, 16>, scalar_prefetch = 0 : i64, scratch_operands = 5 : i64, tpu.core_type = #tpu.core_type<sc_vector_subcore>, window_params = [{transform_indices = #map}, {transform_indices = #map1}, {transform_indices = #map1}]} {
    %mul3A = arith.constant 2 : i32
    %mul3A_0 = arith.muli %arg1, %mul3A : i32
    %add3A = arith.addi %mul3A_0, %arg0 : i32
    %iota3A = tpu.iota {dimensions = array<i32: 0>} : vector<16xi32>
    %add3A_1 = arith.constant 0 : i32
    %add3A_2 = vector.broadcast %add3A_1 : i32 to vector<16xi32>
    %add3A_3 = arith.addi %iota3A, %add3A_2 : vector<16xi32>
    %add3A_4 = arith.constant 16 : i32
    %add3A_5 = vector.broadcast %add3A_4 : i32 to vector<16xi32>
    %add3A_6 = arith.addi %iota3A, %add3A_5 : vector<16xi32>
    %eq3A = arith.constant 0 : i32
    %eq3A_7 = arith.cmpi eq, %add3A, %eq3A : i32
    %convert_element_type3A = arith.extui %eq3A_7 : i1 to i32
    %cond3A = arith.constant 0 : i32
    %cond3A_8 = arith.cmpi ne, %convert_element_type3A, %cond3A : i32
    scf.if %cond3A_8 {
      "tpu.region"() ({
        %run_scoped3A = tpu.sem_alloc : memref<!tpu.dma_semaphore, #tpu.memory_space<semaphore_mem>>
        tpu.enqueue_dma source(%arg3 : memref<2048xf32, #tpu.memory_space<hbm>>) target(%arg7 : memref<2048xf32, #tpu.memory_space<vmem>>) target_semaphore(%run_scoped3A : memref<!tpu.dma_semaphore, #tpu.memory_space<semaphore_mem>>)
        tpu.wait_dma2 semaphore(%run_scoped3A : memref<!tpu.dma_semaphore, #tpu.memory_space<semaphore_mem>>) src(%arg3 : memref<2048xf32, #tpu.memory_space<hbm>>) dst(%arg7 : memref<2048xf32, #tpu.memory_space<vmem>>)
        tpu.yield
      }) : () -> ()
      "tpu.region"() ({
        %run_scoped3A = tpu.sem_alloc : memref<!tpu.dma_semaphore, #tpu.memory_space<semaphore_mem>>
        %dma_start3A_129 = arith.constant 31997952 : i32
        %dma_start3A_130 = tpu.memref_slice %arg4[%dma_start3A_129] : memref<32000000xf32, #tpu.memory_space<hbm>> -> memref<2048xf32, #tpu.memory_space<hbm>>
        %dma_start3A_131 = arith.constant 31997952 : i32
        %dma_start3A_132 = tpu.memref_slice %arg4[%dma_start3A_131] : memref<32000000xf32, #tpu.memory_space<hbm>> -> memref<2048xf32, #tpu.memory_space<hbm>>
        tpu.enqueue_dma source(%arg7 : memref<2048xf32, #tpu.memory_space<vmem>>) target(%dma_start3A_132 : memref<2048xf32, #tpu.memory_space<hbm>>) target_semaphore(%run_scoped3A : memref<!tpu.dma_semaphore, #tpu.memory_space<semaphore_mem>>)
        %dma_wait3A_133 = arith.constant 31997952 : i32
        %dma_wait3A_134 = tpu.memref_slice %arg4[%dma_wait3A_133] : memref<32000000xf32, #tpu.memory_space<hbm>> -> memref<2048xf32, #tpu.memory_space<hbm>>
        %dma_wait3A_135 = arith.constant 31997952 : i32
        %dma_wait3A_136 = tpu.memref_slice %arg4[%dma_wait3A_135] : memref<32000000xf32, #tpu.memory_space<hbm>> -> memref<2048xf32, #tpu.memory_space<hbm>>
        tpu.wait_dma2 semaphore(%run_scoped3A : memref<!tpu.dma_semaphore, #tpu.memory_space<semaphore_mem>>) src(%arg7 : memref<2048xf32, #tpu.memory_space<vmem>>) dst(%dma_wait3A_136 : memref<2048xf32, #tpu.memory_space<hbm>>)
        tpu.yield
      }) : () -> ()
    } else {
    }
    %mul3A_9 = arith.constant 256 : i32
    %mul3A_10 = arith.muli %add3A, %mul3A_9 : i32
    %dma_start3A = arith.constant 0 : i32
    %dma_start3A_11 = arith.constant 0 : i32
    %dma_start3A_12 = arith.constant 0 : i32
    %dma_start3A_13 = tpu.memref_slice %arg5[%dma_start3A, %dma_start3A_11, %dma_start3A_12] : memref<4x32x257xf32, #tpu.memory_space<vmem>> -> memref<1x8x256xf32, #tpu.memory_space<vmem>>
    %dma_start3A_14 = tpu.memref_squeeze %dma_start3A_13 : memref<1x8x256xf32, #tpu.memory_space<vmem>> -> memref<8x256xf32, #tpu.memory_space<vmem>>
    %dma_start3A_15 = arith.constant 0 : i32
    %dma_start3A_16 = tpu.memref_slice %arg2[%dma_start3A_15, %mul3A_10] : memref<32x1000000xf32, #tpu.memory_space<hbm>> -> memref<8x256xf32, #tpu.memory_space<hbm>>
    %dma_start3A_17 = arith.constant 0 : i32
    %dma_start3A_18 = arith.constant 0 : i32
    %dma_start3A_19 = tpu.memref_slice %arg5[%dma_start3A, %dma_start3A_17, %dma_start3A_18] : memref<4x32x257xf32, #tpu.memory_space<vmem>> -> memref<1x8x256xf32, #tpu.memory_space<vmem>>
    %dma_start3A_20 = tpu.memref_squeeze %dma_start3A_19 : memref<1x8x256xf32, #tpu.memory_space<vmem>> -> memref<8x256xf32, #tpu.memory_space<vmem>>
    %dma_start3A_21 = arith.constant 0 : i32
    %dma_start3A_22 = tpu.memref_slice %arg2[%dma_start3A_21, %mul3A_10] : memref<32x1000000xf32, #tpu.memory_space<hbm>> -> memref<8x256xf32, #tpu.memory_space<hbm>>
    tpu.enqueue_dma source(%dma_start3A_22 : memref<8x256xf32, #tpu.memory_space<hbm>>) target(%dma_start3A_20 : memref<8x256xf32, #tpu.memory_space<vmem>>) target_semaphore(%arg8 : memref<!tpu.dma_semaphore, #tpu.memory_space<semaphore_mem>>)
    %mul3A_23 = arith.constant 256 : i32
    %mul3A_24 = arith.muli %add3A, %mul3A_23 : i32
    %dma_start3A_25 = arith.constant 0 : i32
    %dma_start3A_26 = arith.constant 8 : i32
    %dma_start3A_27 = arith.constant 0 : i32
    %dma_start3A_28 = tpu.memref_slice %arg5[%dma_start3A_25, %dma_start3A_26, %dma_start3A_27] : memref<4x32x257xf32, #tpu.memory_space<vmem>> -> memref<1x8x256xf32, #tpu.memory_space<vmem>>
    %dma_start3A_29 = tpu.memref_squeeze %dma_start3A_28 : memref<1x8x256xf32, #tpu.memory_space<vmem>> -> memref<8x256xf32, #tpu.memory_space<vmem>>
    %dma_start3A_30 = arith.constant 8 : i32
    %dma_start3A_31 = tpu.memref_slice %arg2[%dma_start3A_30, %mul3A_24] : memref<32x1000000xf32, #tpu.memory_space<hbm>> -> memref<8x256xf32, #tpu.memory_space<hbm>>
    %dma_start3A_32 = arith.constant 8 : i32
    %dma_start3A_33 = arith.constant 0 : i32
    %dma_start3A_34 = tpu.memref_slice %arg5[%dma_start3A_25, %dma_start3A_32, %dma_start3A_33] : memref<4x32x257xf32, #tpu.memory_space<vmem>> -> memref<1x8x256xf32, #tpu.memory_space<vmem>>
    %dma_start3A_35 = tpu.memref_squeeze %dma_start3A_34 : memref<1x8x256xf32, #tpu.memory_space<vmem>> -> memref<8x256xf32, #tpu.memory_space<vmem>>
    %dma_start3A_36 = arith.constant 8 : i32
    %dma_start3A_37 = tpu.memref_slice %arg2[%dma_start3A_36, %mul3A_24] : memref<32x1000000xf32, #tpu.memory_space<hbm>> -> memref<8x256xf32, #tpu.memory_space<hbm>>
    tpu.enqueue_dma source(%dma_start3A_37 : memref<8x256xf32, #tpu.memory_space<hbm>>) target(%dma_start3A_35 : memref<8x256xf32, #tpu.memory_space<vmem>>) target_semaphore(%arg8 : memref<!tpu.dma_semaphore, #tpu.memory_space<semaphore_mem>>)
    %mul3A_38 = arith.constant 256 : i32
    %mul3A_39 = arith.muli %add3A, %mul3A_38 : i32
    %dma_start3A_40 = arith.constant 0 : i32
    %dma_start3A_41 = arith.constant 16 : i32
    %dma_start3A_42 = arith.constant 0 : i32
    %dma_start3A_43 = tpu.memref_slice %arg5[%dma_start3A_40, %dma_start3A_41, %dma_start3A_42] : memref<4x32x257xf32, #tpu.memory_space<vmem>> -> memref<1x8x256xf32, #tpu.memory_space<vmem>>
    %dma_start3A_44 = tpu.memref_squeeze %dma_start3A_43 : memref<1x8x256xf32, #tpu.memory_space<vmem>> -> memref<8x256xf32, #tpu.memory_space<vmem>>
    %dma_start3A_45 = arith.constant 16 : i32
    %dma_start3A_46 = tpu.memref_slice %arg2[%dma_start3A_45, %mul3A_39] : memref<32x1000000xf32, #tpu.memory_space<hbm>> -> memref<8x256xf32, #tpu.memory_space<hbm>>
    %dma_start3A_47 = arith.constant 16 : i32
    %dma_start3A_48 = arith.constant 0 : i32
    %dma_start3A_49 = tpu.memref_slice %arg5[%dma_start3A_40, %dma_start3A_47, %dma_start3A_48] : memref<4x32x257xf32, #tpu.memory_space<vmem>> -> memref<1x8x256xf32, #tpu.memory_space<vmem>>
    %dma_start3A_50 = tpu.memref_squeeze %dma_start3A_49 : memref<1x8x256xf32, #tpu.memory_space<vmem>> -> memref<8x256xf32, #tpu.memory_space<vmem>>
    %dma_start3A_51 = arith.constant 16 : i32
    %dma_start3A_52 = tpu.memref_slice %arg2[%dma_start3A_51, %mul3A_39] : memref<32x1000000xf32, #tpu.memory_space<hbm>> -> memref<8x256xf32, #tpu.memory_space<hbm>>
    tpu.enqueue_dma source(%dma_start3A_52 : memref<8x256xf32, #tpu.memory_space<hbm>>) target(%dma_start3A_50 : memref<8x256xf32, #tpu.memory_space<vmem>>) target_semaphore(%arg8 : memref<!tpu.dma_semaphore, #tpu.memory_space<semaphore_mem>>)
    %mul3A_53 = arith.constant 256 : i32
    %mul3A_54 = arith.muli %add3A, %mul3A_53 : i32
    %dma_start3A_55 = arith.constant 0 : i32
    %dma_start3A_56 = arith.constant 24 : i32
    %dma_start3A_57 = arith.constant 0 : i32
    %dma_start3A_58 = tpu.memref_slice %arg5[%dma_start3A_55, %dma_start3A_56, %dma_start3A_57] : memref<4x32x257xf32, #tpu.memory_space<vmem>> -> memref<1x8x256xf32, #tpu.memory_space<vmem>>
    %dma_start3A_59 = tpu.memref_squeeze %dma_start3A_58 : memref<1x8x256xf32, #tpu.memory_space<vmem>> -> memref<8x256xf32, #tpu.memory_space<vmem>>
    %dma_start3A_60 = arith.constant 24 : i32
    %dma_start3A_61 = tpu.memref_slice %arg2[%dma_start3A_60, %mul3A_54] : memref<32x1000000xf32, #tpu.memory_space<hbm>> -> memref<8x256xf32, #tpu.memory_space<hbm>>
    %dma_start3A_62 = arith.constant 24 : i32
    %dma_start3A_63 = arith.constant 0 : i32
    %dma_start3A_64 = tpu.memref_slice %arg5[%dma_start3A_55, %dma_start3A_62, %dma_start3A_63] : memref<4x32x257xf32, #tpu.memory_space<vmem>> -> memref<1x8x256xf32, #tpu.memory_space<vmem>>
    %dma_start3A_65 = tpu.memref_squeeze %dma_start3A_64 : memref<1x8x256xf32, #tpu.memory_space<vmem>> -> memref<8x256xf32, #tpu.memory_space<vmem>>
    %dma_start3A_66 = arith.constant 24 : i32
    %dma_start3A_67 = tpu.memref_slice %arg2[%dma_start3A_66, %mul3A_54] : memref<32x1000000xf32, #tpu.memory_space<hbm>> -> memref<8x256xf32, #tpu.memory_space<hbm>>
    tpu.enqueue_dma source(%dma_start3A_67 : memref<8x256xf32, #tpu.memory_space<hbm>>) target(%dma_start3A_65 : memref<8x256xf32, #tpu.memory_space<vmem>>) target_semaphore(%arg8 : memref<!tpu.dma_semaphore, #tpu.memory_space<semaphore_mem>>)
    %add3A_68 = arith.constant 32 : i32
    %add3A_69 = arith.addi %add3A_68, %add3A : i32
    %lt3A = arith.constant 3906 : i32
    %lt3A_70 = arith.cmpi slt, %add3A_69, %lt3A : i32
    %convert_element_type3A_71 = arith.extui %lt3A_70 : i1 to i32
    %cond3A_72 = arith.constant 0 : i32
    %cond3A_73 = arith.cmpi ne, %convert_element_type3A_71, %cond3A_72 : i32
    scf.if %cond3A_73 {
      %add3A_129 = arith.constant 32 : i32
      %add3A_130 = arith.addi %add3A_129, %add3A : i32
      %mul3A_131 = arith.constant 256 : i32
      %mul3A_132 = arith.muli %add3A_130, %mul3A_131 : i32
      %dma_start3A_133 = arith.constant 1 : i32
      %dma_start3A_134 = arith.constant 0 : i32
      %dma_start3A_135 = arith.constant 0 : i32
      %dma_start3A_136 = tpu.memref_slice %arg5[%dma_start3A_133, %dma_start3A_134, %dma_start3A_135] : memref<4x32x257xf32, #tpu.memory_space<vmem>> -> memref<1x8x256xf32, #tpu.memory_space<vmem>>
      %dma_start3A_137 = tpu.memref_squeeze %dma_start3A_136 : memref<1x8x256xf32, #tpu.memory_space<vmem>> -> memref<8x256xf32, #tpu.memory_space<vmem>>
      %dma_start3A_138 = arith.constant 0 : i32
      %dma_start3A_139 = tpu.memref_slice %arg2[%dma_start3A_138, %mul3A_132] : memref<32x1000000xf32, #tpu.memory_space<hbm>> -> memref<8x256xf32, #tpu.memory_space<hbm>>
      %dma_start3A_140 = arith.constant 0 : i32
      %dma_start3A_141 = arith.constant 0 : i32
      %dma_start3A_142 = tpu.memref_slice %arg5[%dma_start3A_133, %dma_start3A_140, %dma_start3A_141] : memref<4x32x257xf32, #tpu.memory_space<vmem>> -> memref<1x8x256xf32, #tpu.memory_space<vmem>>
      %dma_start3A_143 = tpu.memref_squeeze %dma_start3A_142 : memref<1x8x256xf32, #tpu.memory_space<vmem>> -> memref<8x256xf32, #tpu.memory_space<vmem>>
      %dma_start3A_144 = arith.constant 0 : i32
      %dma_start3A_145 = tpu.memref_slice %arg2[%dma_start3A_144, %mul3A_132] : memref<32x1000000xf32, #tpu.memory_space<hbm>> -> memref<8x256xf32, #tpu.memory_space<hbm>>
      tpu.enqueue_dma source(%dma_start3A_145 : memref<8x256xf32, #tpu.memory_space<hbm>>) target(%dma_start3A_143 : memref<8x256xf32, #tpu.memory_space<vmem>>) target_semaphore(%arg8 : memref<!tpu.dma_semaphore, #tpu.memory_space<semaphore_mem>>)
      %mul3A_146 = arith.constant 256 : i32
      %mul3A_147 = arith.muli %add3A_130, %mul3A_146 : i32
      %dma_start3A_148 = arith.constant 1 : i32
      %dma_start3A_149 = arith.constant 8 : i32
      %dma_start3A_150 = arith.constant 0 : i32
      %dma_start3A_151 = tpu.memref_slice %arg5[%dma_start3A_148, %dma_start3A_149, %dma_start3A_150] : memref<4x32x257xf32, #tpu.memory_space<vmem>> -> memref<1x8x256xf32, #tpu.memory_space<vmem>>
      %dma_start3A_152 = tpu.memref_squeeze %dma_start3A_151 : memref<1x8x256xf32, #tpu.memory_space<vmem>> -> memref<8x256xf32, #tpu.memory_space<vmem>>
      %dma_start3A_153 = arith.constant 8 : i32
      %dma_start3A_154 = tpu.memref_slice %arg2[%dma_start3A_153, %mul3A_147] : memref<32x1000000xf32, #tpu.memory_space<hbm>> -> memref<8x256xf32, #tpu.memory_space<hbm>>
      %dma_start3A_155 = arith.constant 8 : i32
      %dma_start3A_156 = arith.constant 0 : i32
      %dma_start3A_157 = tpu.memref_slice %arg5[%dma_start3A_148, %dma_start3A_155, %dma_start3A_156] : memref<4x32x257xf32, #tpu.memory_space<vmem>> -> memref<1x8x256xf32, #tpu.memory_space<vmem>>
      %dma_start3A_158 = tpu.memref_squeeze %dma_start3A_157 : memref<1x8x256xf32, #tpu.memory_space<vmem>> -> memref<8x256xf32, #tpu.memory_space<vmem>>
      %dma_start3A_159 = arith.constant 8 : i32
      %dma_start3A_160 = tpu.memref_slice %arg2[%dma_start3A_159, %mul3A_147] : memref<32x1000000xf32, #tpu.memory_space<hbm>> -> memref<8x256xf32, #tpu.memory_space<hbm>>
      tpu.enqueue_dma source(%dma_start3A_160 : memref<8x256xf32, #tpu.memory_space<hbm>>) target(%dma_start3A_158 : memref<8x256xf32, #tpu.memory_space<vmem>>) target_semaphore(%arg8 : memref<!tpu.dma_semaphore, #tpu.memory_space<semaphore_mem>>)
      %mul3A_161 = arith.constant 256 : i32
      %mul3A_162 = arith.muli %add3A_130, %mul3A_161 : i32
      %dma_start3A_163 = arith.constant 1 : i32
      %dma_start3A_164 = arith.constant 16 : i32
      %dma_start3A_165 = arith.constant 0 : i32
      %dma_start3A_166 = tpu.memref_slice %arg5[%dma_start3A_163, %dma_start3A_164, %dma_start3A_165] : memref<4x32x257xf32, #tpu.memory_space<vmem>> -> memref<1x8x256xf32, #tpu.memory_space<vmem>>
      %dma_start3A_167 = tpu.memref_squeeze %dma_start3A_166 : memref<1x8x256xf32, #tpu.memory_space<vmem>> -> memref<8x256xf32, #tpu.memory_space<vmem>>
      %dma_start3A_168 = arith.constant 16 : i32
      %dma_start3A_169 = tpu.memref_slice %arg2[%dma_start3A_168, %mul3A_162] : memref<32x1000000xf32, #tpu.memory_space<hbm>> -> memref<8x256xf32, #tpu.memory_space<hbm>>
      %dma_start3A_170 = arith.constant 16 : i32
      %dma_start3A_171 = arith.constant 0 : i32
      %dma_start3A_172 = tpu.memref_slice %arg5[%dma_start3A_163, %dma_start3A_170, %dma_start3A_171] : memref<4x32x257xf32, #tpu.memory_space<vmem>> -> memref<1x8x256xf32, #tpu.memory_space<vmem>>
      %dma_start3A_173 = tpu.memref_squeeze %dma_start3A_172 : memref<1x8x256xf32, #tpu.memory_space<vmem>> -> memref<8x256xf32, #tpu.memory_space<vmem>>
      %dma_start3A_174 = arith.constant 16 : i32
      %dma_start3A_175 = tpu.memref_slice %arg2[%dma_start3A_174, %mul3A_162] : memref<32x1000000xf32, #tpu.memory_space<hbm>> -> memref<8x256xf32, #tpu.memory_space<hbm>>
      tpu.enqueue_dma source(%dma_start3A_175 : memref<8x256xf32, #tpu.memory_space<hbm>>) target(%dma_start3A_173 : memref<8x256xf32, #tpu.memory_space<vmem>>) target_semaphore(%arg8 : memref<!tpu.dma_semaphore, #tpu.memory_space<semaphore_mem>>)
      %mul3A_176 = arith.constant 256 : i32
      %mul3A_177 = arith.muli %add3A_130, %mul3A_176 : i32
      %dma_start3A_178 = arith.constant 1 : i32
      %dma_start3A_179 = arith.constant 24 : i32
      %dma_start3A_180 = arith.constant 0 : i32
      %dma_start3A_181 = tpu.memref_slice %arg5[%dma_start3A_178, %dma_start3A_179, %dma_start3A_180] : memref<4x32x257xf32, #tpu.memory_space<vmem>> -> memref<1x8x256xf32, #tpu.memory_space<vmem>>
      %dma_start3A_182 = tpu.memref_squeeze %dma_start3A_181 : memref<1x8x256xf32, #tpu.memory_space<vmem>> -> memref<8x256xf32, #tpu.memory_space<vmem>>
      %dma_start3A_183 = arith.constant 24 : i32
      %dma_start3A_184 = tpu.memref_slice %arg2[%dma_start3A_183, %mul3A_177] : memref<32x1000000xf32, #tpu.memory_space<hbm>> -> memref<8x256xf32, #tpu.memory_space<hbm>>
      %dma_start3A_185 = arith.constant 24 : i32
      %dma_start3A_186 = arith.constant 0 : i32
      %dma_start3A_187 = tpu.memref_slice %arg5[%dma_start3A_178, %dma_start3A_185, %dma_start3A_186] : memref<4x32x257xf32, #tpu.memory_space<vmem>> -> memref<1x8x256xf32, #tpu.memory_space<vmem>>
      %dma_start3A_188 = tpu.memref_squeeze %dma_start3A_187 : memref<1x8x256xf32, #tpu.memory_space<vmem>> -> memref<8x256xf32, #tpu.memory_space<vmem>>
      %dma_start3A_189 = arith.constant 24 : i32
      %dma_start3A_190 = tpu.memref_slice %arg2[%dma_start3A_189, %mul3A_177] : memref<32x1000000xf32, #tpu.memory_space<hbm>> -> memref<8x256xf32, #tpu.memory_space<hbm>>
      tpu.enqueue_dma source(%dma_start3A_190 : memref<8x256xf32, #tpu.memory_space<hbm>>) target(%dma_start3A_188 : memref<8x256xf32, #tpu.memory_space<vmem>>) target_semaphore(%arg8 : memref<!tpu.dma_semaphore, #tpu.memory_space<semaphore_mem>>)
    } else {
    }
    %add3A_74 = arith.constant 64 : i32
    %add3A_75 = arith.addi %add3A_74, %add3A : i32
    %lt3A_76 = arith.constant 3906 : i32
    %lt3A_77 = arith.cmpi slt, %add3A_75, %lt3A_76 : i32
    %convert_element_type3A_78 = arith.extui %lt3A_77 : i1 to i32
    %cond3A_79 = arith.constant 0 : i32
    %cond3A_80 = arith.cmpi ne, %convert_element_type3A_78, %cond3A_79 : i32
    scf.if %cond3A_80 {
      %add3A_129 = arith.constant 64 : i32
      %add3A_130 = arith.addi %add3A_129, %add3A : i32
      %mul3A_131 = arith.constant 256 : i32
      %mul3A_132 = arith.muli %add3A_130, %mul3A_131 : i32
      %dma_start3A_133 = arith.constant 2 : i32
      %dma_start3A_134 = arith.constant 0 : i32
      %dma_start3A_135 = arith.constant 0 : i32
      %dma_start3A_136 = tpu.memref_slice %arg5[%dma_start3A_133, %dma_start3A_134, %dma_start3A_135] : memref<4x32x257xf32, #tpu.memory_space<vmem>> -> memref<1x8x256xf32, #tpu.memory_space<vmem>>
      %dma_start3A_137 = tpu.memref_squeeze %dma_start3A_136 : memref<1x8x256xf32, #tpu.memory_space<vmem>> -> memref<8x256xf32, #tpu.memory_space<vmem>>
      %dma_start3A_138 = arith.constant 0 : i32
      %dma_start3A_139 = tpu.memref_slice %arg2[%dma_start3A_138, %mul3A_132] : memref<32x1000000xf32, #tpu.memory_space<hbm>> -> memref<8x256xf32, #tpu.memory_space<hbm>>
      %dma_start3A_140 = arith.constant 0 : i32
      %dma_start3A_141 = arith.constant 0 : i32
      %dma_start3A_142 = tpu.memref_slice %arg5[%dma_start3A_133, %dma_start3A_140, %dma_start3A_141] : memref<4x32x257xf32, #tpu.memory_space<vmem>> -> memref<1x8x256xf32, #tpu.memory_space<vmem>>
      %dma_start3A_143 = tpu.memref_squeeze %dma_start3A_142 : memref<1x8x256xf32, #tpu.memory_space<vmem>> -> memref<8x256xf32, #tpu.memory_space<vmem>>
      %dma_start3A_144 = arith.constant 0 : i32
      %dma_start3A_145 = tpu.memref_slice %arg2[%dma_start3A_144, %mul3A_132] : memref<32x1000000xf32, #tpu.memory_space<hbm>> -> memref<8x256xf32, #tpu.memory_space<hbm>>
      tpu.enqueue_dma source(%dma_start3A_145 : memref<8x256xf32, #tpu.memory_space<hbm>>) target(%dma_start3A_143 : memref<8x256xf32, #tpu.memory_space<vmem>>) target_semaphore(%arg8 : memref<!tpu.dma_semaphore, #tpu.memory_space<semaphore_mem>>)
      %mul3A_146 = arith.constant 256 : i32
      %mul3A_147 = arith.muli %add3A_130, %mul3A_146 : i32
      %dma_start3A_148 = arith.constant 2 : i32
      %dma_start3A_149 = arith.constant 8 : i32
      %dma_start3A_150 = arith.constant 0 : i32
      %dma_start3A_151 = tpu.memref_slice %arg5[%dma_start3A_148, %dma_start3A_149, %dma_start3A_150] : memref<4x32x257xf32, #tpu.memory_space<vmem>> -> memref<1x8x256xf32, #tpu.memory_space<vmem>>
      %dma_start3A_152 = tpu.memref_squeeze %dma_start3A_151 : memref<1x8x256xf32, #tpu.memory_space<vmem>> -> memref<8x256xf32, #tpu.memory_space<vmem>>
      %dma_start3A_153 = arith.constant 8 : i32
      %dma_start3A_154 = tpu.memref_slice %arg2[%dma_start3A_153, %mul3A_147] : memref<32x1000000xf32, #tpu.memory_space<hbm>> -> memref<8x256xf32, #tpu.memory_space<hbm>>
      %dma_start3A_155 = arith.constant 8 : i32
      %dma_start3A_156 = arith.constant 0 : i32
      %dma_start3A_157 = tpu.memref_slice %arg5[%dma_start3A_148, %dma_start3A_155, %dma_start3A_156] : memref<4x32x257xf32, #tpu.memory_space<vmem>> -> memref<1x8x256xf32, #tpu.memory_space<vmem>>
      %dma_start3A_158 = tpu.memref_squeeze %dma_start3A_157 : memref<1x8x256xf32, #tpu.memory_space<vmem>> -> memref<8x256xf32, #tpu.memory_space<vmem>>
      %dma_start3A_159 = arith.constant 8 : i32
      %dma_start3A_160 = tpu.memref_slice %arg2[%dma_start3A_159, %mul3A_147] : memref<32x1000000xf32, #tpu.memory_space<hbm>> -> memref<8x256xf32, #tpu.memory_space<hbm>>
      tpu.enqueue_dma source(%dma_start3A_160 : memref<8x256xf32, #tpu.memory_space<hbm>>) target(%dma_start3A_158 : memref<8x256xf32, #tpu.memory_space<vmem>>) target_semaphore(%arg8 : memref<!tpu.dma_semaphore, #tpu.memory_space<semaphore_mem>>)
      %mul3A_161 = arith.constant 256 : i32
      %mul3A_162 = arith.muli %add3A_130, %mul3A_161 : i32
      %dma_start3A_163 = arith.constant 2 : i32
      %dma_start3A_164 = arith.constant 16 : i32
      %dma_start3A_165 = arith.constant 0 : i32
      %dma_start3A_166 = tpu.memref_slice %arg5[%dma_start3A_163, %dma_start3A_164, %dma_start3A_165] : memref<4x32x257xf32, #tpu.memory_space<vmem>> -> memref<1x8x256xf32, #tpu.memory_space<vmem>>
      %dma_start3A_167 = tpu.memref_squeeze %dma_start3A_166 : memref<1x8x256xf32, #tpu.memory_space<vmem>> -> memref<8x256xf32, #tpu.memory_space<vmem>>
      %dma_start3A_168 = arith.constant 16 : i32
      %dma_start3A_169 = tpu.memref_slice %arg2[%dma_start3A_168, %mul3A_162] : memref<32x1000000xf32, #tpu.memory_space<hbm>> -> memref<8x256xf32, #tpu.memory_space<hbm>>
      %dma_start3A_170 = arith.constant 16 : i32
      %dma_start3A_171 = arith.constant 0 : i32
      %dma_start3A_172 = tpu.memref_slice %arg5[%dma_start3A_163, %dma_start3A_170, %dma_start3A_171] : memref<4x32x257xf32, #tpu.memory_space<vmem>> -> memref<1x8x256xf32, #tpu.memory_space<vmem>>
      %dma_start3A_173 = tpu.memref_squeeze %dma_start3A_172 : memref<1x8x256xf32, #tpu.memory_space<vmem>> -> memref<8x256xf32, #tpu.memory_space<vmem>>
      %dma_start3A_174 = arith.constant 16 : i32
      %dma_start3A_175 = tpu.memref_slice %arg2[%dma_start3A_174, %mul3A_162] : memref<32x1000000xf32, #tpu.memory_space<hbm>> -> memref<8x256xf32, #tpu.memory_space<hbm>>
      tpu.enqueue_dma source(%dma_start3A_175 : memref<8x256xf32, #tpu.memory_space<hbm>>) target(%dma_start3A_173 : memref<8x256xf32, #tpu.memory_space<vmem>>) target_semaphore(%arg8 : memref<!tpu.dma_semaphore, #tpu.memory_space<semaphore_mem>>)
      %mul3A_176 = arith.constant 256 : i32
      %mul3A_177 = arith.muli %add3A_130, %mul3A_176 : i32
      %dma_start3A_178 = arith.constant 2 : i32
      %dma_start3A_179 = arith.constant 24 : i32
      %dma_start3A_180 = arith.constant 0 : i32
      %dma_start3A_181 = tpu.memref_slice %arg5[%dma_start3A_178, %dma_start3A_179, %dma_start3A_180] : memref<4x32x257xf32, #tpu.memory_space<vmem>> -> memref<1x8x256xf32, #tpu.memory_space<vmem>>
      %dma_start3A_182 = tpu.memref_squeeze %dma_start3A_181 : memref<1x8x256xf32, #tpu.memory_space<vmem>> -> memref<8x256xf32, #tpu.memory_space<vmem>>
      %dma_start3A_183 = arith.constant 24 : i32
      %dma_start3A_184 = tpu.memref_slice %arg2[%dma_start3A_183, %mul3A_177] : memref<32x1000000xf32, #tpu.memory_space<hbm>> -> memref<8x256xf32, #tpu.memory_space<hbm>>
      %dma_start3A_185 = arith.constant 24 : i32
      %dma_start3A_186 = arith.constant 0 : i32
      %dma_start3A_187 = tpu.memref_slice %arg5[%dma_start3A_178, %dma_start3A_185, %dma_start3A_186] : memref<4x32x257xf32, #tpu.memory_space<vmem>> -> memref<1x8x256xf32, #tpu.memory_space<vmem>>
      %dma_start3A_188 = tpu.memref_squeeze %dma_start3A_187 : memref<1x8x256xf32, #tpu.memory_space<vmem>> -> memref<8x256xf32, #tpu.memory_space<vmem>>
      %dma_start3A_189 = arith.constant 24 : i32
      %dma_start3A_190 = tpu.memref_slice %arg2[%dma_start3A_189, %mul3A_177] : memref<32x1000000xf32, #tpu.memory_space<hbm>> -> memref<8x256xf32, #tpu.memory_space<hbm>>
      tpu.enqueue_dma source(%dma_start3A_190 : memref<8x256xf32, #tpu.memory_space<hbm>>) target(%dma_start3A_188 : memref<8x256xf32, #tpu.memory_space<vmem>>) target_semaphore(%arg8 : memref<!tpu.dma_semaphore, #tpu.memory_space<semaphore_mem>>)
    } else {
    }
    %scan3A = arith.constant 0 : i32
    %scan3A_81 = arith.constant 0 : i32
    %scan3A_82 = arith.constant 123 : i32
    %scan3A_83 = arith.addi %scan3A_81, %scan3A_82 : i32
    %scan3A_84 = arith.constant 1 : i32
    scf.for %scan3A_129 = %scan3A_81 to %scan3A_83 step %scan3A_84  : i32 {
      %rem3A = arith.constant 4 : i32
      %rem3A_130 = arith.remsi %scan3A_129, %rem3A : i32
      %mul3A_131 = arith.constant 32 : i32
      %mul3A_132 = arith.muli %scan3A_129, %mul3A_131 : i32
      %add3A_133 = arith.addi %mul3A_132, %add3A : i32
      %add3A_134 = arith.constant 96 : i32
      %add3A_135 = arith.addi %add3A_133, %add3A_134 : i32
      %lt3A_136 = arith.constant 3906 : i32
      %lt3A_137 = arith.cmpi slt, %add3A_135, %lt3A_136 : i32
      %convert_element_type3A_138 = arith.extui %lt3A_137 : i1 to i32
      %cond3A_139 = arith.constant 0 : i32
      %cond3A_140 = arith.cmpi ne, %convert_element_type3A_138, %cond3A_139 : i32
      scf.if %cond3A_140 {
        %add3A_146 = arith.constant 96 : i32
        %add3A_147 = arith.addi %add3A_133, %add3A_146 : i32
        %add3A_148 = arith.constant 4 : i32
        %add3A_149 = arith.addi %scan3A_129, %add3A_148 : i32
        %sub3A = arith.constant 1 : i32
        %sub3A_150 = arith.subi %add3A_149, %sub3A : i32
        %rem3A_151 = arith.constant 4 : i32
        %rem3A_152 = arith.remsi %sub3A_150, %rem3A_151 : i32
        %mul3A_153 = arith.constant 256 : i32
        %mul3A_154 = arith.muli %add3A_147, %mul3A_153 : i32
        %dma_start3A_155 = arith.constant 0 : i32
        %dma_start3A_156 = arith.constant 0 : i32
        %dma_start3A_157 = tpu.memref_slice %arg5[%rem3A_152, %dma_start3A_155, %dma_start3A_156] : memref<4x32x257xf32, #tpu.memory_space<vmem>> -> memref<1x8x256xf32, #tpu.memory_space<vmem>>
        %dma_start3A_158 = tpu.memref_squeeze %dma_start3A_157 : memref<1x8x256xf32, #tpu.memory_space<vmem>> -> memref<8x256xf32, #tpu.memory_space<vmem>>
        %dma_start3A_159 = arith.constant 0 : i32
        %dma_start3A_160 = tpu.memref_slice %arg2[%dma_start3A_159, %mul3A_154] : memref<32x1000000xf32, #tpu.memory_space<hbm>> -> memref<8x256xf32, #tpu.memory_space<hbm>>
        %dma_start3A_161 = arith.constant 0 : i32
        %dma_start3A_162 = arith.constant 0 : i32
        %dma_start3A_163 = tpu.memref_slice %arg5[%rem3A_152, %dma_start3A_161, %dma_start3A_162] : memref<4x32x257xf32, #tpu.memory_space<vmem>> -> memref<1x8x256xf32, #tpu.memory_space<vmem>>
        %dma_start3A_164 = tpu.memref_squeeze %dma_start3A_163 : memref<1x8x256xf32, #tpu.memory_space<vmem>> -> memref<8x256xf32, #tpu.memory_space<vmem>>
        %dma_start3A_165 = arith.constant 0 : i32
        %dma_start3A_166 = tpu.memref_slice %arg2[%dma_start3A_165, %mul3A_154] : memref<32x1000000xf32, #tpu.memory_space<hbm>> -> memref<8x256xf32, #tpu.memory_space<hbm>>
        tpu.enqueue_dma source(%dma_start3A_166 : memref<8x256xf32, #tpu.memory_space<hbm>>) target(%dma_start3A_164 : memref<8x256xf32, #tpu.memory_space<vmem>>) target_semaphore(%arg8 : memref<!tpu.dma_semaphore, #tpu.memory_space<semaphore_mem>>)
        %mul3A_167 = arith.constant 256 : i32
        %mul3A_168 = arith.muli %add3A_147, %mul3A_167 : i32
        %dma_start3A_169 = arith.constant 8 : i32
        %dma_start3A_170 = arith.constant 0 : i32
        %dma_start3A_171 = tpu.memref_slice %arg5[%rem3A_152, %dma_start3A_169, %dma_start3A_170] : memref<4x32x257xf32, #tpu.memory_space<vmem>> -> memref<1x8x256xf32, #tpu.memory_space<vmem>>
        %dma_start3A_172 = tpu.memref_squeeze %dma_start3A_171 : memref<1x8x256xf32, #tpu.memory_space<vmem>> -> memref<8x256xf32, #tpu.memory_space<vmem>>
        %dma_start3A_173 = arith.constant 8 : i32
        %dma_start3A_174 = tpu.memref_slice %arg2[%dma_start3A_173, %mul3A_168] : memref<32x1000000xf32, #tpu.memory_space<hbm>> -> memref<8x256xf32, #tpu.memory_space<hbm>>
        %dma_start3A_175 = arith.constant 8 : i32
        %dma_start3A_176 = arith.constant 0 : i32
        %dma_start3A_177 = tpu.memref_slice %arg5[%rem3A_152, %dma_start3A_175, %dma_start3A_176] : memref<4x32x257xf32, #tpu.memory_space<vmem>> -> memref<1x8x256xf32, #tpu.memory_space<vmem>>
        %dma_start3A_178 = tpu.memref_squeeze %dma_start3A_177 : memref<1x8x256xf32, #tpu.memory_space<vmem>> -> memref<8x256xf32, #tpu.memory_space<vmem>>
        %dma_start3A_179 = arith.constant 8 : i32
        %dma_start3A_180 = tpu.memref_slice %arg2[%dma_start3A_179, %mul3A_168] : memref<32x1000000xf32, #tpu.memory_space<hbm>> -> memref<8x256xf32, #tpu.memory_space<hbm>>
        tpu.enqueue_dma source(%dma_start3A_180 : memref<8x256xf32, #tpu.memory_space<hbm>>) target(%dma_start3A_178 : memref<8x256xf32, #tpu.memory_space<vmem>>) target_semaphore(%arg8 : memref<!tpu.dma_semaphore, #tpu.memory_space<semaphore_mem>>)
        %mul3A_181 = arith.constant 256 : i32
        %mul3A_182 = arith.muli %add3A_147, %mul3A_181 : i32
        %dma_start3A_183 = arith.constant 16 : i32
        %dma_start3A_184 = arith.constant 0 : i32
        %dma_start3A_185 = tpu.memref_slice %arg5[%rem3A_152, %dma_start3A_183, %dma_start3A_184] : memref<4x32x257xf32, #tpu.memory_space<vmem>> -> memref<1x8x256xf32, #tpu.memory_space<vmem>>
        %dma_start3A_186 = tpu.memref_squeeze %dma_start3A_185 : memref<1x8x256xf32, #tpu.memory_space<vmem>> -> memref<8x256xf32, #tpu.memory_space<vmem>>
        %dma_start3A_187 = arith.constant 16 : i32
        %dma_start3A_188 = tpu.memref_slice %arg2[%dma_start3A_187, %mul3A_182] : memref<32x1000000xf32, #tpu.memory_space<hbm>> -> memref<8x256xf32, #tpu.memory_space<hbm>>
        %dma_start3A_189 = arith.constant 16 : i32
        %dma_start3A_190 = arith.constant 0 : i32
        %dma_start3A_191 = tpu.memref_slice %arg5[%rem3A_152, %dma_start3A_189, %dma_start3A_190] : memref<4x32x257xf32, #tpu.memory_space<vmem>> -> memref<1x8x256xf32, #tpu.memory_space<vmem>>
        %dma_start3A_192 = tpu.memref_squeeze %dma_start3A_191 : memref<1x8x256xf32, #tpu.memory_space<vmem>> -> memref<8x256xf32, #tpu.memory_space<vmem>>
        %dma_start3A_193 = arith.constant 16 : i32
        %dma_start3A_194 = tpu.memref_slice %arg2[%dma_start3A_193, %mul3A_182] : memref<32x1000000xf32, #tpu.memory_space<hbm>> -> memref<8x256xf32, #tpu.memory_space<hbm>>
        tpu.enqueue_dma source(%dma_start3A_194 : memref<8x256xf32, #tpu.memory_space<hbm>>) target(%dma_start3A_192 : memref<8x256xf32, #tpu.memory_space<vmem>>) target_semaphore(%arg8 : memref<!tpu.dma_semaphore, #tpu.memory_space<semaphore_mem>>)
        %mul3A_195 = arith.constant 256 : i32
        %mul3A_196 = arith.muli %add3A_147, %mul3A_195 : i32
        %dma_start3A_197 = arith.constant 24 : i32
        %dma_start3A_198 = arith.constant 0 : i32
        %dma_start3A_199 = tpu.memref_slice %arg5[%rem3A_152, %dma_start3A_197, %dma_start3A_198] : memref<4x32x257xf32, #tpu.memory_space<vmem>> -> memref<1x8x256xf32, #tpu.memory_space<vmem>>
        %dma_start3A_200 = tpu.memref_squeeze %dma_start3A_199 : memref<1x8x256xf32, #tpu.memory_space<vmem>> -> memref<8x256xf32, #tpu.memory_space<vmem>>
        %dma_start3A_201 = arith.constant 24 : i32
        %dma_start3A_202 = tpu.memref_slice %arg2[%dma_start3A_201, %mul3A_196] : memref<32x1000000xf32, #tpu.memory_space<hbm>> -> memref<8x256xf32, #tpu.memory_space<hbm>>
        %dma_start3A_203 = arith.constant 24 : i32
        %dma_start3A_204 = arith.constant 0 : i32
        %dma_start3A_205 = tpu.memref_slice %arg5[%rem3A_152, %dma_start3A_203, %dma_start3A_204] : memref<4x32x257xf32, #tpu.memory_space<vmem>> -> memref<1x8x256xf32, #tpu.memory_space<vmem>>
        %dma_start3A_206 = tpu.memref_squeeze %dma_start3A_205 : memref<1x8x256xf32, #tpu.memory_space<vmem>> -> memref<8x256xf32, #tpu.memory_space<vmem>>
        %dma_start3A_207 = arith.constant 24 : i32
        %dma_start3A_208 = tpu.memref_slice %arg2[%dma_start3A_207, %mul3A_196] : memref<32x1000000xf32, #tpu.memory_space<hbm>> -> memref<8x256xf32, #tpu.memory_space<hbm>>
        tpu.enqueue_dma source(%dma_start3A_208 : memref<8x256xf32, #tpu.memory_space<hbm>>) target(%dma_start3A_206 : memref<8x256xf32, #tpu.memory_space<vmem>>) target_semaphore(%arg8 : memref<!tpu.dma_semaphore, #tpu.memory_space<semaphore_mem>>)
      } else {
      }
      %lt3A_141 = arith.constant 3906 : i32
      %lt3A_142 = arith.cmpi slt, %add3A_133, %lt3A_141 : i32
      %convert_element_type3A_143 = arith.extui %lt3A_142 : i1 to i32
      %cond3A_144 = arith.constant 0 : i32
      %cond3A_145 = arith.cmpi ne, %convert_element_type3A_143, %cond3A_144 : i32
      scf.if %cond3A_145 {
        %mul3A_146 = arith.constant 256 : i32
        %mul3A_147 = arith.muli %add3A_133, %mul3A_146 : i32
        %dma_wait3A_148 = arith.constant 0 : i32
        %dma_wait3A_149 = arith.constant 0 : i32
        %dma_wait3A_150 = tpu.memref_slice %arg5[%rem3A_130, %dma_wait3A_148, %dma_wait3A_149] : memref<4x32x257xf32, #tpu.memory_space<vmem>> -> memref<1x32x256xf32, #tpu.memory_space<vmem>>
        %dma_wait3A_151 = tpu.memref_squeeze %dma_wait3A_150 : memref<1x32x256xf32, #tpu.memory_space<vmem>> -> memref<32x256xf32, #tpu.memory_space<vmem>>
        %dma_wait3A_152 = arith.constant 0 : i32
        %dma_wait3A_153 = tpu.memref_slice %arg2[%dma_wait3A_152, %mul3A_147] : memref<32x1000000xf32, #tpu.memory_space<hbm>> -> memref<32x256xf32, #tpu.memory_space<hbm>>
        %dma_wait3A_154 = arith.constant 0 : i32
        %dma_wait3A_155 = arith.constant 0 : i32
        %dma_wait3A_156 = tpu.memref_slice %arg5[%rem3A_130, %dma_wait3A_154, %dma_wait3A_155] : memref<4x32x257xf32, #tpu.memory_space<vmem>> -> memref<1x32x256xf32, #tpu.memory_space<vmem>>
        %dma_wait3A_157 = tpu.memref_squeeze %dma_wait3A_156 : memref<1x32x256xf32, #tpu.memory_space<vmem>> -> memref<32x256xf32, #tpu.memory_space<vmem>>
        %dma_wait3A_158 = arith.constant 0 : i32
        %dma_wait3A_159 = tpu.memref_slice %arg2[%dma_wait3A_158, %mul3A_147] : memref<32x1000000xf32, #tpu.memory_space<hbm>> -> memref<32x256xf32, #tpu.memory_space<hbm>>
        tpu.wait_dma2 semaphore(%arg8 : memref<!tpu.dma_semaphore, #tpu.memory_space<semaphore_mem>>) src(%dma_wait3A_159 : memref<32x256xf32, #tpu.memory_space<hbm>>) dst(%dma_wait3A_157 : memref<32x256xf32, #tpu.memory_space<vmem>>)
        %ge3A = arith.constant 4 : i32
        %ge3A_160 = arith.cmpi sge, %scan3A_129, %ge3A : i32
        %convert_element_type3A_161 = arith.extui %ge3A_160 : i1 to i32
        %cond3A_162 = arith.constant 0 : i32
        %cond3A_163 = arith.cmpi ne, %convert_element_type3A_161, %cond3A_162 : i32
        scf.if %cond3A_163 {
          %dma_wait3A_178 = arith.constant 0 : i32
          %dma_wait3A_179 = tpu.memref_slice %arg6[%rem3A_130, %dma_wait3A_178] : memref<4x8192xf32, #tpu.memory_space<vmem>> -> memref<1x8192xf32, #tpu.memory_space<vmem>>
          %dma_wait3A_180 = tpu.memref_squeeze %dma_wait3A_179 : memref<1x8192xf32, #tpu.memory_space<vmem>> -> memref<8192xf32, #tpu.memory_space<vmem>>
          %dma_wait3A_181 = arith.constant 0 : i32
          %dma_wait3A_182 = tpu.memref_slice %arg4[%dma_wait3A_181] : memref<32000000xf32, #tpu.memory_space<hbm>> -> memref<8192xf32, #tpu.memory_space<hbm>>
          %dma_wait3A_183 = arith.constant 0 : i32
          %dma_wait3A_184 = tpu.memref_slice %arg4[%dma_wait3A_183] : memref<32000000xf32, #tpu.memory_space<hbm>> -> memref<8192xf32, #tpu.memory_space<hbm>>
          %dma_wait3A_185 = arith.constant 0 : i32
          %dma_wait3A_186 = tpu.memref_slice %arg6[%rem3A_130, %dma_wait3A_185] : memref<4x8192xf32, #tpu.memory_space<vmem>> -> memref<1x8192xf32, #tpu.memory_space<vmem>>
          %dma_wait3A_187 = tpu.memref_squeeze %dma_wait3A_186 : memref<1x8192xf32, #tpu.memory_space<vmem>> -> memref<8192xf32, #tpu.memory_space<vmem>>
          tpu.wait_dma2 semaphore(%arg9 : memref<!tpu.dma_semaphore, #tpu.memory_space<semaphore_mem>>) src(%dma_wait3A_187 : memref<8192xf32, #tpu.memory_space<vmem>>) dst(%dma_wait3A_184 : memref<8192xf32, #tpu.memory_space<hbm>>)
        } else {
        }
        %broadcast_in_dim3A = vector.broadcast %rem3A_130 : i32 to vector<16xi32>
        %parallel_loop3A = arith.constant 0 : i32
        %parallel_loop3A_164 = arith.constant 256 : i32
        %parallel_loop3A_165 = arith.constant 1 : i32
        scf.for %parallel_loop3A_178 = %parallel_loop3A to %parallel_loop3A_164 step %parallel_loop3A_165  : i32 {
          %parallel_loop3A_179 = vector.broadcast %parallel_loop3A_178 : i32 to vector<16xi32>
          %parallel_loop3A_180 = tpu.vector_load_idx %arg5[%broadcast_in_dim3A, %add3A_3, %parallel_loop3A_179] : memref<4x32x257xf32, #tpu.memory_space<vmem>>[vector<16xi32>, vector<16xi32>, vector<16xi32>], vector<16xf32>,
          %parallel_loop3A_181 = arith.constant 32 : i32
          %parallel_loop3A_182 = arith.muli %parallel_loop3A_178, %parallel_loop3A_181 : i32
          %parallel_loop3A_183 = arith.constant 0 : i32
          %parallel_loop3A_184 = arith.addi %parallel_loop3A_182, %parallel_loop3A_183 : i32
          %parallel_loop3A_185 = arith.index_cast %rem3A_130 : i32 to index
          %parallel_loop3A_186 = arith.index_cast %parallel_loop3A_184 : i32 to index
          %parallel_loop3A_187 = tpu.vector_load %arg6[%parallel_loop3A_185, %parallel_loop3A_186] {strides = array<i32>} : memref<4x8192xf32, #tpu.memory_space<vmem>>, vector<16xf32>,
          tpu.vector_store %arg6[%parallel_loop3A_185, %parallel_loop3A_186], %parallel_loop3A_180 {strides = array<i32>} : memref<4x8192xf32, #tpu.memory_space<vmem>>, vector<16xf32>,
          %parallel_loop3A_188 = tpu.vector_load_idx %arg5[%broadcast_in_dim3A, %add3A_6, %parallel_loop3A_179] : memref<4x32x257xf32, #tpu.memory_space<vmem>>[vector<16xi32>, vector<16xi32>, vector<16xi32>], vector<16xf32>,
          %parallel_loop3A_189 = arith.constant 32 : i32
          %parallel_loop3A_190 = arith.muli %parallel_loop3A_178, %parallel_loop3A_189 : i32
          %parallel_loop3A_191 = arith.constant 16 : i32
          %parallel_loop3A_192 = arith.addi %parallel_loop3A_190, %parallel_loop3A_191 : i32
          %parallel_loop3A_193 = arith.index_cast %rem3A_130 : i32 to index
          %parallel_loop3A_194 = arith.index_cast %parallel_loop3A_192 : i32 to index
          %parallel_loop3A_195 = tpu.vector_load %arg6[%parallel_loop3A_193, %parallel_loop3A_194] {strides = array<i32>} : memref<4x8192xf32, #tpu.memory_space<vmem>>, vector<16xf32>,
          tpu.vector_store %arg6[%parallel_loop3A_193, %parallel_loop3A_194], %parallel_loop3A_188 {strides = array<i32>} : memref<4x8192xf32, #tpu.memory_space<vmem>>, vector<16xf32>,
        } {sc.loop_unroll_factor = 8 : i64, sc.parallel_access}
        %mul3A_166 = arith.constant 256 : i32
        %mul3A_167 = arith.muli %add3A_133, %mul3A_166 : i32
        %mul3A_168 = arith.constant 32 : i32
        %mul3A_169 = arith.muli %mul3A_167, %mul3A_168 : i32
        %dma_start3A_170 = arith.constant 0 : i32
        %dma_start3A_171 = tpu.memref_slice %arg6[%rem3A_130, %dma_start3A_170] : memref<4x8192xf32, #tpu.memory_space<vmem>> -> memref<1x8192xf32, #tpu.memory_space<vmem>>
        %dma_start3A_172 = tpu.memref_squeeze %dma_start3A_171 : memref<1x8192xf32, #tpu.memory_space<vmem>> -> memref<8192xf32, #tpu.memory_space<vmem>>
        %dma_start3A_173 = tpu.memref_slice %arg4[%mul3A_169] : memref<32000000xf32, #tpu.memory_space<hbm>> -> memref<8192xf32, #tpu.memory_space<hbm>>
        %dma_start3A_174 = tpu.memref_slice %arg4[%mul3A_169] : memref<32000000xf32, #tpu.memory_space<hbm>> -> memref<8192xf32, #tpu.memory_space<hbm>>
        %dma_start3A_175 = arith.constant 0 : i32
        %dma_start3A_176 = tpu.memref_slice %arg6[%rem3A_130, %dma_start3A_175] : memref<4x8192xf32, #tpu.memory_space<vmem>> -> memref<1x8192xf32, #tpu.memory_space<vmem>>
        %dma_start3A_177 = tpu.memref_squeeze %dma_start3A_176 : memref<1x8192xf32, #tpu.memory_space<vmem>> -> memref<8192xf32, #tpu.memory_space<vmem>>
        tpu.enqueue_dma source(%dma_start3A_177 : memref<8192xf32, #tpu.memory_space<vmem>>) target(%dma_start3A_174 : memref<8192xf32, #tpu.memory_space<hbm>>) target_semaphore(%arg9 : memref<!tpu.dma_semaphore, #tpu.memory_space<semaphore_mem>>)
      } else {
      }
    }
    %scan3A_85 = arith.constant 123 : i32
    %dma_wait3A = arith.constant 0 : i32
    %dma_wait3A_86 = arith.constant 0 : i32
    %dma_wait3A_87 = tpu.memref_slice %arg6[%dma_wait3A, %dma_wait3A_86] : memref<4x8192xf32, #tpu.memory_space<vmem>> -> memref<1x8192xf32, #tpu.memory_space<vmem>>
    %dma_wait3A_88 = tpu.memref_squeeze %dma_wait3A_87 : memref<1x8192xf32, #tpu.memory_space<vmem>> -> memref<8192xf32, #tpu.memory_space<vmem>>
    %dma_wait3A_89 = arith.constant 0 : i32
    %dma_wait3A_90 = tpu.memref_slice %arg4[%dma_wait3A_89] : memref<32000000xf32, #tpu.memory_space<hbm>> -> memref<8192xf32, #tpu.memory_space<hbm>>
    %dma_wait3A_91 = arith.constant 0 : i32
    %dma_wait3A_92 = tpu.memref_slice %arg4[%dma_wait3A_91] : memref<32000000xf32, #tpu.memory_space<hbm>> -> memref<8192xf32, #tpu.memory_space<hbm>>
    %dma_wait3A_93 = arith.constant 0 : i32
    %dma_wait3A_94 = tpu.memref_slice %arg6[%dma_wait3A, %dma_wait3A_93] : memref<4x8192xf32, #tpu.memory_space<vmem>> -> memref<1x8192xf32, #tpu.memory_space<vmem>>
    %dma_wait3A_95 = tpu.memref_squeeze %dma_wait3A_94 : memref<1x8192xf32, #tpu.memory_space<vmem>> -> memref<8192xf32, #tpu.memory_space<vmem>>
    tpu.wait_dma2 semaphore(%arg9 : memref<!tpu.dma_semaphore, #tpu.memory_space<semaphore_mem>>) src(%dma_wait3A_95 : memref<8192xf32, #tpu.memory_space<vmem>>) dst(%dma_wait3A_92 : memref<8192xf32, #tpu.memory_space<hbm>>)
    %dma_wait3A_96 = arith.constant 0 : i32
    %dma_wait3A_97 = arith.constant 0 : i32
    %dma_wait3A_98 = tpu.memref_slice %arg6[%dma_wait3A_96, %dma_wait3A_97] : memref<4x8192xf32, #tpu.memory_space<vmem>> -> memref<1x8192xf32, #tpu.memory_space<vmem>>
    %dma_wait3A_99 = tpu.memref_squeeze %dma_wait3A_98 : memref<1x8192xf32, #tpu.memory_space<vmem>> -> memref<8192xf32, #tpu.memory_space<vmem>>
    %dma_wait3A_100 = arith.constant 0 : i32
    %dma_wait3A_101 = tpu.memref_slice %arg4[%dma_wait3A_100] : memref<32000000xf32, #tpu.memory_space<hbm>> -> memref<8192xf32, #tpu.memory_space<hbm>>
    %dma_wait3A_102 = arith.constant 0 : i32
    %dma_wait3A_103 = tpu.memref_slice %arg4[%dma_wait3A_102] : memref<32000000xf32, #tpu.memory_space<hbm>> -> memref<8192xf32, #tpu.memory_space<hbm>>
    %dma_wait3A_104 = arith.constant 0 : i32
    %dma_wait3A_105 = tpu.memref_slice %arg6[%dma_wait3A_96, %dma_wait3A_104] : memref<4x8192xf32, #tpu.memory_space<vmem>> -> memref<1x8192xf32, #tpu.memory_space<vmem>>
    %dma_wait3A_106 = tpu.memref_squeeze %dma_wait3A_105 : memref<1x8192xf32, #tpu.memory_space<vmem>> -> memref<8192xf32, #tpu.memory_space<vmem>>
    tpu.wait_dma2 semaphore(%arg9 : memref<!tpu.dma_semaphore, #tpu.memory_space<semaphore_mem>>) src(%dma_wait3A_106 : memref<8192xf32, #tpu.memory_space<vmem>>) dst(%dma_wait3A_103 : memref<8192xf32, #tpu.memory_space<hbm>>)
    %dma_wait3A_107 = arith.constant 0 : i32
    %dma_wait3A_108 = arith.constant 0 : i32
    %dma_wait3A_109 = tpu.memref_slice %arg6[%dma_wait3A_107, %dma_wait3A_108] : memref<4x8192xf32, #tpu.memory_space<vmem>> -> memref<1x8192xf32, #tpu.memory_space<vmem>>
    %dma_wait3A_110 = tpu.memref_squeeze %dma_wait3A_109 : memref<1x8192xf32, #tpu.memory_space<vmem>> -> memref<8192xf32, #tpu.memory_space<vmem>>
    %dma_wait3A_111 = arith.constant 0 : i32
    %dma_wait3A_112 = tpu.memref_slice %arg4[%dma_wait3A_111] : memref<32000000xf32, #tpu.memory_space<hbm>> -> memref<8192xf32, #tpu.memory_space<hbm>>
    %dma_wait3A_113 = arith.constant 0 : i32
    %dma_wait3A_114 = tpu.memref_slice %arg4[%dma_wait3A_113] : memref<32000000xf32, #tpu.memory_space<hbm>> -> memref<8192xf32, #tpu.memory_space<hbm>>
    %dma_wait3A_115 = arith.constant 0 : i32
    %dma_wait3A_116 = tpu.memref_slice %arg6[%dma_wait3A_107, %dma_wait3A_115] : memref<4x8192xf32, #tpu.memory_space<vmem>> -> memref<1x8192xf32, #tpu.memory_space<vmem>>
    %dma_wait3A_117 = tpu.memref_squeeze %dma_wait3A_116 : memref<1x8192xf32, #tpu.memory_space<vmem>> -> memref<8192xf32, #tpu.memory_space<vmem>>
    tpu.wait_dma2 semaphore(%arg9 : memref<!tpu.dma_semaphore, #tpu.memory_space<semaphore_mem>>) src(%dma_wait3A_117 : memref<8192xf32, #tpu.memory_space<vmem>>) dst(%dma_wait3A_114 : memref<8192xf32, #tpu.memory_space<hbm>>)
    %dma_wait3A_118 = arith.constant 0 : i32
    %dma_wait3A_119 = arith.constant 0 : i32
    %dma_wait3A_120 = tpu.memref_slice %arg6[%dma_wait3A_118, %dma_wait3A_119] : memref<4x8192xf32, #tpu.memory_space<vmem>> -> memref<1x8192xf32, #tpu.memory_space<vmem>>
    %dma_wait3A_121 = tpu.memref_squeeze %dma_wait3A_120 : memref<1x8192xf32, #tpu.memory_space<vmem>> -> memref<8192xf32, #tpu.memory_space<vmem>>
    %dma_wait3A_122 = arith.constant 0 : i32
    %dma_wait3A_123 = tpu.memref_slice %arg4[%dma_wait3A_122] : memref<32000000xf32, #tpu.memory_space<hbm>> -> memref<8192xf32, #tpu.memory_space<hbm>>
    %dma_wait3A_124 = arith.constant 0 : i32
    %dma_wait3A_125 = tpu.memref_slice %arg4[%dma_wait3A_124] : memref<32000000xf32, #tpu.memory_space<hbm>> -> memref<8192xf32, #tpu.memory_space<hbm>>
    %dma_wait3A_126 = arith.constant 0 : i32
    %dma_wait3A_127 = tpu.memref_slice %arg6[%dma_wait3A_118, %dma_wait3A_126] : memref<4x8192xf32, #tpu.memory_space<vmem>> -> memref<1x8192xf32, #tpu.memory_space<vmem>>
    %dma_wait3A_128 = tpu.memref_squeeze %dma_wait3A_127 : memref<1x8192xf32, #tpu.memory_space<vmem>> -> memref<8192xf32, #tpu.memory_space<vmem>>
    tpu.wait_dma2 semaphore(%arg9 : memref<!tpu.dma_semaphore, #tpu.memory_space<semaphore_mem>>) src(%dma_wait3A_128 : memref<8192xf32, #tpu.memory_space<vmem>>) dst(%dma_wait3A_125 : memref<8192xf32, #tpu.memory_space<hbm>>)
    return
  }
}

#map = affine_map<(d0, d1) -> (0)>
#map1 = affine_map<(d0, d1) -> (0, 0)>
module attributes {stable_mosaic.version = 14 : i64} {
  func.func @_gather_scale(%arg0: i32, %arg1: i32, %arg2: memref<425984xi32, #tpu.memory_space<hbm>>, %arg3: memref<1000000x32xf32, #tpu.memory_space<hbm>>, %arg4: memref<13631488xf32, #tpu.memory_space<hbm>>, %arg5: memref<13312xi32, #tpu.memory_space<vmem>>, %arg6: memref<6x128xi32, #tpu.memory_space<vmem>>, %arg7: memref<6x128x32xf32, #tpu.memory_space<vmem>>, %arg8: memref<6x4096xf32, #tpu.memory_space<vmem>>, %arg9: memref<!tpu.dma_semaphore, #tpu.memory_space<semaphore_mem>>, %arg10: memref<!tpu.dma_semaphore, #tpu.memory_space<semaphore_mem>>) attributes {dimension_semantics = [#tpu.dimension_semantics<core_parallel>, #tpu.dimension_semantics<subcore_parallel>], iteration_bounds = array<i64: 2, 16>, scalar_prefetch = 0 : i64, scratch_operands = 6 : i64, tpu.core_type = #tpu.core_type<sc_vector_subcore>, window_params = [{transform_indices = #map}, {transform_indices = #map1}, {transform_indices = #map}]} {
    %mul3A = arith.constant 2 : i32
    %mul3A_0 = arith.muli %arg1, %mul3A : i32
    %add3A = arith.addi %mul3A_0, %arg0 : i32
    %iota3A = tpu.iota {dimensions = array<i32: 0>} : vector<16xi32>
    %mul3A_1 = arith.constant 26 : i32
    %mul3A_2 = vector.broadcast %mul3A_1 : i32 to vector<16xi32>
    %mul3A_3 = arith.muli %iota3A, %mul3A_2 : vector<16xi32>
    %mul3A_4 = arith.constant 13312 : i32
    %mul3A_5 = arith.muli %add3A, %mul3A_4 : i32
    "tpu.region"() ({
      %run_scoped3A = tpu.sem_alloc : memref<!tpu.dma_semaphore, #tpu.memory_space<semaphore_mem>>
      %dma_start3A_177 = tpu.memref_slice %arg2[%mul3A_5] : memref<425984xi32, #tpu.memory_space<hbm>> -> memref<13312xi32, #tpu.memory_space<hbm>>
      %dma_start3A_178 = tpu.memref_slice %arg2[%mul3A_5] : memref<425984xi32, #tpu.memory_space<hbm>> -> memref<13312xi32, #tpu.memory_space<hbm>>
      tpu.enqueue_dma source(%dma_start3A_178 : memref<13312xi32, #tpu.memory_space<hbm>>) target(%arg5 : memref<13312xi32, #tpu.memory_space<vmem>>) target_semaphore(%run_scoped3A : memref<!tpu.dma_semaphore, #tpu.memory_space<semaphore_mem>>)
      %dma_wait3A_179 = tpu.memref_slice %arg2[%mul3A_5] : memref<425984xi32, #tpu.memory_space<hbm>> -> memref<13312xi32, #tpu.memory_space<hbm>>
      %dma_wait3A_180 = tpu.memref_slice %arg2[%mul3A_5] : memref<425984xi32, #tpu.memory_space<hbm>> -> memref<13312xi32, #tpu.memory_space<hbm>>
      tpu.wait_dma2 semaphore(%run_scoped3A : memref<!tpu.dma_semaphore, #tpu.memory_space<semaphore_mem>>) src(%dma_wait3A_180 : memref<13312xi32, #tpu.memory_space<hbm>>) dst(%arg5 : memref<13312xi32, #tpu.memory_space<vmem>>)
      tpu.yield
    }) : () -> ()
    %shift_right_logical3A = arith.constant 0 : i32
    %shift_right_logical3A_6 = arith.constant 2 : i32
    %shift_right_logical3A_7 = arith.shrui %shift_right_logical3A, %shift_right_logical3A_6 : i32
    %and3A = arith.constant 0 : i32
    %and3A_8 = arith.constant 3 : i32
    %and3A_9 = arith.andi %and3A, %and3A_8 : i32
    %parallel_loop3A = arith.constant 0 : i32
    %parallel_loop3A_10 = arith.constant 8 : i32
    %parallel_loop3A_11 = arith.constant 1 : i32
    scf.for %parallel_loop3A_177 = %parallel_loop3A to %parallel_loop3A_10 step %parallel_loop3A_11  : i32 {
      %parallel_loop3A_178 = arith.constant 128 : i32
      %parallel_loop3A_179 = arith.muli %and3A_9, %parallel_loop3A_178 : i32
      %parallel_loop3A_180 = arith.constant 16 : i32
      %parallel_loop3A_181 = arith.muli %parallel_loop3A_177, %parallel_loop3A_180 : i32
      %parallel_loop3A_182 = arith.addi %parallel_loop3A_179, %parallel_loop3A_181 : i32
      %parallel_loop3A_183 = arith.constant 26 : i32
      %parallel_loop3A_184 = arith.muli %parallel_loop3A_182, %parallel_loop3A_183 : i32
      %parallel_loop3A_185 = arith.addi %parallel_loop3A_184, %shift_right_logical3A_7 : i32
      %parallel_loop3A_186 = vector.broadcast %parallel_loop3A_185 : i32 to vector<16xi32>
      %parallel_loop3A_187 = arith.addi %mul3A_3, %parallel_loop3A_186 : vector<16xi32>
      %parallel_loop3A_188 = tpu.vector_load_idx %arg5[%parallel_loop3A_187] : memref<13312xi32, #tpu.memory_space<vmem>>[vector<16xi32>], vector<16xi32>,
      %parallel_loop3A_189 = arith.constant 16 : i32
      %parallel_loop3A_190 = arith.muli %parallel_loop3A_177, %parallel_loop3A_189 : i32
      %parallel_loop3A_191 = arith.constant 0 : i32
      %parallel_loop3A_192 = arith.index_cast %parallel_loop3A_191 : i32 to index
      %parallel_loop3A_193 = arith.index_cast %parallel_loop3A_190 : i32 to index
      %parallel_loop3A_194 = tpu.vector_load %arg6[%parallel_loop3A_192, %parallel_loop3A_193] {strides = array<i32>} : memref<6x128xi32, #tpu.memory_space<vmem>>, vector<16xi32>,
      tpu.vector_store %arg6[%parallel_loop3A_192, %parallel_loop3A_193], %parallel_loop3A_188 {strides = array<i32>} : memref<6x128xi32, #tpu.memory_space<vmem>>, vector<16xi32>,
    } {sc.loop_unroll_factor = 8 : i64, sc.parallel_access}
    %dma_start3A = arith.constant 0 : i32
    %dma_start3A_12 = arith.constant 0 : i32
    %dma_start3A_13 = arith.constant 0 : i32
    %dma_start3A_14 = arith.constant 0 : i32
    %dma_start3A_15 = tpu.memref_slice %arg7[%dma_start3A_12, %dma_start3A_13, %dma_start3A_14] : memref<6x128x32xf32, #tpu.memory_space<vmem>> -> memref<1x128x32xf32, #tpu.memory_space<vmem>>
    %dma_start3A_16 = tpu.memref_squeeze %dma_start3A_15 : memref<1x128x32xf32, #tpu.memory_space<vmem>> -> memref<128x32xf32, #tpu.memory_space<vmem>>
    %dma_start3A_17 = arith.constant 0 : i32
    %dma_start3A_18 = tpu.memref_slice %arg6[%dma_start3A, %dma_start3A_17] : memref<6x128xi32, #tpu.memory_space<vmem>> -> memref<1x128xi32, #tpu.memory_space<vmem>>
    %dma_start3A_19 = tpu.memref_squeeze %dma_start3A_18 : memref<1x128xi32, #tpu.memory_space<vmem>> -> memref<128xi32, #tpu.memory_space<vmem>>
    %dma_start3A_20 = arith.constant 0 : i32
    %dma_start3A_21 = arith.constant 0 : i32
    %dma_start3A_22 = tpu.memref_slice %arg3[%dma_start3A_20, %dma_start3A_21] : memref<1000000x32xf32, #tpu.memory_space<hbm>> -> memref<1000000x32xf32, #tpu.memory_space<hbm>>
    tpu.enqueue_indirect_dma source(%dma_start3A_22 : memref<1000000x32xf32, #tpu.memory_space<hbm>>) target(%dma_start3A_16 : memref<128x32xf32, #tpu.memory_space<vmem>>) offsets(%dma_start3A_19 : memref<128xi32, #tpu.memory_space<vmem>>) semaphore(%arg9 : memref<!tpu.dma_semaphore, #tpu.memory_space<semaphore_mem>>)
    %shift_right_logical3A_23 = arith.constant 1 : i32
    %shift_right_logical3A_24 = arith.constant 2 : i32
    %shift_right_logical3A_25 = arith.shrui %shift_right_logical3A_23, %shift_right_logical3A_24 : i32
    %and3A_26 = arith.constant 1 : i32
    %and3A_27 = arith.constant 3 : i32
    %and3A_28 = arith.andi %and3A_26, %and3A_27 : i32
    %parallel_loop3A_29 = arith.constant 0 : i32
    %parallel_loop3A_30 = arith.constant 8 : i32
    %parallel_loop3A_31 = arith.constant 1 : i32
    scf.for %parallel_loop3A_177 = %parallel_loop3A_29 to %parallel_loop3A_30 step %parallel_loop3A_31  : i32 {
      %parallel_loop3A_178 = arith.constant 128 : i32
      %parallel_loop3A_179 = arith.muli %and3A_28, %parallel_loop3A_178 : i32
      %parallel_loop3A_180 = arith.constant 16 : i32
      %parallel_loop3A_181 = arith.muli %parallel_loop3A_177, %parallel_loop3A_180 : i32
      %parallel_loop3A_182 = arith.addi %parallel_loop3A_179, %parallel_loop3A_181 : i32
      %parallel_loop3A_183 = arith.constant 26 : i32
      %parallel_loop3A_184 = arith.muli %parallel_loop3A_182, %parallel_loop3A_183 : i32
      %parallel_loop3A_185 = arith.addi %parallel_loop3A_184, %shift_right_logical3A_25 : i32
      %parallel_loop3A_186 = vector.broadcast %parallel_loop3A_185 : i32 to vector<16xi32>
      %parallel_loop3A_187 = arith.addi %mul3A_3, %parallel_loop3A_186 : vector<16xi32>
      %parallel_loop3A_188 = tpu.vector_load_idx %arg5[%parallel_loop3A_187] : memref<13312xi32, #tpu.memory_space<vmem>>[vector<16xi32>], vector<16xi32>,
      %parallel_loop3A_189 = arith.constant 16 : i32
      %parallel_loop3A_190 = arith.muli %parallel_loop3A_177, %parallel_loop3A_189 : i32
      %parallel_loop3A_191 = arith.constant 1 : i32
      %parallel_loop3A_192 = arith.index_cast %parallel_loop3A_191 : i32 to index
      %parallel_loop3A_193 = arith.index_cast %parallel_loop3A_190 : i32 to index
      %parallel_loop3A_194 = tpu.vector_load %arg6[%parallel_loop3A_192, %parallel_loop3A_193] {strides = array<i32>} : memref<6x128xi32, #tpu.memory_space<vmem>>, vector<16xi32>,
      tpu.vector_store %arg6[%parallel_loop3A_192, %parallel_loop3A_193], %parallel_loop3A_188 {strides = array<i32>} : memref<6x128xi32, #tpu.memory_space<vmem>>, vector<16xi32>,
    } {sc.loop_unroll_factor = 8 : i64, sc.parallel_access}
    %dma_start3A_32 = arith.constant 1 : i32
    %dma_start3A_33 = arith.constant 1 : i32
    %dma_start3A_34 = arith.constant 0 : i32
    %dma_start3A_35 = arith.constant 0 : i32
    %dma_start3A_36 = tpu.memref_slice %arg7[%dma_start3A_33, %dma_start3A_34, %dma_start3A_35] : memref<6x128x32xf32, #tpu.memory_space<vmem>> -> memref<1x128x32xf32, #tpu.memory_space<vmem>>
    %dma_start3A_37 = tpu.memref_squeeze %dma_start3A_36 : memref<1x128x32xf32, #tpu.memory_space<vmem>> -> memref<128x32xf32, #tpu.memory_space<vmem>>
    %dma_start3A_38 = arith.constant 0 : i32
    %dma_start3A_39 = tpu.memref_slice %arg6[%dma_start3A_32, %dma_start3A_38] : memref<6x128xi32, #tpu.memory_space<vmem>> -> memref<1x128xi32, #tpu.memory_space<vmem>>
    %dma_start3A_40 = tpu.memref_squeeze %dma_start3A_39 : memref<1x128xi32, #tpu.memory_space<vmem>> -> memref<128xi32, #tpu.memory_space<vmem>>
    %dma_start3A_41 = arith.constant 0 : i32
    %dma_start3A_42 = arith.constant 0 : i32
    %dma_start3A_43 = tpu.memref_slice %arg3[%dma_start3A_41, %dma_start3A_42] : memref<1000000x32xf32, #tpu.memory_space<hbm>> -> memref<1000000x32xf32, #tpu.memory_space<hbm>>
    tpu.enqueue_indirect_dma source(%dma_start3A_43 : memref<1000000x32xf32, #tpu.memory_space<hbm>>) target(%dma_start3A_37 : memref<128x32xf32, #tpu.memory_space<vmem>>) offsets(%dma_start3A_40 : memref<128xi32, #tpu.memory_space<vmem>>) semaphore(%arg9 : memref<!tpu.dma_semaphore, #tpu.memory_space<semaphore_mem>>)
    %shift_right_logical3A_44 = arith.constant 2 : i32
    %shift_right_logical3A_45 = arith.constant 2 : i32
    %shift_right_logical3A_46 = arith.shrui %shift_right_logical3A_44, %shift_right_logical3A_45 : i32
    %and3A_47 = arith.constant 2 : i32
    %and3A_48 = arith.constant 3 : i32
    %and3A_49 = arith.andi %and3A_47, %and3A_48 : i32
    %parallel_loop3A_50 = arith.constant 0 : i32
    %parallel_loop3A_51 = arith.constant 8 : i32
    %parallel_loop3A_52 = arith.constant 1 : i32
    scf.for %parallel_loop3A_177 = %parallel_loop3A_50 to %parallel_loop3A_51 step %parallel_loop3A_52  : i32 {
      %parallel_loop3A_178 = arith.constant 128 : i32
      %parallel_loop3A_179 = arith.muli %and3A_49, %parallel_loop3A_178 : i32
      %parallel_loop3A_180 = arith.constant 16 : i32
      %parallel_loop3A_181 = arith.muli %parallel_loop3A_177, %parallel_loop3A_180 : i32
      %parallel_loop3A_182 = arith.addi %parallel_loop3A_179, %parallel_loop3A_181 : i32
      %parallel_loop3A_183 = arith.constant 26 : i32
      %parallel_loop3A_184 = arith.muli %parallel_loop3A_182, %parallel_loop3A_183 : i32
      %parallel_loop3A_185 = arith.addi %parallel_loop3A_184, %shift_right_logical3A_46 : i32
      %parallel_loop3A_186 = vector.broadcast %parallel_loop3A_185 : i32 to vector<16xi32>
      %parallel_loop3A_187 = arith.addi %mul3A_3, %parallel_loop3A_186 : vector<16xi32>
      %parallel_loop3A_188 = tpu.vector_load_idx %arg5[%parallel_loop3A_187] : memref<13312xi32, #tpu.memory_space<vmem>>[vector<16xi32>], vector<16xi32>,
      %parallel_loop3A_189 = arith.constant 16 : i32
      %parallel_loop3A_190 = arith.muli %parallel_loop3A_177, %parallel_loop3A_189 : i32
      %parallel_loop3A_191 = arith.constant 2 : i32
      %parallel_loop3A_192 = arith.index_cast %parallel_loop3A_191 : i32 to index
      %parallel_loop3A_193 = arith.index_cast %parallel_loop3A_190 : i32 to index
      %parallel_loop3A_194 = tpu.vector_load %arg6[%parallel_loop3A_192, %parallel_loop3A_193] {strides = array<i32>} : memref<6x128xi32, #tpu.memory_space<vmem>>, vector<16xi32>,
      tpu.vector_store %arg6[%parallel_loop3A_192, %parallel_loop3A_193], %parallel_loop3A_188 {strides = array<i32>} : memref<6x128xi32, #tpu.memory_space<vmem>>, vector<16xi32>,
    } {sc.loop_unroll_factor = 8 : i64, sc.parallel_access}
    %dma_start3A_53 = arith.constant 2 : i32
    %dma_start3A_54 = arith.constant 2 : i32
    %dma_start3A_55 = arith.constant 0 : i32
    %dma_start3A_56 = arith.constant 0 : i32
    %dma_start3A_57 = tpu.memref_slice %arg7[%dma_start3A_54, %dma_start3A_55, %dma_start3A_56] : memref<6x128x32xf32, #tpu.memory_space<vmem>> -> memref<1x128x32xf32, #tpu.memory_space<vmem>>
    %dma_start3A_58 = tpu.memref_squeeze %dma_start3A_57 : memref<1x128x32xf32, #tpu.memory_space<vmem>> -> memref<128x32xf32, #tpu.memory_space<vmem>>
    %dma_start3A_59 = arith.constant 0 : i32
    %dma_start3A_60 = tpu.memref_slice %arg6[%dma_start3A_53, %dma_start3A_59] : memref<6x128xi32, #tpu.memory_space<vmem>> -> memref<1x128xi32, #tpu.memory_space<vmem>>
    %dma_start3A_61 = tpu.memref_squeeze %dma_start3A_60 : memref<1x128xi32, #tpu.memory_space<vmem>> -> memref<128xi32, #tpu.memory_space<vmem>>
    %dma_start3A_62 = arith.constant 0 : i32
    %dma_start3A_63 = arith.constant 0 : i32
    %dma_start3A_64 = tpu.memref_slice %arg3[%dma_start3A_62, %dma_start3A_63] : memref<1000000x32xf32, #tpu.memory_space<hbm>> -> memref<1000000x32xf32, #tpu.memory_space<hbm>>
    tpu.enqueue_indirect_dma source(%dma_start3A_64 : memref<1000000x32xf32, #tpu.memory_space<hbm>>) target(%dma_start3A_58 : memref<128x32xf32, #tpu.memory_space<vmem>>) offsets(%dma_start3A_61 : memref<128xi32, #tpu.memory_space<vmem>>) semaphore(%arg9 : memref<!tpu.dma_semaphore, #tpu.memory_space<semaphore_mem>>)
    %shift_right_logical3A_65 = arith.constant 3 : i32
    %shift_right_logical3A_66 = arith.constant 2 : i32
    %shift_right_logical3A_67 = arith.shrui %shift_right_logical3A_65, %shift_right_logical3A_66 : i32
    %and3A_68 = arith.constant 3 : i32
    %and3A_69 = arith.constant 3 : i32
    %and3A_70 = arith.andi %and3A_68, %and3A_69 : i32
    %parallel_loop3A_71 = arith.constant 0 : i32
    %parallel_loop3A_72 = arith.constant 8 : i32
    %parallel_loop3A_73 = arith.constant 1 : i32
    scf.for %parallel_loop3A_177 = %parallel_loop3A_71 to %parallel_loop3A_72 step %parallel_loop3A_73  : i32 {
      %parallel_loop3A_178 = arith.constant 128 : i32
      %parallel_loop3A_179 = arith.muli %and3A_70, %parallel_loop3A_178 : i32
      %parallel_loop3A_180 = arith.constant 16 : i32
      %parallel_loop3A_181 = arith.muli %parallel_loop3A_177, %parallel_loop3A_180 : i32
      %parallel_loop3A_182 = arith.addi %parallel_loop3A_179, %parallel_loop3A_181 : i32
      %parallel_loop3A_183 = arith.constant 26 : i32
      %parallel_loop3A_184 = arith.muli %parallel_loop3A_182, %parallel_loop3A_183 : i32
      %parallel_loop3A_185 = arith.addi %parallel_loop3A_184, %shift_right_logical3A_67 : i32
      %parallel_loop3A_186 = vector.broadcast %parallel_loop3A_185 : i32 to vector<16xi32>
      %parallel_loop3A_187 = arith.addi %mul3A_3, %parallel_loop3A_186 : vector<16xi32>
      %parallel_loop3A_188 = tpu.vector_load_idx %arg5[%parallel_loop3A_187] : memref<13312xi32, #tpu.memory_space<vmem>>[vector<16xi32>], vector<16xi32>,
      %parallel_loop3A_189 = arith.constant 16 : i32
      %parallel_loop3A_190 = arith.muli %parallel_loop3A_177, %parallel_loop3A_189 : i32
      %parallel_loop3A_191 = arith.constant 3 : i32
      %parallel_loop3A_192 = arith.index_cast %parallel_loop3A_191 : i32 to index
      %parallel_loop3A_193 = arith.index_cast %parallel_loop3A_190 : i32 to index
      %parallel_loop3A_194 = tpu.vector_load %arg6[%parallel_loop3A_192, %parallel_loop3A_193] {strides = array<i32>} : memref<6x128xi32, #tpu.memory_space<vmem>>, vector<16xi32>,
      tpu.vector_store %arg6[%parallel_loop3A_192, %parallel_loop3A_193], %parallel_loop3A_188 {strides = array<i32>} : memref<6x128xi32, #tpu.memory_space<vmem>>, vector<16xi32>,
    } {sc.loop_unroll_factor = 8 : i64, sc.parallel_access}
    %dma_start3A_74 = arith.constant 3 : i32
    %dma_start3A_75 = arith.constant 3 : i32
    %dma_start3A_76 = arith.constant 0 : i32
    %dma_start3A_77 = arith.constant 0 : i32
    %dma_start3A_78 = tpu.memref_slice %arg7[%dma_start3A_75, %dma_start3A_76, %dma_start3A_77] : memref<6x128x32xf32, #tpu.memory_space<vmem>> -> memref<1x128x32xf32, #tpu.memory_space<vmem>>
    %dma_start3A_79 = tpu.memref_squeeze %dma_start3A_78 : memref<1x128x32xf32, #tpu.memory_space<vmem>> -> memref<128x32xf32, #tpu.memory_space<vmem>>
    %dma_start3A_80 = arith.constant 0 : i32
    %dma_start3A_81 = tpu.memref_slice %arg6[%dma_start3A_74, %dma_start3A_80] : memref<6x128xi32, #tpu.memory_space<vmem>> -> memref<1x128xi32, #tpu.memory_space<vmem>>
    %dma_start3A_82 = tpu.memref_squeeze %dma_start3A_81 : memref<1x128xi32, #tpu.memory_space<vmem>> -> memref<128xi32, #tpu.memory_space<vmem>>
    %dma_start3A_83 = arith.constant 0 : i32
    %dma_start3A_84 = arith.constant 0 : i32
    %dma_start3A_85 = tpu.memref_slice %arg3[%dma_start3A_83, %dma_start3A_84] : memref<1000000x32xf32, #tpu.memory_space<hbm>> -> memref<1000000x32xf32, #tpu.memory_space<hbm>>
    tpu.enqueue_indirect_dma source(%dma_start3A_85 : memref<1000000x32xf32, #tpu.memory_space<hbm>>) target(%dma_start3A_79 : memref<128x32xf32, #tpu.memory_space<vmem>>) offsets(%dma_start3A_82 : memref<128xi32, #tpu.memory_space<vmem>>) semaphore(%arg9 : memref<!tpu.dma_semaphore, #tpu.memory_space<semaphore_mem>>)
    %shift_right_logical3A_86 = arith.constant 4 : i32
    %shift_right_logical3A_87 = arith.constant 2 : i32
    %shift_right_logical3A_88 = arith.shrui %shift_right_logical3A_86, %shift_right_logical3A_87 : i32
    %and3A_89 = arith.constant 4 : i32
    %and3A_90 = arith.constant 3 : i32
    %and3A_91 = arith.andi %and3A_89, %and3A_90 : i32
    %parallel_loop3A_92 = arith.constant 0 : i32
    %parallel_loop3A_93 = arith.constant 8 : i32
    %parallel_loop3A_94 = arith.constant 1 : i32
    scf.for %parallel_loop3A_177 = %parallel_loop3A_92 to %parallel_loop3A_93 step %parallel_loop3A_94  : i32 {
      %parallel_loop3A_178 = arith.constant 128 : i32
      %parallel_loop3A_179 = arith.muli %and3A_91, %parallel_loop3A_178 : i32
      %parallel_loop3A_180 = arith.constant 16 : i32
      %parallel_loop3A_181 = arith.muli %parallel_loop3A_177, %parallel_loop3A_180 : i32
      %parallel_loop3A_182 = arith.addi %parallel_loop3A_179, %parallel_loop3A_181 : i32
      %parallel_loop3A_183 = arith.constant 26 : i32
      %parallel_loop3A_184 = arith.muli %parallel_loop3A_182, %parallel_loop3A_183 : i32
      %parallel_loop3A_185 = arith.addi %parallel_loop3A_184, %shift_right_logical3A_88 : i32
      %parallel_loop3A_186 = vector.broadcast %parallel_loop3A_185 : i32 to vector<16xi32>
      %parallel_loop3A_187 = arith.addi %mul3A_3, %parallel_loop3A_186 : vector<16xi32>
      %parallel_loop3A_188 = tpu.vector_load_idx %arg5[%parallel_loop3A_187] : memref<13312xi32, #tpu.memory_space<vmem>>[vector<16xi32>], vector<16xi32>,
      %parallel_loop3A_189 = arith.constant 16 : i32
      %parallel_loop3A_190 = arith.muli %parallel_loop3A_177, %parallel_loop3A_189 : i32
      %parallel_loop3A_191 = arith.constant 4 : i32
      %parallel_loop3A_192 = arith.index_cast %parallel_loop3A_191 : i32 to index
      %parallel_loop3A_193 = arith.index_cast %parallel_loop3A_190 : i32 to index
      %parallel_loop3A_194 = tpu.vector_load %arg6[%parallel_loop3A_192, %parallel_loop3A_193] {strides = array<i32>} : memref<6x128xi32, #tpu.memory_space<vmem>>, vector<16xi32>,
      tpu.vector_store %arg6[%parallel_loop3A_192, %parallel_loop3A_193], %parallel_loop3A_188 {strides = array<i32>} : memref<6x128xi32, #tpu.memory_space<vmem>>, vector<16xi32>,
    } {sc.loop_unroll_factor = 8 : i64, sc.parallel_access}
    %dma_start3A_95 = arith.constant 4 : i32
    %dma_start3A_96 = arith.constant 4 : i32
    %dma_start3A_97 = arith.constant 0 : i32
    %dma_start3A_98 = arith.constant 0 : i32
    %dma_start3A_99 = tpu.memref_slice %arg7[%dma_start3A_96, %dma_start3A_97, %dma_start3A_98] : memref<6x128x32xf32, #tpu.memory_space<vmem>> -> memref<1x128x32xf32, #tpu.memory_space<vmem>>
    %dma_start3A_100 = tpu.memref_squeeze %dma_start3A_99 : memref<1x128x32xf32, #tpu.memory_space<vmem>> -> memref<128x32xf32, #tpu.memory_space<vmem>>
    %dma_start3A_101 = arith.constant 0 : i32
    %dma_start3A_102 = tpu.memref_slice %arg6[%dma_start3A_95, %dma_start3A_101] : memref<6x128xi32, #tpu.memory_space<vmem>> -> memref<1x128xi32, #tpu.memory_space<vmem>>
    %dma_start3A_103 = tpu.memref_squeeze %dma_start3A_102 : memref<1x128xi32, #tpu.memory_space<vmem>> -> memref<128xi32, #tpu.memory_space<vmem>>
    %dma_start3A_104 = arith.constant 0 : i32
    %dma_start3A_105 = arith.constant 0 : i32
    %dma_start3A_106 = tpu.memref_slice %arg3[%dma_start3A_104, %dma_start3A_105] : memref<1000000x32xf32, #tpu.memory_space<hbm>> -> memref<1000000x32xf32, #tpu.memory_space<hbm>>
    tpu.enqueue_indirect_dma source(%dma_start3A_106 : memref<1000000x32xf32, #tpu.memory_space<hbm>>) target(%dma_start3A_100 : memref<128x32xf32, #tpu.memory_space<vmem>>) offsets(%dma_start3A_103 : memref<128xi32, #tpu.memory_space<vmem>>) semaphore(%arg9 : memref<!tpu.dma_semaphore, #tpu.memory_space<semaphore_mem>>)
    %scan3A = arith.constant 0 : i32
    %scan3A_107 = arith.constant 0 : i32
    %scan3A_108 = arith.constant 104 : i32
    %scan3A_109 = arith.addi %scan3A_107, %scan3A_108 : i32
    %scan3A_110 = arith.constant 1 : i32
    scf.for %scan3A_177 = %scan3A_107 to %scan3A_109 step %scan3A_110  : i32 {
      %rem3A = arith.constant 6 : i32
      %rem3A_178 = arith.remsi %scan3A_177, %rem3A : i32
      %add3A_179 = arith.constant 6 : i32
      %add3A_180 = arith.addi %scan3A_177, %add3A_179 : i32
      %sub3A = arith.constant 1 : i32
      %sub3A_181 = arith.subi %add3A_180, %sub3A : i32
      %rem3A_182 = arith.constant 6 : i32
      %rem3A_183 = arith.remsi %sub3A_181, %rem3A_182 : i32
      %rem3A_184 = arith.constant 6 : i32
      %rem3A_185 = arith.remsi %scan3A_177, %rem3A_184 : i32
      %shift_right_logical3A_186 = arith.constant 2 : i32
      %shift_right_logical3A_187 = arith.shrui %scan3A_177, %shift_right_logical3A_186 : i32
      %and3A_188 = arith.constant 3 : i32
      %and3A_189 = arith.andi %scan3A_177, %and3A_188 : i32
      %mul3A_190 = arith.constant 4 : i32
      %mul3A_191 = arith.muli %add3A, %mul3A_190 : i32
      %add3A_192 = arith.addi %mul3A_191, %and3A_189 : i32
      %add3A_193 = arith.constant 6 : i32
      %add3A_194 = arith.addi %scan3A_177, %add3A_193 : i32
      %sub3A_195 = arith.constant 1 : i32
      %sub3A_196 = arith.subi %add3A_194, %sub3A_195 : i32
      %lt3A = arith.constant 104 : i32
      %lt3A_197 = arith.cmpi slt, %sub3A_196, %lt3A : i32
      %convert_element_type3A = arith.extui %lt3A_197 : i1 to i32
      %cond3A = arith.constant 0 : i32
      %cond3A_198 = arith.cmpi ne, %convert_element_type3A, %cond3A : i32
      scf.if %cond3A_198 {
        %add3A_284 = arith.constant 6 : i32
        %add3A_285 = arith.addi %scan3A_177, %add3A_284 : i32
        %sub3A_286 = arith.constant 1 : i32
        %sub3A_287 = arith.subi %add3A_285, %sub3A_286 : i32
        %shift_right_logical3A_288 = arith.constant 2 : i32
        %shift_right_logical3A_289 = arith.shrui %sub3A_287, %shift_right_logical3A_288 : i32
        %and3A_290 = arith.constant 3 : i32
        %and3A_291 = arith.andi %sub3A_287, %and3A_290 : i32
        %parallel_loop3A_292 = arith.constant 0 : i32
        %parallel_loop3A_293 = arith.constant 8 : i32
        %parallel_loop3A_294 = arith.constant 1 : i32
        scf.for %parallel_loop3A_305 = %parallel_loop3A_292 to %parallel_loop3A_293 step %parallel_loop3A_294  : i32 {
          %parallel_loop3A_306 = arith.constant 128 : i32
          %parallel_loop3A_307 = arith.muli %and3A_291, %parallel_loop3A_306 : i32
          %parallel_loop3A_308 = arith.constant 16 : i32
          %parallel_loop3A_309 = arith.muli %parallel_loop3A_305, %parallel_loop3A_308 : i32
          %parallel_loop3A_310 = arith.addi %parallel_loop3A_307, %parallel_loop3A_309 : i32
          %parallel_loop3A_311 = arith.constant 26 : i32
          %parallel_loop3A_312 = arith.muli %parallel_loop3A_310, %parallel_loop3A_311 : i32
          %parallel_loop3A_313 = arith.addi %parallel_loop3A_312, %shift_right_logical3A_289 : i32
          %parallel_loop3A_314 = vector.broadcast %parallel_loop3A_313 : i32 to vector<16xi32>
          %parallel_loop3A_315 = arith.addi %mul3A_3, %parallel_loop3A_314 : vector<16xi32>
          %parallel_loop3A_316 = tpu.vector_load_idx %arg5[%parallel_loop3A_315] : memref<13312xi32, #tpu.memory_space<vmem>>[vector<16xi32>], vector<16xi32>,
          %parallel_loop3A_317 = arith.constant 16 : i32
          %parallel_loop3A_318 = arith.muli %parallel_loop3A_305, %parallel_loop3A_317 : i32
          %parallel_loop3A_319 = arith.index_cast %rem3A_183 : i32 to index
          %parallel_loop3A_320 = arith.index_cast %parallel_loop3A_318 : i32 to index
          %parallel_loop3A_321 = tpu.vector_load %arg6[%parallel_loop3A_319, %parallel_loop3A_320] {strides = array<i32>} : memref<6x128xi32, #tpu.memory_space<vmem>>, vector<16xi32>,
          tpu.vector_store %arg6[%parallel_loop3A_319, %parallel_loop3A_320], %parallel_loop3A_316 {strides = array<i32>} : memref<6x128xi32, #tpu.memory_space<vmem>>, vector<16xi32>,
        } {sc.loop_unroll_factor = 8 : i64, sc.parallel_access}
        %dma_start3A_295 = arith.constant 0 : i32
        %dma_start3A_296 = arith.constant 0 : i32
        %dma_start3A_297 = tpu.memref_slice %arg7[%rem3A_183, %dma_start3A_295, %dma_start3A_296] : memref<6x128x32xf32, #tpu.memory_space<vmem>> -> memref<1x128x32xf32, #tpu.memory_space<vmem>>
        %dma_start3A_298 = tpu.memref_squeeze %dma_start3A_297 : memref<1x128x32xf32, #tpu.memory_space<vmem>> -> memref<128x32xf32, #tpu.memory_space<vmem>>
        %dma_start3A_299 = arith.constant 0 : i32
        %dma_start3A_300 = tpu.memref_slice %arg6[%rem3A_183, %dma_start3A_299] : memref<6x128xi32, #tpu.memory_space<vmem>> -> memref<1x128xi32, #tpu.memory_space<vmem>>
        %dma_start3A_301 = tpu.memref_squeeze %dma_start3A_300 : memref<1x128xi32, #tpu.memory_space<vmem>> -> memref<128xi32, #tpu.memory_space<vmem>>
        %dma_start3A_302 = arith.constant 0 : i32
        %dma_start3A_303 = arith.constant 0 : i32
        %dma_start3A_304 = tpu.memref_slice %arg3[%dma_start3A_302, %dma_start3A_303] : memref<1000000x32xf32, #tpu.memory_space<hbm>> -> memref<1000000x32xf32, #tpu.memory_space<hbm>>
        tpu.enqueue_indirect_dma source(%dma_start3A_304 : memref<1000000x32xf32, #tpu.memory_space<hbm>>) target(%dma_start3A_298 : memref<128x32xf32, #tpu.memory_space<vmem>>) offsets(%dma_start3A_301 : memref<128xi32, #tpu.memory_space<vmem>>) semaphore(%arg9 : memref<!tpu.dma_semaphore, #tpu.memory_space<semaphore_mem>>)
      } else {
      }
      %ge3A = arith.constant 6 : i32
      %ge3A_199 = arith.cmpi sge, %scan3A_177, %ge3A : i32
      %convert_element_type3A_200 = arith.extui %ge3A_199 : i1 to i32
      %cond3A_201 = arith.constant 0 : i32
      %cond3A_202 = arith.cmpi ne, %convert_element_type3A_200, %cond3A_201 : i32
      scf.if %cond3A_202 {
        %dma_wait3A_284 = arith.constant 0 : i32
        %dma_wait3A_285 = tpu.memref_slice %arg8[%rem3A_185, %dma_wait3A_284] : memref<6x4096xf32, #tpu.memory_space<vmem>> -> memref<1x4096xf32, #tpu.memory_space<vmem>>
        %dma_wait3A_286 = tpu.memref_squeeze %dma_wait3A_285 : memref<1x4096xf32, #tpu.memory_space<vmem>> -> memref<4096xf32, #tpu.memory_space<vmem>>
        %dma_wait3A_287 = arith.constant 0 : i32
        %dma_wait3A_288 = tpu.memref_slice %arg4[%dma_wait3A_287] : memref<13631488xf32, #tpu.memory_space<hbm>> -> memref<4096xf32, #tpu.memory_space<hbm>>
        %dma_wait3A_289 = arith.constant 0 : i32
        %dma_wait3A_290 = tpu.memref_slice %arg4[%dma_wait3A_289] : memref<13631488xf32, #tpu.memory_space<hbm>> -> memref<4096xf32, #tpu.memory_space<hbm>>
        %dma_wait3A_291 = arith.constant 0 : i32
        %dma_wait3A_292 = tpu.memref_slice %arg8[%rem3A_185, %dma_wait3A_291] : memref<6x4096xf32, #tpu.memory_space<vmem>> -> memref<1x4096xf32, #tpu.memory_space<vmem>>
        %dma_wait3A_293 = tpu.memref_squeeze %dma_wait3A_292 : memref<1x4096xf32, #tpu.memory_space<vmem>> -> memref<4096xf32, #tpu.memory_space<vmem>>
        tpu.wait_dma2 semaphore(%arg10 : memref<!tpu.dma_semaphore, #tpu.memory_space<semaphore_mem>>) src(%dma_wait3A_293 : memref<4096xf32, #tpu.memory_space<vmem>>) dst(%dma_wait3A_290 : memref<4096xf32, #tpu.memory_space<hbm>>)
      } else {
      }
      %dma_wait3A_203 = arith.constant 0 : i32
      %dma_wait3A_204 = arith.constant 0 : i32
      %dma_wait3A_205 = tpu.memref_slice %arg7[%rem3A_178, %dma_wait3A_203, %dma_wait3A_204] : memref<6x128x32xf32, #tpu.memory_space<vmem>> -> memref<1x128x32xf32, #tpu.memory_space<vmem>>
      %dma_wait3A_206 = tpu.memref_squeeze %dma_wait3A_205 : memref<1x128x32xf32, #tpu.memory_space<vmem>> -> memref<128x32xf32, #tpu.memory_space<vmem>>
      %dma_wait3A_207 = arith.constant 0 : i32
      %dma_wait3A_208 = tpu.memref_slice %arg6[%rem3A_178, %dma_wait3A_207] : memref<6x128xi32, #tpu.memory_space<vmem>> -> memref<1x128xi32, #tpu.memory_space<vmem>>
      %dma_wait3A_209 = tpu.memref_squeeze %dma_wait3A_208 : memref<1x128xi32, #tpu.memory_space<vmem>> -> memref<128xi32, #tpu.memory_space<vmem>>
      %dma_wait3A_210 = arith.constant 0 : i32
      %dma_wait3A_211 = arith.constant 0 : i32
      %dma_wait3A_212 = tpu.memref_slice %arg3[%dma_wait3A_210, %dma_wait3A_211] : memref<1000000x32xf32, #tpu.memory_space<hbm>> -> memref<1000000x32xf32, #tpu.memory_space<hbm>>
      tpu.wait_indirect_dma semaphore(%arg9 : memref<!tpu.dma_semaphore, #tpu.memory_space<semaphore_mem>>) src(%dma_wait3A_212 : memref<1000000x32xf32, #tpu.memory_space<hbm>>) dst(%dma_wait3A_206 : memref<128x32xf32, #tpu.memory_space<vmem>>)
      %broadcast_in_dim3A = vector.broadcast %rem3A_178 : i32 to vector<16xi32>
      %parallel_loop3A_213 = arith.constant 0 : i32
      %parallel_loop3A_214 = arith.constant 8 : i32
      %parallel_loop3A_215 = arith.constant 1 : i32
      scf.for %parallel_loop3A_284 = %parallel_loop3A_213 to %parallel_loop3A_214 step %parallel_loop3A_215  : i32 {
        %parallel_loop3A_285 = arith.constant 16 : i32
        %parallel_loop3A_286 = arith.muli %parallel_loop3A_284, %parallel_loop3A_285 : i32
        %parallel_loop3A_287 = vector.broadcast %parallel_loop3A_286 : i32 to vector<16xi32>
        %parallel_loop3A_288 = arith.addi %parallel_loop3A_287, %iota3A : vector<16xi32>
        %parallel_loop3A_289 = arith.constant 0 : i32
        %parallel_loop3A_290 = vector.broadcast %parallel_loop3A_289 : i32 to vector<16xi32>
        %parallel_loop3A_291 = tpu.vector_load_idx %arg7[%broadcast_in_dim3A, %parallel_loop3A_288, %parallel_loop3A_290] : memref<6x128x32xf32, #tpu.memory_space<vmem>>[vector<16xi32>, vector<16xi32>, vector<16xi32>], vector<16xf32>,
        %parallel_loop3A_292 = arith.constant 1.000000e+01 : f32
        %parallel_loop3A_293 = vector.broadcast %parallel_loop3A_292 : f32 to vector<16xf32>
        %parallel_loop3A_294 = arith.mulf %parallel_loop3A_291, %parallel_loop3A_293 : vector<16xf32>
        %parallel_loop3A_295 = arith.constant 16 : i32
        %parallel_loop3A_296 = arith.muli %parallel_loop3A_284, %parallel_loop3A_295 : i32
        %parallel_loop3A_297 = arith.constant 0 : i32
        %parallel_loop3A_298 = arith.addi %parallel_loop3A_297, %parallel_loop3A_296 : i32
        %parallel_loop3A_299 = arith.index_cast %rem3A_185 : i32 to index
        %parallel_loop3A_300 = arith.index_cast %parallel_loop3A_298 : i32 to index
        %parallel_loop3A_301 = tpu.vector_load %arg8[%parallel_loop3A_299, %parallel_loop3A_300] {strides = array<i32>} : memref<6x4096xf32, #tpu.memory_space<vmem>>, vector<16xf32>,
        tpu.vector_store %arg8[%parallel_loop3A_299, %parallel_loop3A_300], %parallel_loop3A_294 {strides = array<i32>} : memref<6x4096xf32, #tpu.memory_space<vmem>>, vector<16xf32>,
        %parallel_loop3A_302 = arith.constant 1 : i32
        %parallel_loop3A_303 = vector.broadcast %parallel_loop3A_302 : i32 to vector<16xi32>
        %parallel_loop3A_304 = tpu.vector_load_idx %arg7[%broadcast_in_dim3A, %parallel_loop3A_288, %parallel_loop3A_303] : memref<6x128x32xf32, #tpu.memory_space<vmem>>[vector<16xi32>, vector<16xi32>, vector<16xi32>], vector<16xf32>,
        %parallel_loop3A_305 = arith.constant 1.000000e+01 : f32
        %parallel_loop3A_306 = vector.broadcast %parallel_loop3A_305 : f32 to vector<16xf32>
        %parallel_loop3A_307 = arith.mulf %parallel_loop3A_304, %parallel_loop3A_306 : vector<16xf32>
        %parallel_loop3A_308 = arith.constant 16 : i32
        %parallel_loop3A_309 = arith.muli %parallel_loop3A_284, %parallel_loop3A_308 : i32
        %parallel_loop3A_310 = arith.constant 128 : i32
        %parallel_loop3A_311 = arith.addi %parallel_loop3A_310, %parallel_loop3A_309 : i32
        %parallel_loop3A_312 = arith.index_cast %rem3A_185 : i32 to index
        %parallel_loop3A_313 = arith.index_cast %parallel_loop3A_311 : i32 to index
        %parallel_loop3A_314 = tpu.vector_load %arg8[%parallel_loop3A_312, %parallel_loop3A_313] {strides = array<i32>} : memref<6x4096xf32, #tpu.memory_space<vmem>>, vector<16xf32>,
        tpu.vector_store %arg8[%parallel_loop3A_312, %parallel_loop3A_313], %parallel_loop3A_307 {strides = array<i32>} : memref<6x4096xf32, #tpu.memory_space<vmem>>, vector<16xf32>,
        %parallel_loop3A_315 = arith.constant 2 : i32
        %parallel_loop3A_316 = vector.broadcast %parallel_loop3A_315 : i32 to vector<16xi32>
        %parallel_loop3A_317 = tpu.vector_load_idx %arg7[%broadcast_in_dim3A, %parallel_loop3A_288, %parallel_loop3A_316] : memref<6x128x32xf32, #tpu.memory_space<vmem>>[vector<16xi32>, vector<16xi32>, vector<16xi32>], vector<16xf32>,
        %parallel_loop3A_318 = arith.constant 1.000000e+01 : f32
        %parallel_loop3A_319 = vector.broadcast %parallel_loop3A_318 : f32 to vector<16xf32>
        %parallel_loop3A_320 = arith.mulf %parallel_loop3A_317, %parallel_loop3A_319 : vector<16xf32>
        %parallel_loop3A_321 = arith.constant 16 : i32
        %parallel_loop3A_322 = arith.muli %parallel_loop3A_284, %parallel_loop3A_321 : i32
        %parallel_loop3A_323 = arith.constant 256 : i32
        %parallel_loop3A_324 = arith.addi %parallel_loop3A_323, %parallel_loop3A_322 : i32
        %parallel_loop3A_325 = arith.index_cast %rem3A_185 : i32 to index
        %parallel_loop3A_326 = arith.index_cast %parallel_loop3A_324 : i32 to index
        %parallel_loop3A_327 = tpu.vector_load %arg8[%parallel_loop3A_325, %parallel_loop3A_326] {strides = array<i32>} : memref<6x4096xf32, #tpu.memory_space<vmem>>, vector<16xf32>,
        tpu.vector_store %arg8[%parallel_loop3A_325, %parallel_loop3A_326], %parallel_loop3A_320 {strides = array<i32>} : memref<6x4096xf32, #tpu.memory_space<vmem>>, vector<16xf32>,
        %parallel_loop3A_328 = arith.constant 3 : i32
        %parallel_loop3A_329 = vector.broadcast %parallel_loop3A_328 : i32 to vector<16xi32>
        %parallel_loop3A_330 = tpu.vector_load_idx %arg7[%broadcast_in_dim3A, %parallel_loop3A_288, %parallel_loop3A_329] : memref<6x128x32xf32, #tpu.memory_space<vmem>>[vector<16xi32>, vector<16xi32>, vector<16xi32>], vector<16xf32>,
        %parallel_loop3A_331 = arith.constant 1.000000e+01 : f32
        %parallel_loop3A_332 = vector.broadcast %parallel_loop3A_331 : f32 to vector<16xf32>
        %parallel_loop3A_333 = arith.mulf %parallel_loop3A_330, %parallel_loop3A_332 : vector<16xf32>
        %parallel_loop3A_334 = arith.constant 16 : i32
        %parallel_loop3A_335 = arith.muli %parallel_loop3A_284, %parallel_loop3A_334 : i32
        %parallel_loop3A_336 = arith.constant 384 : i32
        %parallel_loop3A_337 = arith.addi %parallel_loop3A_336, %parallel_loop3A_335 : i32
        %parallel_loop3A_338 = arith.index_cast %rem3A_185 : i32 to index
        %parallel_loop3A_339 = arith.index_cast %parallel_loop3A_337 : i32 to index
        %parallel_loop3A_340 = tpu.vector_load %arg8[%parallel_loop3A_338, %parallel_loop3A_339] {strides = array<i32>} : memref<6x4096xf32, #tpu.memory_space<vmem>>, vector<16xf32>,
        tpu.vector_store %arg8[%parallel_loop3A_338, %parallel_loop3A_339], %parallel_loop3A_333 {strides = array<i32>} : memref<6x4096xf32, #tpu.memory_space<vmem>>, vector<16xf32>,
        %parallel_loop3A_341 = arith.constant 4 : i32
        %parallel_loop3A_342 = vector.broadcast %parallel_loop3A_341 : i32 to vector<16xi32>
        %parallel_loop3A_343 = tpu.vector_load_idx %arg7[%broadcast_in_dim3A, %parallel_loop3A_288, %parallel_loop3A_342] : memref<6x128x32xf32, #tpu.memory_space<vmem>>[vector<16xi32>, vector<16xi32>, vector<16xi32>], vector<16xf32>,
        %parallel_loop3A_344 = arith.constant 1.000000e+01 : f32
        %parallel_loop3A_345 = vector.broadcast %parallel_loop3A_344 : f32 to vector<16xf32>
        %parallel_loop3A_346 = arith.mulf %parallel_loop3A_343, %parallel_loop3A_345 : vector<16xf32>
        %parallel_loop3A_347 = arith.constant 16 : i32
        %parallel_loop3A_348 = arith.muli %parallel_loop3A_284, %parallel_loop3A_347 : i32
        %parallel_loop3A_349 = arith.constant 512 : i32
        %parallel_loop3A_350 = arith.addi %parallel_loop3A_349, %parallel_loop3A_348 : i32
        %parallel_loop3A_351 = arith.index_cast %rem3A_185 : i32 to index
        %parallel_loop3A_352 = arith.index_cast %parallel_loop3A_350 : i32 to index
        %parallel_loop3A_353 = tpu.vector_load %arg8[%parallel_loop3A_351, %parallel_loop3A_352] {strides = array<i32>} : memref<6x4096xf32, #tpu.memory_space<vmem>>, vector<16xf32>,
        tpu.vector_store %arg8[%parallel_loop3A_351, %parallel_loop3A_352], %parallel_loop3A_346 {strides = array<i32>} : memref<6x4096xf32, #tpu.memory_space<vmem>>, vector<16xf32>,
        %parallel_loop3A_354 = arith.constant 5 : i32
        %parallel_loop3A_355 = vector.broadcast %parallel_loop3A_354 : i32 to vector<16xi32>
        %parallel_loop3A_356 = tpu.vector_load_idx %arg7[%broadcast_in_dim3A, %parallel_loop3A_288, %parallel_loop3A_355] : memref<6x128x32xf32, #tpu.memory_space<vmem>>[vector<16xi32>, vector<16xi32>, vector<16xi32>], vector<16xf32>,
        %parallel_loop3A_357 = arith.constant 1.000000e+01 : f32
        %parallel_loop3A_358 = vector.broadcast %parallel_loop3A_357 : f32 to vector<16xf32>
        %parallel_loop3A_359 = arith.mulf %parallel_loop3A_356, %parallel_loop3A_358 : vector<16xf32>
        %parallel_loop3A_360 = arith.constant 16 : i32
        %parallel_loop3A_361 = arith.muli %parallel_loop3A_284, %parallel_loop3A_360 : i32
        %parallel_loop3A_362 = arith.constant 640 : i32
        %parallel_loop3A_363 = arith.addi %parallel_loop3A_362, %parallel_loop3A_361 : i32
        %parallel_loop3A_364 = arith.index_cast %rem3A_185 : i32 to index
        %parallel_loop3A_365 = arith.index_cast %parallel_loop3A_363 : i32 to index
        %parallel_loop3A_366 = tpu.vector_load %arg8[%parallel_loop3A_364, %parallel_loop3A_365] {strides = array<i32>} : memref<6x4096xf32, #tpu.memory_space<vmem>>, vector<16xf32>,
        tpu.vector_store %arg8[%parallel_loop3A_364, %parallel_loop3A_365], %parallel_loop3A_359 {strides = array<i32>} : memref<6x4096xf32, #tpu.memory_space<vmem>>, vector<16xf32>,
        %parallel_loop3A_367 = arith.constant 6 : i32
        %parallel_loop3A_368 = vector.broadcast %parallel_loop3A_367 : i32 to vector<16xi32>
        %parallel_loop3A_369 = tpu.vector_load_idx %arg7[%broadcast_in_dim3A, %parallel_loop3A_288, %parallel_loop3A_368] : memref<6x128x32xf32, #tpu.memory_space<vmem>>[vector<16xi32>, vector<16xi32>, vector<16xi32>], vector<16xf32>,
        %parallel_loop3A_370 = arith.constant 1.000000e+01 : f32
        %parallel_loop3A_371 = vector.broadcast %parallel_loop3A_370 : f32 to vector<16xf32>
        %parallel_loop3A_372 = arith.mulf %parallel_loop3A_369, %parallel_loop3A_371 : vector<16xf32>
        %parallel_loop3A_373 = arith.constant 16 : i32
        %parallel_loop3A_374 = arith.muli %parallel_loop3A_284, %parallel_loop3A_373 : i32
        %parallel_loop3A_375 = arith.constant 768 : i32
        %parallel_loop3A_376 = arith.addi %parallel_loop3A_375, %parallel_loop3A_374 : i32
        %parallel_loop3A_377 = arith.index_cast %rem3A_185 : i32 to index
        %parallel_loop3A_378 = arith.index_cast %parallel_loop3A_376 : i32 to index
        %parallel_loop3A_379 = tpu.vector_load %arg8[%parallel_loop3A_377, %parallel_loop3A_378] {strides = array<i32>} : memref<6x4096xf32, #tpu.memory_space<vmem>>, vector<16xf32>,
        tpu.vector_store %arg8[%parallel_loop3A_377, %parallel_loop3A_378], %parallel_loop3A_372 {strides = array<i32>} : memref<6x4096xf32, #tpu.memory_space<vmem>>, vector<16xf32>,
        %parallel_loop3A_380 = arith.constant 7 : i32
        %parallel_loop3A_381 = vector.broadcast %parallel_loop3A_380 : i32 to vector<16xi32>
        %parallel_loop3A_382 = tpu.vector_load_idx %arg7[%broadcast_in_dim3A, %parallel_loop3A_288, %parallel_loop3A_381] : memref<6x128x32xf32, #tpu.memory_space<vmem>>[vector<16xi32>, vector<16xi32>, vector<16xi32>], vector<16xf32>,
        %parallel_loop3A_383 = arith.constant 1.000000e+01 : f32
        %parallel_loop3A_384 = vector.broadcast %parallel_loop3A_383 : f32 to vector<16xf32>
        %parallel_loop3A_385 = arith.mulf %parallel_loop3A_382, %parallel_loop3A_384 : vector<16xf32>
        %parallel_loop3A_386 = arith.constant 16 : i32
        %parallel_loop3A_387 = arith.muli %parallel_loop3A_284, %parallel_loop3A_386 : i32
        %parallel_loop3A_388 = arith.constant 896 : i32
        %parallel_loop3A_389 = arith.addi %parallel_loop3A_388, %parallel_loop3A_387 : i32
        %parallel_loop3A_390 = arith.index_cast %rem3A_185 : i32 to index
        %parallel_loop3A_391 = arith.index_cast %parallel_loop3A_389 : i32 to index
        %parallel_loop3A_392 = tpu.vector_load %arg8[%parallel_loop3A_390, %parallel_loop3A_391] {strides = array<i32>} : memref<6x4096xf32, #tpu.memory_space<vmem>>, vector<16xf32>,
        tpu.vector_store %arg8[%parallel_loop3A_390, %parallel_loop3A_391], %parallel_loop3A_385 {strides = array<i32>} : memref<6x4096xf32, #tpu.memory_space<vmem>>, vector<16xf32>,
        %parallel_loop3A_393 = arith.constant 8 : i32
        %parallel_loop3A_394 = vector.broadcast %parallel_loop3A_393 : i32 to vector<16xi32>
        %parallel_loop3A_395 = tpu.vector_load_idx %arg7[%broadcast_in_dim3A, %parallel_loop3A_288, %parallel_loop3A_394] : memref<6x128x32xf32, #tpu.memory_space<vmem>>[vector<16xi32>, vector<16xi32>, vector<16xi32>], vector<16xf32>,
        %parallel_loop3A_396 = arith.constant 1.000000e+01 : f32
        %parallel_loop3A_397 = vector.broadcast %parallel_loop3A_396 : f32 to vector<16xf32>
        %parallel_loop3A_398 = arith.mulf %parallel_loop3A_395, %parallel_loop3A_397 : vector<16xf32>
        %parallel_loop3A_399 = arith.constant 16 : i32
        %parallel_loop3A_400 = arith.muli %parallel_loop3A_284, %parallel_loop3A_399 : i32
        %parallel_loop3A_401 = arith.constant 1024 : i32
        %parallel_loop3A_402 = arith.addi %parallel_loop3A_401, %parallel_loop3A_400 : i32
        %parallel_loop3A_403 = arith.index_cast %rem3A_185 : i32 to index
        %parallel_loop3A_404 = arith.index_cast %parallel_loop3A_402 : i32 to index
        %parallel_loop3A_405 = tpu.vector_load %arg8[%parallel_loop3A_403, %parallel_loop3A_404] {strides = array<i32>} : memref<6x4096xf32, #tpu.memory_space<vmem>>, vector<16xf32>,
        tpu.vector_store %arg8[%parallel_loop3A_403, %parallel_loop3A_404], %parallel_loop3A_398 {strides = array<i32>} : memref<6x4096xf32, #tpu.memory_space<vmem>>, vector<16xf32>,
        %parallel_loop3A_406 = arith.constant 9 : i32
        %parallel_loop3A_407 = vector.broadcast %parallel_loop3A_406 : i32 to vector<16xi32>
        %parallel_loop3A_408 = tpu.vector_load_idx %arg7[%broadcast_in_dim3A, %parallel_loop3A_288, %parallel_loop3A_407] : memref<6x128x32xf32, #tpu.memory_space<vmem>>[vector<16xi32>, vector<16xi32>, vector<16xi32>], vector<16xf32>,
        %parallel_loop3A_409 = arith.constant 1.000000e+01 : f32
        %parallel_loop3A_410 = vector.broadcast %parallel_loop3A_409 : f32 to vector<16xf32>
        %parallel_loop3A_411 = arith.mulf %parallel_loop3A_408, %parallel_loop3A_410 : vector<16xf32>
        %parallel_loop3A_412 = arith.constant 16 : i32
        %parallel_loop3A_413 = arith.muli %parallel_loop3A_284, %parallel_loop3A_412 : i32
        %parallel_loop3A_414 = arith.constant 1152 : i32
        %parallel_loop3A_415 = arith.addi %parallel_loop3A_414, %parallel_loop3A_413 : i32
        %parallel_loop3A_416 = arith.index_cast %rem3A_185 : i32 to index
        %parallel_loop3A_417 = arith.index_cast %parallel_loop3A_415 : i32 to index
        %parallel_loop3A_418 = tpu.vector_load %arg8[%parallel_loop3A_416, %parallel_loop3A_417] {strides = array<i32>} : memref<6x4096xf32, #tpu.memory_space<vmem>>, vector<16xf32>,
        tpu.vector_store %arg8[%parallel_loop3A_416, %parallel_loop3A_417], %parallel_loop3A_411 {strides = array<i32>} : memref<6x4096xf32, #tpu.memory_space<vmem>>, vector<16xf32>,
        %parallel_loop3A_419 = arith.constant 10 : i32
        %parallel_loop3A_420 = vector.broadcast %parallel_loop3A_419 : i32 to vector<16xi32>
        %parallel_loop3A_421 = tpu.vector_load_idx %arg7[%broadcast_in_dim3A, %parallel_loop3A_288, %parallel_loop3A_420] : memref<6x128x32xf32, #tpu.memory_space<vmem>>[vector<16xi32>, vector<16xi32>, vector<16xi32>], vector<16xf32>,
        %parallel_loop3A_422 = arith.constant 1.000000e+01 : f32
        %parallel_loop3A_423 = vector.broadcast %parallel_loop3A_422 : f32 to vector<16xf32>
        %parallel_loop3A_424 = arith.mulf %parallel_loop3A_421, %parallel_loop3A_423 : vector<16xf32>
        %parallel_loop3A_425 = arith.constant 16 : i32
        %parallel_loop3A_426 = arith.muli %parallel_loop3A_284, %parallel_loop3A_425 : i32
        %parallel_loop3A_427 = arith.constant 1280 : i32
        %parallel_loop3A_428 = arith.addi %parallel_loop3A_427, %parallel_loop3A_426 : i32
        %parallel_loop3A_429 = arith.index_cast %rem3A_185 : i32 to index
        %parallel_loop3A_430 = arith.index_cast %parallel_loop3A_428 : i32 to index
        %parallel_loop3A_431 = tpu.vector_load %arg8[%parallel_loop3A_429, %parallel_loop3A_430] {strides = array<i32>} : memref<6x4096xf32, #tpu.memory_space<vmem>>, vector<16xf32>,
        tpu.vector_store %arg8[%parallel_loop3A_429, %parallel_loop3A_430], %parallel_loop3A_424 {strides = array<i32>} : memref<6x4096xf32, #tpu.memory_space<vmem>>, vector<16xf32>,
        %parallel_loop3A_432 = arith.constant 11 : i32
        %parallel_loop3A_433 = vector.broadcast %parallel_loop3A_432 : i32 to vector<16xi32>
        %parallel_loop3A_434 = tpu.vector_load_idx %arg7[%broadcast_in_dim3A, %parallel_loop3A_288, %parallel_loop3A_433] : memref<6x128x32xf32, #tpu.memory_space<vmem>>[vector<16xi32>, vector<16xi32>, vector<16xi32>], vector<16xf32>,
        %parallel_loop3A_435 = arith.constant 1.000000e+01 : f32
        %parallel_loop3A_436 = vector.broadcast %parallel_loop3A_435 : f32 to vector<16xf32>
        %parallel_loop3A_437 = arith.mulf %parallel_loop3A_434, %parallel_loop3A_436 : vector<16xf32>
        %parallel_loop3A_438 = arith.constant 16 : i32
        %parallel_loop3A_439 = arith.muli %parallel_loop3A_284, %parallel_loop3A_438 : i32
        %parallel_loop3A_440 = arith.constant 1408 : i32
        %parallel_loop3A_441 = arith.addi %parallel_loop3A_440, %parallel_loop3A_439 : i32
        %parallel_loop3A_442 = arith.index_cast %rem3A_185 : i32 to index
        %parallel_loop3A_443 = arith.index_cast %parallel_loop3A_441 : i32 to index
        %parallel_loop3A_444 = tpu.vector_load %arg8[%parallel_loop3A_442, %parallel_loop3A_443] {strides = array<i32>} : memref<6x4096xf32, #tpu.memory_space<vmem>>, vector<16xf32>,
        tpu.vector_store %arg8[%parallel_loop3A_442, %parallel_loop3A_443], %parallel_loop3A_437 {strides = array<i32>} : memref<6x4096xf32, #tpu.memory_space<vmem>>, vector<16xf32>,
        %parallel_loop3A_445 = arith.constant 12 : i32
        %parallel_loop3A_446 = vector.broadcast %parallel_loop3A_445 : i32 to vector<16xi32>
        %parallel_loop3A_447 = tpu.vector_load_idx %arg7[%broadcast_in_dim3A, %parallel_loop3A_288, %parallel_loop3A_446] : memref<6x128x32xf32, #tpu.memory_space<vmem>>[vector<16xi32>, vector<16xi32>, vector<16xi32>], vector<16xf32>,
        %parallel_loop3A_448 = arith.constant 1.000000e+01 : f32
        %parallel_loop3A_449 = vector.broadcast %parallel_loop3A_448 : f32 to vector<16xf32>
        %parallel_loop3A_450 = arith.mulf %parallel_loop3A_447, %parallel_loop3A_449 : vector<16xf32>
        %parallel_loop3A_451 = arith.constant 16 : i32
        %parallel_loop3A_452 = arith.muli %parallel_loop3A_284, %parallel_loop3A_451 : i32
        %parallel_loop3A_453 = arith.constant 1536 : i32
        %parallel_loop3A_454 = arith.addi %parallel_loop3A_453, %parallel_loop3A_452 : i32
        %parallel_loop3A_455 = arith.index_cast %rem3A_185 : i32 to index
        %parallel_loop3A_456 = arith.index_cast %parallel_loop3A_454 : i32 to index
        %parallel_loop3A_457 = tpu.vector_load %arg8[%parallel_loop3A_455, %parallel_loop3A_456] {strides = array<i32>} : memref<6x4096xf32, #tpu.memory_space<vmem>>, vector<16xf32>,
        tpu.vector_store %arg8[%parallel_loop3A_455, %parallel_loop3A_456], %parallel_loop3A_450 {strides = array<i32>} : memref<6x4096xf32, #tpu.memory_space<vmem>>, vector<16xf32>,
        %parallel_loop3A_458 = arith.constant 13 : i32
        %parallel_loop3A_459 = vector.broadcast %parallel_loop3A_458 : i32 to vector<16xi32>
        %parallel_loop3A_460 = tpu.vector_load_idx %arg7[%broadcast_in_dim3A, %parallel_loop3A_288, %parallel_loop3A_459] : memref<6x128x32xf32, #tpu.memory_space<vmem>>[vector<16xi32>, vector<16xi32>, vector<16xi32>], vector<16xf32>,
        %parallel_loop3A_461 = arith.constant 1.000000e+01 : f32
        %parallel_loop3A_462 = vector.broadcast %parallel_loop3A_461 : f32 to vector<16xf32>
        %parallel_loop3A_463 = arith.mulf %parallel_loop3A_460, %parallel_loop3A_462 : vector<16xf32>
        %parallel_loop3A_464 = arith.constant 16 : i32
        %parallel_loop3A_465 = arith.muli %parallel_loop3A_284, %parallel_loop3A_464 : i32
        %parallel_loop3A_466 = arith.constant 1664 : i32
        %parallel_loop3A_467 = arith.addi %parallel_loop3A_466, %parallel_loop3A_465 : i32
        %parallel_loop3A_468 = arith.index_cast %rem3A_185 : i32 to index
        %parallel_loop3A_469 = arith.index_cast %parallel_loop3A_467 : i32 to index
        %parallel_loop3A_470 = tpu.vector_load %arg8[%parallel_loop3A_468, %parallel_loop3A_469] {strides = array<i32>} : memref<6x4096xf32, #tpu.memory_space<vmem>>, vector<16xf32>,
        tpu.vector_store %arg8[%parallel_loop3A_468, %parallel_loop3A_469], %parallel_loop3A_463 {strides = array<i32>} : memref<6x4096xf32, #tpu.memory_space<vmem>>, vector<16xf32>,
        %parallel_loop3A_471 = arith.constant 14 : i32
        %parallel_loop3A_472 = vector.broadcast %parallel_loop3A_471 : i32 to vector<16xi32>
        %parallel_loop3A_473 = tpu.vector_load_idx %arg7[%broadcast_in_dim3A, %parallel_loop3A_288, %parallel_loop3A_472] : memref<6x128x32xf32, #tpu.memory_space<vmem>>[vector<16xi32>, vector<16xi32>, vector<16xi32>], vector<16xf32>,
        %parallel_loop3A_474 = arith.constant 1.000000e+01 : f32
        %parallel_loop3A_475 = vector.broadcast %parallel_loop3A_474 : f32 to vector<16xf32>
        %parallel_loop3A_476 = arith.mulf %parallel_loop3A_473, %parallel_loop3A_475 : vector<16xf32>
        %parallel_loop3A_477 = arith.constant 16 : i32
        %parallel_loop3A_478 = arith.muli %parallel_loop3A_284, %parallel_loop3A_477 : i32
        %parallel_loop3A_479 = arith.constant 1792 : i32
        %parallel_loop3A_480 = arith.addi %parallel_loop3A_479, %parallel_loop3A_478 : i32
        %parallel_loop3A_481 = arith.index_cast %rem3A_185 : i32 to index
        %parallel_loop3A_482 = arith.index_cast %parallel_loop3A_480 : i32 to index
        %parallel_loop3A_483 = tpu.vector_load %arg8[%parallel_loop3A_481, %parallel_loop3A_482] {strides = array<i32>} : memref<6x4096xf32, #tpu.memory_space<vmem>>, vector<16xf32>,
        tpu.vector_store %arg8[%parallel_loop3A_481, %parallel_loop3A_482], %parallel_loop3A_476 {strides = array<i32>} : memref<6x4096xf32, #tpu.memory_space<vmem>>, vector<16xf32>,
        %parallel_loop3A_484 = arith.constant 15 : i32
        %parallel_loop3A_485 = vector.broadcast %parallel_loop3A_484 : i32 to vector<16xi32>
        %parallel_loop3A_486 = tpu.vector_load_idx %arg7[%broadcast_in_dim3A, %parallel_loop3A_288, %parallel_loop3A_485] : memref<6x128x32xf32, #tpu.memory_space<vmem>>[vector<16xi32>, vector<16xi32>, vector<16xi32>], vector<16xf32>,
        %parallel_loop3A_487 = arith.constant 1.000000e+01 : f32
        %parallel_loop3A_488 = vector.broadcast %parallel_loop3A_487 : f32 to vector<16xf32>
        %parallel_loop3A_489 = arith.mulf %parallel_loop3A_486, %parallel_loop3A_488 : vector<16xf32>
        %parallel_loop3A_490 = arith.constant 16 : i32
        %parallel_loop3A_491 = arith.muli %parallel_loop3A_284, %parallel_loop3A_490 : i32
        %parallel_loop3A_492 = arith.constant 1920 : i32
        %parallel_loop3A_493 = arith.addi %parallel_loop3A_492, %parallel_loop3A_491 : i32
        %parallel_loop3A_494 = arith.index_cast %rem3A_185 : i32 to index
        %parallel_loop3A_495 = arith.index_cast %parallel_loop3A_493 : i32 to index
        %parallel_loop3A_496 = tpu.vector_load %arg8[%parallel_loop3A_494, %parallel_loop3A_495] {strides = array<i32>} : memref<6x4096xf32, #tpu.memory_space<vmem>>, vector<16xf32>,
        tpu.vector_store %arg8[%parallel_loop3A_494, %parallel_loop3A_495], %parallel_loop3A_489 {strides = array<i32>} : memref<6x4096xf32, #tpu.memory_space<vmem>>, vector<16xf32>,
        %parallel_loop3A_497 = arith.constant 16 : i32
        %parallel_loop3A_498 = vector.broadcast %parallel_loop3A_497 : i32 to vector<16xi32>
        %parallel_loop3A_499 = tpu.vector_load_idx %arg7[%broadcast_in_dim3A, %parallel_loop3A_288, %parallel_loop3A_498] : memref<6x128x32xf32, #tpu.memory_space<vmem>>[vector<16xi32>, vector<16xi32>, vector<16xi32>], vector<16xf32>,
        %parallel_loop3A_500 = arith.constant 1.000000e+01 : f32
        %parallel_loop3A_501 = vector.broadcast %parallel_loop3A_500 : f32 to vector<16xf32>
        %parallel_loop3A_502 = arith.mulf %parallel_loop3A_499, %parallel_loop3A_501 : vector<16xf32>
        %parallel_loop3A_503 = arith.constant 16 : i32
        %parallel_loop3A_504 = arith.muli %parallel_loop3A_284, %parallel_loop3A_503 : i32
        %parallel_loop3A_505 = arith.constant 2048 : i32
        %parallel_loop3A_506 = arith.addi %parallel_loop3A_505, %parallel_loop3A_504 : i32
        %parallel_loop3A_507 = arith.index_cast %rem3A_185 : i32 to index
        %parallel_loop3A_508 = arith.index_cast %parallel_loop3A_506 : i32 to index
        %parallel_loop3A_509 = tpu.vector_load %arg8[%parallel_loop3A_507, %parallel_loop3A_508] {strides = array<i32>} : memref<6x4096xf32, #tpu.memory_space<vmem>>, vector<16xf32>,
        tpu.vector_store %arg8[%parallel_loop3A_507, %parallel_loop3A_508], %parallel_loop3A_502 {strides = array<i32>} : memref<6x4096xf32, #tpu.memory_space<vmem>>, vector<16xf32>,
        %parallel_loop3A_510 = arith.constant 17 : i32
        %parallel_loop3A_511 = vector.broadcast %parallel_loop3A_510 : i32 to vector<16xi32>
        %parallel_loop3A_512 = tpu.vector_load_idx %arg7[%broadcast_in_dim3A, %parallel_loop3A_288, %parallel_loop3A_511] : memref<6x128x32xf32, #tpu.memory_space<vmem>>[vector<16xi32>, vector<16xi32>, vector<16xi32>], vector<16xf32>,
        %parallel_loop3A_513 = arith.constant 1.000000e+01 : f32
        %parallel_loop3A_514 = vector.broadcast %parallel_loop3A_513 : f32 to vector<16xf32>
        %parallel_loop3A_515 = arith.mulf %parallel_loop3A_512, %parallel_loop3A_514 : vector<16xf32>
        %parallel_loop3A_516 = arith.constant 16 : i32
        %parallel_loop3A_517 = arith.muli %parallel_loop3A_284, %parallel_loop3A_516 : i32
        %parallel_loop3A_518 = arith.constant 2176 : i32
        %parallel_loop3A_519 = arith.addi %parallel_loop3A_518, %parallel_loop3A_517 : i32
        %parallel_loop3A_520 = arith.index_cast %rem3A_185 : i32 to index
        %parallel_loop3A_521 = arith.index_cast %parallel_loop3A_519 : i32 to index
        %parallel_loop3A_522 = tpu.vector_load %arg8[%parallel_loop3A_520, %parallel_loop3A_521] {strides = array<i32>} : memref<6x4096xf32, #tpu.memory_space<vmem>>, vector<16xf32>,
        tpu.vector_store %arg8[%parallel_loop3A_520, %parallel_loop3A_521], %parallel_loop3A_515 {strides = array<i32>} : memref<6x4096xf32, #tpu.memory_space<vmem>>, vector<16xf32>,
        %parallel_loop3A_523 = arith.constant 18 : i32
        %parallel_loop3A_524 = vector.broadcast %parallel_loop3A_523 : i32 to vector<16xi32>
        %parallel_loop3A_525 = tpu.vector_load_idx %arg7[%broadcast_in_dim3A, %parallel_loop3A_288, %parallel_loop3A_524] : memref<6x128x32xf32, #tpu.memory_space<vmem>>[vector<16xi32>, vector<16xi32>, vector<16xi32>], vector<16xf32>,
        %parallel_loop3A_526 = arith.constant 1.000000e+01 : f32
        %parallel_loop3A_527 = vector.broadcast %parallel_loop3A_526 : f32 to vector<16xf32>
        %parallel_loop3A_528 = arith.mulf %parallel_loop3A_525, %parallel_loop3A_527 : vector<16xf32>
        %parallel_loop3A_529 = arith.constant 16 : i32
        %parallel_loop3A_530 = arith.muli %parallel_loop3A_284, %parallel_loop3A_529 : i32
        %parallel_loop3A_531 = arith.constant 2304 : i32
        %parallel_loop3A_532 = arith.addi %parallel_loop3A_531, %parallel_loop3A_530 : i32
        %parallel_loop3A_533 = arith.index_cast %rem3A_185 : i32 to index
        %parallel_loop3A_534 = arith.index_cast %parallel_loop3A_532 : i32 to index
        %parallel_loop3A_535 = tpu.vector_load %arg8[%parallel_loop3A_533, %parallel_loop3A_534] {strides = array<i32>} : memref<6x4096xf32, #tpu.memory_space<vmem>>, vector<16xf32>,
        tpu.vector_store %arg8[%parallel_loop3A_533, %parallel_loop3A_534], %parallel_loop3A_528 {strides = array<i32>} : memref<6x4096xf32, #tpu.memory_space<vmem>>, vector<16xf32>,
        %parallel_loop3A_536 = arith.constant 19 : i32
        %parallel_loop3A_537 = vector.broadcast %parallel_loop3A_536 : i32 to vector<16xi32>
        %parallel_loop3A_538 = tpu.vector_load_idx %arg7[%broadcast_in_dim3A, %parallel_loop3A_288, %parallel_loop3A_537] : memref<6x128x32xf32, #tpu.memory_space<vmem>>[vector<16xi32>, vector<16xi32>, vector<16xi32>], vector<16xf32>,
        %parallel_loop3A_539 = arith.constant 1.000000e+01 : f32
        %parallel_loop3A_540 = vector.broadcast %parallel_loop3A_539 : f32 to vector<16xf32>
        %parallel_loop3A_541 = arith.mulf %parallel_loop3A_538, %parallel_loop3A_540 : vector<16xf32>
        %parallel_loop3A_542 = arith.constant 16 : i32
        %parallel_loop3A_543 = arith.muli %parallel_loop3A_284, %parallel_loop3A_542 : i32
        %parallel_loop3A_544 = arith.constant 2432 : i32
        %parallel_loop3A_545 = arith.addi %parallel_loop3A_544, %parallel_loop3A_543 : i32
        %parallel_loop3A_546 = arith.index_cast %rem3A_185 : i32 to index
        %parallel_loop3A_547 = arith.index_cast %parallel_loop3A_545 : i32 to index
        %parallel_loop3A_548 = tpu.vector_load %arg8[%parallel_loop3A_546, %parallel_loop3A_547] {strides = array<i32>} : memref<6x4096xf32, #tpu.memory_space<vmem>>, vector<16xf32>,
        tpu.vector_store %arg8[%parallel_loop3A_546, %parallel_loop3A_547], %parallel_loop3A_541 {strides = array<i32>} : memref<6x4096xf32, #tpu.memory_space<vmem>>, vector<16xf32>,
        %parallel_loop3A_549 = arith.constant 20 : i32
        %parallel_loop3A_550 = vector.broadcast %parallel_loop3A_549 : i32 to vector<16xi32>
        %parallel_loop3A_551 = tpu.vector_load_idx %arg7[%broadcast_in_dim3A, %parallel_loop3A_288, %parallel_loop3A_550] : memref<6x128x32xf32, #tpu.memory_space<vmem>>[vector<16xi32>, vector<16xi32>, vector<16xi32>], vector<16xf32>,
        %parallel_loop3A_552 = arith.constant 1.000000e+01 : f32
        %parallel_loop3A_553 = vector.broadcast %parallel_loop3A_552 : f32 to vector<16xf32>
        %parallel_loop3A_554 = arith.mulf %parallel_loop3A_551, %parallel_loop3A_553 : vector<16xf32>
        %parallel_loop3A_555 = arith.constant 16 : i32
        %parallel_loop3A_556 = arith.muli %parallel_loop3A_284, %parallel_loop3A_555 : i32
        %parallel_loop3A_557 = arith.constant 2560 : i32
        %parallel_loop3A_558 = arith.addi %parallel_loop3A_557, %parallel_loop3A_556 : i32
        %parallel_loop3A_559 = arith.index_cast %rem3A_185 : i32 to index
        %parallel_loop3A_560 = arith.index_cast %parallel_loop3A_558 : i32 to index
        %parallel_loop3A_561 = tpu.vector_load %arg8[%parallel_loop3A_559, %parallel_loop3A_560] {strides = array<i32>} : memref<6x4096xf32, #tpu.memory_space<vmem>>, vector<16xf32>,
        tpu.vector_store %arg8[%parallel_loop3A_559, %parallel_loop3A_560], %parallel_loop3A_554 {strides = array<i32>} : memref<6x4096xf32, #tpu.memory_space<vmem>>, vector<16xf32>,
        %parallel_loop3A_562 = arith.constant 21 : i32
        %parallel_loop3A_563 = vector.broadcast %parallel_loop3A_562 : i32 to vector<16xi32>
        %parallel_loop3A_564 = tpu.vector_load_idx %arg7[%broadcast_in_dim3A, %parallel_loop3A_288, %parallel_loop3A_563] : memref<6x128x32xf32, #tpu.memory_space<vmem>>[vector<16xi32>, vector<16xi32>, vector<16xi32>], vector<16xf32>,
        %parallel_loop3A_565 = arith.constant 1.000000e+01 : f32
        %parallel_loop3A_566 = vector.broadcast %parallel_loop3A_565 : f32 to vector<16xf32>
        %parallel_loop3A_567 = arith.mulf %parallel_loop3A_564, %parallel_loop3A_566 : vector<16xf32>
        %parallel_loop3A_568 = arith.constant 16 : i32
        %parallel_loop3A_569 = arith.muli %parallel_loop3A_284, %parallel_loop3A_568 : i32
        %parallel_loop3A_570 = arith.constant 2688 : i32
        %parallel_loop3A_571 = arith.addi %parallel_loop3A_570, %parallel_loop3A_569 : i32
        %parallel_loop3A_572 = arith.index_cast %rem3A_185 : i32 to index
        %parallel_loop3A_573 = arith.index_cast %parallel_loop3A_571 : i32 to index
        %parallel_loop3A_574 = tpu.vector_load %arg8[%parallel_loop3A_572, %parallel_loop3A_573] {strides = array<i32>} : memref<6x4096xf32, #tpu.memory_space<vmem>>, vector<16xf32>,
        tpu.vector_store %arg8[%parallel_loop3A_572, %parallel_loop3A_573], %parallel_loop3A_567 {strides = array<i32>} : memref<6x4096xf32, #tpu.memory_space<vmem>>, vector<16xf32>,
        %parallel_loop3A_575 = arith.constant 22 : i32
        %parallel_loop3A_576 = vector.broadcast %parallel_loop3A_575 : i32 to vector<16xi32>
        %parallel_loop3A_577 = tpu.vector_load_idx %arg7[%broadcast_in_dim3A, %parallel_loop3A_288, %parallel_loop3A_576] : memref<6x128x32xf32, #tpu.memory_space<vmem>>[vector<16xi32>, vector<16xi32>, vector<16xi32>], vector<16xf32>,
        %parallel_loop3A_578 = arith.constant 1.000000e+01 : f32
        %parallel_loop3A_579 = vector.broadcast %parallel_loop3A_578 : f32 to vector<16xf32>
        %parallel_loop3A_580 = arith.mulf %parallel_loop3A_577, %parallel_loop3A_579 : vector<16xf32>
        %parallel_loop3A_581 = arith.constant 16 : i32
        %parallel_loop3A_582 = arith.muli %parallel_loop3A_284, %parallel_loop3A_581 : i32
        %parallel_loop3A_583 = arith.constant 2816 : i32
        %parallel_loop3A_584 = arith.addi %parallel_loop3A_583, %parallel_loop3A_582 : i32
        %parallel_loop3A_585 = arith.index_cast %rem3A_185 : i32 to index
        %parallel_loop3A_586 = arith.index_cast %parallel_loop3A_584 : i32 to index
        %parallel_loop3A_587 = tpu.vector_load %arg8[%parallel_loop3A_585, %parallel_loop3A_586] {strides = array<i32>} : memref<6x4096xf32, #tpu.memory_space<vmem>>, vector<16xf32>,
        tpu.vector_store %arg8[%parallel_loop3A_585, %parallel_loop3A_586], %parallel_loop3A_580 {strides = array<i32>} : memref<6x4096xf32, #tpu.memory_space<vmem>>, vector<16xf32>,
        %parallel_loop3A_588 = arith.constant 23 : i32
        %parallel_loop3A_589 = vector.broadcast %parallel_loop3A_588 : i32 to vector<16xi32>
        %parallel_loop3A_590 = tpu.vector_load_idx %arg7[%broadcast_in_dim3A, %parallel_loop3A_288, %parallel_loop3A_589] : memref<6x128x32xf32, #tpu.memory_space<vmem>>[vector<16xi32>, vector<16xi32>, vector<16xi32>], vector<16xf32>,
        %parallel_loop3A_591 = arith.constant 1.000000e+01 : f32
        %parallel_loop3A_592 = vector.broadcast %parallel_loop3A_591 : f32 to vector<16xf32>
        %parallel_loop3A_593 = arith.mulf %parallel_loop3A_590, %parallel_loop3A_592 : vector<16xf32>
        %parallel_loop3A_594 = arith.constant 16 : i32
        %parallel_loop3A_595 = arith.muli %parallel_loop3A_284, %parallel_loop3A_594 : i32
        %parallel_loop3A_596 = arith.constant 2944 : i32
        %parallel_loop3A_597 = arith.addi %parallel_loop3A_596, %parallel_loop3A_595 : i32
        %parallel_loop3A_598 = arith.index_cast %rem3A_185 : i32 to index
        %parallel_loop3A_599 = arith.index_cast %parallel_loop3A_597 : i32 to index
        %parallel_loop3A_600 = tpu.vector_load %arg8[%parallel_loop3A_598, %parallel_loop3A_599] {strides = array<i32>} : memref<6x4096xf32, #tpu.memory_space<vmem>>, vector<16xf32>,
        tpu.vector_store %arg8[%parallel_loop3A_598, %parallel_loop3A_599], %parallel_loop3A_593 {strides = array<i32>} : memref<6x4096xf32, #tpu.memory_space<vmem>>, vector<16xf32>,
        %parallel_loop3A_601 = arith.constant 24 : i32
        %parallel_loop3A_602 = vector.broadcast %parallel_loop3A_601 : i32 to vector<16xi32>
        %parallel_loop3A_603 = tpu.vector_load_idx %arg7[%broadcast_in_dim3A, %parallel_loop3A_288, %parallel_loop3A_602] : memref<6x128x32xf32, #tpu.memory_space<vmem>>[vector<16xi32>, vector<16xi32>, vector<16xi32>], vector<16xf32>,
        %parallel_loop3A_604 = arith.constant 1.000000e+01 : f32
        %parallel_loop3A_605 = vector.broadcast %parallel_loop3A_604 : f32 to vector<16xf32>
        %parallel_loop3A_606 = arith.mulf %parallel_loop3A_603, %parallel_loop3A_605 : vector<16xf32>
        %parallel_loop3A_607 = arith.constant 16 : i32
        %parallel_loop3A_608 = arith.muli %parallel_loop3A_284, %parallel_loop3A_607 : i32
        %parallel_loop3A_609 = arith.constant 3072 : i32
        %parallel_loop3A_610 = arith.addi %parallel_loop3A_609, %parallel_loop3A_608 : i32
        %parallel_loop3A_611 = arith.index_cast %rem3A_185 : i32 to index
        %parallel_loop3A_612 = arith.index_cast %parallel_loop3A_610 : i32 to index
        %parallel_loop3A_613 = tpu.vector_load %arg8[%parallel_loop3A_611, %parallel_loop3A_612] {strides = array<i32>} : memref<6x4096xf32, #tpu.memory_space<vmem>>, vector<16xf32>,
        tpu.vector_store %arg8[%parallel_loop3A_611, %parallel_loop3A_612], %parallel_loop3A_606 {strides = array<i32>} : memref<6x4096xf32, #tpu.memory_space<vmem>>, vector<16xf32>,
        %parallel_loop3A_614 = arith.constant 25 : i32
        %parallel_loop3A_615 = vector.broadcast %parallel_loop3A_614 : i32 to vector<16xi32>
        %parallel_loop3A_616 = tpu.vector_load_idx %arg7[%broadcast_in_dim3A, %parallel_loop3A_288, %parallel_loop3A_615] : memref<6x128x32xf32, #tpu.memory_space<vmem>>[vector<16xi32>, vector<16xi32>, vector<16xi32>], vector<16xf32>,
        %parallel_loop3A_617 = arith.constant 1.000000e+01 : f32
        %parallel_loop3A_618 = vector.broadcast %parallel_loop3A_617 : f32 to vector<16xf32>
        %parallel_loop3A_619 = arith.mulf %parallel_loop3A_616, %parallel_loop3A_618 : vector<16xf32>
        %parallel_loop3A_620 = arith.constant 16 : i32
        %parallel_loop3A_621 = arith.muli %parallel_loop3A_284, %parallel_loop3A_620 : i32
        %parallel_loop3A_622 = arith.constant 3200 : i32
        %parallel_loop3A_623 = arith.addi %parallel_loop3A_622, %parallel_loop3A_621 : i32
        %parallel_loop3A_624 = arith.index_cast %rem3A_185 : i32 to index
        %parallel_loop3A_625 = arith.index_cast %parallel_loop3A_623 : i32 to index
        %parallel_loop3A_626 = tpu.vector_load %arg8[%parallel_loop3A_624, %parallel_loop3A_625] {strides = array<i32>} : memref<6x4096xf32, #tpu.memory_space<vmem>>, vector<16xf32>,
        tpu.vector_store %arg8[%parallel_loop3A_624, %parallel_loop3A_625], %parallel_loop3A_619 {strides = array<i32>} : memref<6x4096xf32, #tpu.memory_space<vmem>>, vector<16xf32>,
        %parallel_loop3A_627 = arith.constant 26 : i32
        %parallel_loop3A_628 = vector.broadcast %parallel_loop3A_627 : i32 to vector<16xi32>
        %parallel_loop3A_629 = tpu.vector_load_idx %arg7[%broadcast_in_dim3A, %parallel_loop3A_288, %parallel_loop3A_628] : memref<6x128x32xf32, #tpu.memory_space<vmem>>[vector<16xi32>, vector<16xi32>, vector<16xi32>], vector<16xf32>,
        %parallel_loop3A_630 = arith.constant 1.000000e+01 : f32
        %parallel_loop3A_631 = vector.broadcast %parallel_loop3A_630 : f32 to vector<16xf32>
        %parallel_loop3A_632 = arith.mulf %parallel_loop3A_629, %parallel_loop3A_631 : vector<16xf32>
        %parallel_loop3A_633 = arith.constant 16 : i32
        %parallel_loop3A_634 = arith.muli %parallel_loop3A_284, %parallel_loop3A_633 : i32
        %parallel_loop3A_635 = arith.constant 3328 : i32
        %parallel_loop3A_636 = arith.addi %parallel_loop3A_635, %parallel_loop3A_634 : i32
        %parallel_loop3A_637 = arith.index_cast %rem3A_185 : i32 to index
        %parallel_loop3A_638 = arith.index_cast %parallel_loop3A_636 : i32 to index
        %parallel_loop3A_639 = tpu.vector_load %arg8[%parallel_loop3A_637, %parallel_loop3A_638] {strides = array<i32>} : memref<6x4096xf32, #tpu.memory_space<vmem>>, vector<16xf32>,
        tpu.vector_store %arg8[%parallel_loop3A_637, %parallel_loop3A_638], %parallel_loop3A_632 {strides = array<i32>} : memref<6x4096xf32, #tpu.memory_space<vmem>>, vector<16xf32>,
        %parallel_loop3A_640 = arith.constant 27 : i32
        %parallel_loop3A_641 = vector.broadcast %parallel_loop3A_640 : i32 to vector<16xi32>
        %parallel_loop3A_642 = tpu.vector_load_idx %arg7[%broadcast_in_dim3A, %parallel_loop3A_288, %parallel_loop3A_641] : memref<6x128x32xf32, #tpu.memory_space<vmem>>[vector<16xi32>, vector<16xi32>, vector<16xi32>], vector<16xf32>,
        %parallel_loop3A_643 = arith.constant 1.000000e+01 : f32
        %parallel_loop3A_644 = vector.broadcast %parallel_loop3A_643 : f32 to vector<16xf32>
        %parallel_loop3A_645 = arith.mulf %parallel_loop3A_642, %parallel_loop3A_644 : vector<16xf32>
        %parallel_loop3A_646 = arith.constant 16 : i32
        %parallel_loop3A_647 = arith.muli %parallel_loop3A_284, %parallel_loop3A_646 : i32
        %parallel_loop3A_648 = arith.constant 3456 : i32
        %parallel_loop3A_649 = arith.addi %parallel_loop3A_648, %parallel_loop3A_647 : i32
        %parallel_loop3A_650 = arith.index_cast %rem3A_185 : i32 to index
        %parallel_loop3A_651 = arith.index_cast %parallel_loop3A_649 : i32 to index
        %parallel_loop3A_652 = tpu.vector_load %arg8[%parallel_loop3A_650, %parallel_loop3A_651] {strides = array<i32>} : memref<6x4096xf32, #tpu.memory_space<vmem>>, vector<16xf32>,
        tpu.vector_store %arg8[%parallel_loop3A_650, %parallel_loop3A_651], %parallel_loop3A_645 {strides = array<i32>} : memref<6x4096xf32, #tpu.memory_space<vmem>>, vector<16xf32>,
        %parallel_loop3A_653 = arith.constant 28 : i32
        %parallel_loop3A_654 = vector.broadcast %parallel_loop3A_653 : i32 to vector<16xi32>
        %parallel_loop3A_655 = tpu.vector_load_idx %arg7[%broadcast_in_dim3A, %parallel_loop3A_288, %parallel_loop3A_654] : memref<6x128x32xf32, #tpu.memory_space<vmem>>[vector<16xi32>, vector<16xi32>, vector<16xi32>], vector<16xf32>,
        %parallel_loop3A_656 = arith.constant 1.000000e+01 : f32
        %parallel_loop3A_657 = vector.broadcast %parallel_loop3A_656 : f32 to vector<16xf32>
        %parallel_loop3A_658 = arith.mulf %parallel_loop3A_655, %parallel_loop3A_657 : vector<16xf32>
        %parallel_loop3A_659 = arith.constant 16 : i32
        %parallel_loop3A_660 = arith.muli %parallel_loop3A_284, %parallel_loop3A_659 : i32
        %parallel_loop3A_661 = arith.constant 3584 : i32
        %parallel_loop3A_662 = arith.addi %parallel_loop3A_661, %parallel_loop3A_660 : i32
        %parallel_loop3A_663 = arith.index_cast %rem3A_185 : i32 to index
        %parallel_loop3A_664 = arith.index_cast %parallel_loop3A_662 : i32 to index
        %parallel_loop3A_665 = tpu.vector_load %arg8[%parallel_loop3A_663, %parallel_loop3A_664] {strides = array<i32>} : memref<6x4096xf32, #tpu.memory_space<vmem>>, vector<16xf32>,
        tpu.vector_store %arg8[%parallel_loop3A_663, %parallel_loop3A_664], %parallel_loop3A_658 {strides = array<i32>} : memref<6x4096xf32, #tpu.memory_space<vmem>>, vector<16xf32>,
        %parallel_loop3A_666 = arith.constant 29 : i32
        %parallel_loop3A_667 = vector.broadcast %parallel_loop3A_666 : i32 to vector<16xi32>
        %parallel_loop3A_668 = tpu.vector_load_idx %arg7[%broadcast_in_dim3A, %parallel_loop3A_288, %parallel_loop3A_667] : memref<6x128x32xf32, #tpu.memory_space<vmem>>[vector<16xi32>, vector<16xi32>, vector<16xi32>], vector<16xf32>,
        %parallel_loop3A_669 = arith.constant 1.000000e+01 : f32
        %parallel_loop3A_670 = vector.broadcast %parallel_loop3A_669 : f32 to vector<16xf32>
        %parallel_loop3A_671 = arith.mulf %parallel_loop3A_668, %parallel_loop3A_670 : vector<16xf32>
        %parallel_loop3A_672 = arith.constant 16 : i32
        %parallel_loop3A_673 = arith.muli %parallel_loop3A_284, %parallel_loop3A_672 : i32
        %parallel_loop3A_674 = arith.constant 3712 : i32
        %parallel_loop3A_675 = arith.addi %parallel_loop3A_674, %parallel_loop3A_673 : i32
        %parallel_loop3A_676 = arith.index_cast %rem3A_185 : i32 to index
        %parallel_loop3A_677 = arith.index_cast %parallel_loop3A_675 : i32 to index
        %parallel_loop3A_678 = tpu.vector_load %arg8[%parallel_loop3A_676, %parallel_loop3A_677] {strides = array<i32>} : memref<6x4096xf32, #tpu.memory_space<vmem>>, vector<16xf32>,
        tpu.vector_store %arg8[%parallel_loop3A_676, %parallel_loop3A_677], %parallel_loop3A_671 {strides = array<i32>} : memref<6x4096xf32, #tpu.memory_space<vmem>>, vector<16xf32>,
        %parallel_loop3A_679 = arith.constant 30 : i32
        %parallel_loop3A_680 = vector.broadcast %parallel_loop3A_679 : i32 to vector<16xi32>
        %parallel_loop3A_681 = tpu.vector_load_idx %arg7[%broadcast_in_dim3A, %parallel_loop3A_288, %parallel_loop3A_680] : memref<6x128x32xf32, #tpu.memory_space<vmem>>[vector<16xi32>, vector<16xi32>, vector<16xi32>], vector<16xf32>,
        %parallel_loop3A_682 = arith.constant 1.000000e+01 : f32
        %parallel_loop3A_683 = vector.broadcast %parallel_loop3A_682 : f32 to vector<16xf32>
        %parallel_loop3A_684 = arith.mulf %parallel_loop3A_681, %parallel_loop3A_683 : vector<16xf32>
        %parallel_loop3A_685 = arith.constant 16 : i32
        %parallel_loop3A_686 = arith.muli %parallel_loop3A_284, %parallel_loop3A_685 : i32
        %parallel_loop3A_687 = arith.constant 3840 : i32
        %parallel_loop3A_688 = arith.addi %parallel_loop3A_687, %parallel_loop3A_686 : i32
        %parallel_loop3A_689 = arith.index_cast %rem3A_185 : i32 to index
        %parallel_loop3A_690 = arith.index_cast %parallel_loop3A_688 : i32 to index
        %parallel_loop3A_691 = tpu.vector_load %arg8[%parallel_loop3A_689, %parallel_loop3A_690] {strides = array<i32>} : memref<6x4096xf32, #tpu.memory_space<vmem>>, vector<16xf32>,
        tpu.vector_store %arg8[%parallel_loop3A_689, %parallel_loop3A_690], %parallel_loop3A_684 {strides = array<i32>} : memref<6x4096xf32, #tpu.memory_space<vmem>>, vector<16xf32>,
        %parallel_loop3A_692 = arith.constant 31 : i32
        %parallel_loop3A_693 = vector.broadcast %parallel_loop3A_692 : i32 to vector<16xi32>
        %parallel_loop3A_694 = tpu.vector_load_idx %arg7[%broadcast_in_dim3A, %parallel_loop3A_288, %parallel_loop3A_693] : memref<6x128x32xf32, #tpu.memory_space<vmem>>[vector<16xi32>, vector<16xi32>, vector<16xi32>], vector<16xf32>,
        %parallel_loop3A_695 = arith.constant 1.000000e+01 : f32
        %parallel_loop3A_696 = vector.broadcast %parallel_loop3A_695 : f32 to vector<16xf32>
        %parallel_loop3A_697 = arith.mulf %parallel_loop3A_694, %parallel_loop3A_696 : vector<16xf32>
        %parallel_loop3A_698 = arith.constant 16 : i32
        %parallel_loop3A_699 = arith.muli %parallel_loop3A_284, %parallel_loop3A_698 : i32
        %parallel_loop3A_700 = arith.constant 3968 : i32
        %parallel_loop3A_701 = arith.addi %parallel_loop3A_700, %parallel_loop3A_699 : i32
        %parallel_loop3A_702 = arith.index_cast %rem3A_185 : i32 to index
        %parallel_loop3A_703 = arith.index_cast %parallel_loop3A_701 : i32 to index
        %parallel_loop3A_704 = tpu.vector_load %arg8[%parallel_loop3A_702, %parallel_loop3A_703] {strides = array<i32>} : memref<6x4096xf32, #tpu.memory_space<vmem>>, vector<16xf32>,
        tpu.vector_store %arg8[%parallel_loop3A_702, %parallel_loop3A_703], %parallel_loop3A_697 {strides = array<i32>} : memref<6x4096xf32, #tpu.memory_space<vmem>>, vector<16xf32>,
      } {sc.loop_unroll_factor = 4 : i64, sc.parallel_access}
      %mul3A_216 = arith.constant 4 : i32
      %mul3A_217 = arith.muli %shift_right_logical3A_187, %mul3A_216 : i32
      %add3A_218 = arith.constant 0 : i32
      %add3A_219 = arith.addi %mul3A_217, %add3A_218 : i32
      %mul3A_220 = arith.constant 128 : i32
      %mul3A_221 = arith.muli %add3A_219, %mul3A_220 : i32
      %add3A_222 = arith.addi %mul3A_221, %add3A_192 : i32
      %mul3A_223 = arith.constant 1024 : i32
      %mul3A_224 = arith.muli %add3A_222, %mul3A_223 : i32
      %dma_start3A_225 = arith.constant 0 : i32
      %dma_start3A_226 = tpu.memref_slice %arg8[%rem3A_185, %dma_start3A_225] : memref<6x4096xf32, #tpu.memory_space<vmem>> -> memref<1x1024xf32, #tpu.memory_space<vmem>>
      %dma_start3A_227 = tpu.memref_squeeze %dma_start3A_226 : memref<1x1024xf32, #tpu.memory_space<vmem>> -> memref<1024xf32, #tpu.memory_space<vmem>>
      %dma_start3A_228 = tpu.memref_slice %arg4[%mul3A_224] : memref<13631488xf32, #tpu.memory_space<hbm>> -> memref<1024xf32, #tpu.memory_space<hbm>>
      %dma_start3A_229 = tpu.memref_slice %arg4[%mul3A_224] : memref<13631488xf32, #tpu.memory_space<hbm>> -> memref<1024xf32, #tpu.memory_space<hbm>>
      %dma_start3A_230 = arith.constant 0 : i32
      %dma_start3A_231 = tpu.memref_slice %arg8[%rem3A_185, %dma_start3A_230] : memref<6x4096xf32, #tpu.memory_space<vmem>> -> memref<1x1024xf32, #tpu.memory_space<vmem>>
      %dma_start3A_232 = tpu.memref_squeeze %dma_start3A_231 : memref<1x1024xf32, #tpu.memory_space<vmem>> -> memref<1024xf32, #tpu.memory_space<vmem>>
      tpu.enqueue_dma source(%dma_start3A_232 : memref<1024xf32, #tpu.memory_space<vmem>>) target(%dma_start3A_229 : memref<1024xf32, #tpu.memory_space<hbm>>) target_semaphore(%arg10 : memref<!tpu.dma_semaphore, #tpu.memory_space<semaphore_mem>>)
      %mul3A_233 = arith.constant 4 : i32
      %mul3A_234 = arith.muli %shift_right_logical3A_187, %mul3A_233 : i32
      %add3A_235 = arith.constant 1 : i32
      %add3A_236 = arith.addi %mul3A_234, %add3A_235 : i32
      %mul3A_237 = arith.constant 128 : i32
      %mul3A_238 = arith.muli %add3A_236, %mul3A_237 : i32
      %add3A_239 = arith.addi %mul3A_238, %add3A_192 : i32
      %mul3A_240 = arith.constant 1024 : i32
      %mul3A_241 = arith.muli %add3A_239, %mul3A_240 : i32
      %dma_start3A_242 = arith.constant 1024 : i32
      %dma_start3A_243 = tpu.memref_slice %arg8[%rem3A_185, %dma_start3A_242] : memref<6x4096xf32, #tpu.memory_space<vmem>> -> memref<1x1024xf32, #tpu.memory_space<vmem>>
      %dma_start3A_244 = tpu.memref_squeeze %dma_start3A_243 : memref<1x1024xf32, #tpu.memory_space<vmem>> -> memref<1024xf32, #tpu.memory_space<vmem>>
      %dma_start3A_245 = tpu.memref_slice %arg4[%mul3A_241] : memref<13631488xf32, #tpu.memory_space<hbm>> -> memref<1024xf32, #tpu.memory_space<hbm>>
      %dma_start3A_246 = tpu.memref_slice %arg4[%mul3A_241] : memref<13631488xf32, #tpu.memory_space<hbm>> -> memref<1024xf32, #tpu.memory_space<hbm>>
      %dma_start3A_247 = arith.constant 1024 : i32
      %dma_start3A_248 = tpu.memref_slice %arg8[%rem3A_185, %dma_start3A_247] : memref<6x4096xf32, #tpu.memory_space<vmem>> -> memref<1x1024xf32, #tpu.memory_space<vmem>>
      %dma_start3A_249 = tpu.memref_squeeze %dma_start3A_248 : memref<1x1024xf32, #tpu.memory_space<vmem>> -> memref<1024xf32, #tpu.memory_space<vmem>>
      tpu.enqueue_dma source(%dma_start3A_249 : memref<1024xf32, #tpu.memory_space<vmem>>) target(%dma_start3A_246 : memref<1024xf32, #tpu.memory_space<hbm>>) target_semaphore(%arg10 : memref<!tpu.dma_semaphore, #tpu.memory_space<semaphore_mem>>)
      %mul3A_250 = arith.constant 4 : i32
      %mul3A_251 = arith.muli %shift_right_logical3A_187, %mul3A_250 : i32
      %add3A_252 = arith.constant 2 : i32
      %add3A_253 = arith.addi %mul3A_251, %add3A_252 : i32
      %mul3A_254 = arith.constant 128 : i32
      %mul3A_255 = arith.muli %add3A_253, %mul3A_254 : i32
      %add3A_256 = arith.addi %mul3A_255, %add3A_192 : i32
      %mul3A_257 = arith.constant 1024 : i32
      %mul3A_258 = arith.muli %add3A_256, %mul3A_257 : i32
      %dma_start3A_259 = arith.constant 2048 : i32
      %dma_start3A_260 = tpu.memref_slice %arg8[%rem3A_185, %dma_start3A_259] : memref<6x4096xf32, #tpu.memory_space<vmem>> -> memref<1x1024xf32, #tpu.memory_space<vmem>>
      %dma_start3A_261 = tpu.memref_squeeze %dma_start3A_260 : memref<1x1024xf32, #tpu.memory_space<vmem>> -> memref<1024xf32, #tpu.memory_space<vmem>>
      %dma_start3A_262 = tpu.memref_slice %arg4[%mul3A_258] : memref<13631488xf32, #tpu.memory_space<hbm>> -> memref<1024xf32, #tpu.memory_space<hbm>>
      %dma_start3A_263 = tpu.memref_slice %arg4[%mul3A_258] : memref<13631488xf32, #tpu.memory_space<hbm>> -> memref<1024xf32, #tpu.memory_space<hbm>>
      %dma_start3A_264 = arith.constant 2048 : i32
      %dma_start3A_265 = tpu.memref_slice %arg8[%rem3A_185, %dma_start3A_264] : memref<6x4096xf32, #tpu.memory_space<vmem>> -> memref<1x1024xf32, #tpu.memory_space<vmem>>
      %dma_start3A_266 = tpu.memref_squeeze %dma_start3A_265 : memref<1x1024xf32, #tpu.memory_space<vmem>> -> memref<1024xf32, #tpu.memory_space<vmem>>
      tpu.enqueue_dma source(%dma_start3A_266 : memref<1024xf32, #tpu.memory_space<vmem>>) target(%dma_start3A_263 : memref<1024xf32, #tpu.memory_space<hbm>>) target_semaphore(%arg10 : memref<!tpu.dma_semaphore, #tpu.memory_space<semaphore_mem>>)
      %mul3A_267 = arith.constant 4 : i32
      %mul3A_268 = arith.muli %shift_right_logical3A_187, %mul3A_267 : i32
      %add3A_269 = arith.constant 3 : i32
      %add3A_270 = arith.addi %mul3A_268, %add3A_269 : i32
      %mul3A_271 = arith.constant 128 : i32
      %mul3A_272 = arith.muli %add3A_270, %mul3A_271 : i32
      %add3A_273 = arith.addi %mul3A_272, %add3A_192 : i32
      %mul3A_274 = arith.constant 1024 : i32
      %mul3A_275 = arith.muli %add3A_273, %mul3A_274 : i32
      %dma_start3A_276 = arith.constant 3072 : i32
      %dma_start3A_277 = tpu.memref_slice %arg8[%rem3A_185, %dma_start3A_276] : memref<6x4096xf32, #tpu.memory_space<vmem>> -> memref<1x1024xf32, #tpu.memory_space<vmem>>
      %dma_start3A_278 = tpu.memref_squeeze %dma_start3A_277 : memref<1x1024xf32, #tpu.memory_space<vmem>> -> memref<1024xf32, #tpu.memory_space<vmem>>
      %dma_start3A_279 = tpu.memref_slice %arg4[%mul3A_275] : memref<13631488xf32, #tpu.memory_space<hbm>> -> memref<1024xf32, #tpu.memory_space<hbm>>
      %dma_start3A_280 = tpu.memref_slice %arg4[%mul3A_275] : memref<13631488xf32, #tpu.memory_space<hbm>> -> memref<1024xf32, #tpu.memory_space<hbm>>
      %dma_start3A_281 = arith.constant 3072 : i32
      %dma_start3A_282 = tpu.memref_slice %arg8[%rem3A_185, %dma_start3A_281] : memref<6x4096xf32, #tpu.memory_space<vmem>> -> memref<1x1024xf32, #tpu.memory_space<vmem>>
      %dma_start3A_283 = tpu.memref_squeeze %dma_start3A_282 : memref<1x1024xf32, #tpu.memory_space<vmem>> -> memref<1024xf32, #tpu.memory_space<vmem>>
      tpu.enqueue_dma source(%dma_start3A_283 : memref<1024xf32, #tpu.memory_space<vmem>>) target(%dma_start3A_280 : memref<1024xf32, #tpu.memory_space<hbm>>) target_semaphore(%arg10 : memref<!tpu.dma_semaphore, #tpu.memory_space<semaphore_mem>>)
    }
    %scan3A_111 = arith.constant 104 : i32
    %dma_wait3A = arith.constant 0 : i32
    %dma_wait3A_112 = arith.constant 0 : i32
    %dma_wait3A_113 = tpu.memref_slice %arg8[%dma_wait3A, %dma_wait3A_112] : memref<6x4096xf32, #tpu.memory_space<vmem>> -> memref<1x4096xf32, #tpu.memory_space<vmem>>
    %dma_wait3A_114 = tpu.memref_squeeze %dma_wait3A_113 : memref<1x4096xf32, #tpu.memory_space<vmem>> -> memref<4096xf32, #tpu.memory_space<vmem>>
    %dma_wait3A_115 = arith.constant 0 : i32
    %dma_wait3A_116 = tpu.memref_slice %arg4[%dma_wait3A_115] : memref<13631488xf32, #tpu.memory_space<hbm>> -> memref<4096xf32, #tpu.memory_space<hbm>>
    %dma_wait3A_117 = arith.constant 0 : i32
    %dma_wait3A_118 = tpu.memref_slice %arg4[%dma_wait3A_117] : memref<13631488xf32, #tpu.memory_space<hbm>> -> memref<4096xf32, #tpu.memory_space<hbm>>
    %dma_wait3A_119 = arith.constant 0 : i32
    %dma_wait3A_120 = tpu.memref_slice %arg8[%dma_wait3A, %dma_wait3A_119] : memref<6x4096xf32, #tpu.memory_space<vmem>> -> memref<1x4096xf32, #tpu.memory_space<vmem>>
    %dma_wait3A_121 = tpu.memref_squeeze %dma_wait3A_120 : memref<1x4096xf32, #tpu.memory_space<vmem>> -> memref<4096xf32, #tpu.memory_space<vmem>>
    tpu.wait_dma2 semaphore(%arg10 : memref<!tpu.dma_semaphore, #tpu.memory_space<semaphore_mem>>) src(%dma_wait3A_121 : memref<4096xf32, #tpu.memory_space<vmem>>) dst(%dma_wait3A_118 : memref<4096xf32, #tpu.memory_space<hbm>>)
    %dma_wait3A_122 = arith.constant 0 : i32
    %dma_wait3A_123 = arith.constant 0 : i32
    %dma_wait3A_124 = tpu.memref_slice %arg8[%dma_wait3A_122, %dma_wait3A_123] : memref<6x4096xf32, #tpu.memory_space<vmem>> -> memref<1x4096xf32, #tpu.memory_space<vmem>>
    %dma_wait3A_125 = tpu.memref_squeeze %dma_wait3A_124 : memref<1x4096xf32, #tpu.memory_space<vmem>> -> memref<4096xf32, #tpu.memory_space<vmem>>
    %dma_wait3A_126 = arith.constant 0 : i32
    %dma_wait3A_127 = tpu.memref_slice %arg4[%dma_wait3A_126] : memref<13631488xf32, #tpu.memory_space<hbm>> -> memref<4096xf32, #tpu.memory_space<hbm>>
    %dma_wait3A_128 = arith.constant 0 : i32
    %dma_wait3A_129 = tpu.memref_slice %arg4[%dma_wait3A_128] : memref<13631488xf32, #tpu.memory_space<hbm>> -> memref<4096xf32, #tpu.memory_space<hbm>>
    %dma_wait3A_130 = arith.constant 0 : i32
    %dma_wait3A_131 = tpu.memref_slice %arg8[%dma_wait3A_122, %dma_wait3A_130] : memref<6x4096xf32, #tpu.memory_space<vmem>> -> memref<1x4096xf32, #tpu.memory_space<vmem>>
    %dma_wait3A_132 = tpu.memref_squeeze %dma_wait3A_131 : memref<1x4096xf32, #tpu.memory_space<vmem>> -> memref<4096xf32, #tpu.memory_space<vmem>>
    tpu.wait_dma2 semaphore(%arg10 : memref<!tpu.dma_semaphore, #tpu.memory_space<semaphore_mem>>) src(%dma_wait3A_132 : memref<4096xf32, #tpu.memory_space<vmem>>) dst(%dma_wait3A_129 : memref<4096xf32, #tpu.memory_space<hbm>>)
    %dma_wait3A_133 = arith.constant 0 : i32
    %dma_wait3A_134 = arith.constant 0 : i32
    %dma_wait3A_135 = tpu.memref_slice %arg8[%dma_wait3A_133, %dma_wait3A_134] : memref<6x4096xf32, #tpu.memory_space<vmem>> -> memref<1x4096xf32, #tpu.memory_space<vmem>>
    %dma_wait3A_136 = tpu.memref_squeeze %dma_wait3A_135 : memref<1x4096xf32, #tpu.memory_space<vmem>> -> memref<4096xf32, #tpu.memory_space<vmem>>
    %dma_wait3A_137 = arith.constant 0 : i32
    %dma_wait3A_138 = tpu.memref_slice %arg4[%dma_wait3A_137] : memref<13631488xf32, #tpu.memory_space<hbm>> -> memref<4096xf32, #tpu.memory_space<hbm>>
    %dma_wait3A_139 = arith.constant 0 : i32
    %dma_wait3A_140 = tpu.memref_slice %arg4[%dma_wait3A_139] : memref<13631488xf32, #tpu.memory_space<hbm>> -> memref<4096xf32, #tpu.memory_space<hbm>>
    %dma_wait3A_141 = arith.constant 0 : i32
    %dma_wait3A_142 = tpu.memref_slice %arg8[%dma_wait3A_133, %dma_wait3A_141] : memref<6x4096xf32, #tpu.memory_space<vmem>> -> memref<1x4096xf32, #tpu.memory_space<vmem>>
    %dma_wait3A_143 = tpu.memref_squeeze %dma_wait3A_142 : memref<1x4096xf32, #tpu.memory_space<vmem>> -> memref<4096xf32, #tpu.memory_space<vmem>>
    tpu.wait_dma2 semaphore(%arg10 : memref<!tpu.dma_semaphore, #tpu.memory_space<semaphore_mem>>) src(%dma_wait3A_143 : memref<4096xf32, #tpu.memory_space<vmem>>) dst(%dma_wait3A_140 : memref<4096xf32, #tpu.memory_space<hbm>>)
    %dma_wait3A_144 = arith.constant 0 : i32
    %dma_wait3A_145 = arith.constant 0 : i32
    %dma_wait3A_146 = tpu.memref_slice %arg8[%dma_wait3A_144, %dma_wait3A_145] : memref<6x4096xf32, #tpu.memory_space<vmem>> -> memref<1x4096xf32, #tpu.memory_space<vmem>>
    %dma_wait3A_147 = tpu.memref_squeeze %dma_wait3A_146 : memref<1x4096xf32, #tpu.memory_space<vmem>> -> memref<4096xf32, #tpu.memory_space<vmem>>
    %dma_wait3A_148 = arith.constant 0 : i32
    %dma_wait3A_149 = tpu.memref_slice %arg4[%dma_wait3A_148] : memref<13631488xf32, #tpu.memory_space<hbm>> -> memref<4096xf32, #tpu.memory_space<hbm>>
    %dma_wait3A_150 = arith.constant 0 : i32
    %dma_wait3A_151 = tpu.memref_slice %arg4[%dma_wait3A_150] : memref<13631488xf32, #tpu.memory_space<hbm>> -> memref<4096xf32, #tpu.memory_space<hbm>>
    %dma_wait3A_152 = arith.constant 0 : i32
    %dma_wait3A_153 = tpu.memref_slice %arg8[%dma_wait3A_144, %dma_wait3A_152] : memref<6x4096xf32, #tpu.memory_space<vmem>> -> memref<1x4096xf32, #tpu.memory_space<vmem>>
    %dma_wait3A_154 = tpu.memref_squeeze %dma_wait3A_153 : memref<1x4096xf32, #tpu.memory_space<vmem>> -> memref<4096xf32, #tpu.memory_space<vmem>>
    tpu.wait_dma2 semaphore(%arg10 : memref<!tpu.dma_semaphore, #tpu.memory_space<semaphore_mem>>) src(%dma_wait3A_154 : memref<4096xf32, #tpu.memory_space<vmem>>) dst(%dma_wait3A_151 : memref<4096xf32, #tpu.memory_space<hbm>>)
    %dma_wait3A_155 = arith.constant 0 : i32
    %dma_wait3A_156 = arith.constant 0 : i32
    %dma_wait3A_157 = tpu.memref_slice %arg8[%dma_wait3A_155, %dma_wait3A_156] : memref<6x4096xf32, #tpu.memory_space<vmem>> -> memref<1x4096xf32, #tpu.memory_space<vmem>>
    %dma_wait3A_158 = tpu.memref_squeeze %dma_wait3A_157 : memref<1x4096xf32, #tpu.memory_space<vmem>> -> memref<4096xf32, #tpu.memory_space<vmem>>
    %dma_wait3A_159 = arith.constant 0 : i32
    %dma_wait3A_160 = tpu.memref_slice %arg4[%dma_wait3A_159] : memref<13631488xf32, #tpu.memory_space<hbm>> -> memref<4096xf32, #tpu.memory_space<hbm>>
    %dma_wait3A_161 = arith.constant 0 : i32
    %dma_wait3A_162 = tpu.memref_slice %arg4[%dma_wait3A_161] : memref<13631488xf32, #tpu.memory_space<hbm>> -> memref<4096xf32, #tpu.memory_space<hbm>>
    %dma_wait3A_163 = arith.constant 0 : i32
    %dma_wait3A_164 = tpu.memref_slice %arg8[%dma_wait3A_155, %dma_wait3A_163] : memref<6x4096xf32, #tpu.memory_space<vmem>> -> memref<1x4096xf32, #tpu.memory_space<vmem>>
    %dma_wait3A_165 = tpu.memref_squeeze %dma_wait3A_164 : memref<1x4096xf32, #tpu.memory_space<vmem>> -> memref<4096xf32, #tpu.memory_space<vmem>>
    tpu.wait_dma2 semaphore(%arg10 : memref<!tpu.dma_semaphore, #tpu.memory_space<semaphore_mem>>) src(%dma_wait3A_165 : memref<4096xf32, #tpu.memory_space<vmem>>) dst(%dma_wait3A_162 : memref<4096xf32, #tpu.memory_space<hbm>>)
    %dma_wait3A_166 = arith.constant 0 : i32
    %dma_wait3A_167 = arith.constant 0 : i32
    %dma_wait3A_168 = tpu.memref_slice %arg8[%dma_wait3A_166, %dma_wait3A_167] : memref<6x4096xf32, #tpu.memory_space<vmem>> -> memref<1x4096xf32, #tpu.memory_space<vmem>>
    %dma_wait3A_169 = tpu.memref_squeeze %dma_wait3A_168 : memref<1x4096xf32, #tpu.memory_space<vmem>> -> memref<4096xf32, #tpu.memory_space<vmem>>
    %dma_wait3A_170 = arith.constant 0 : i32
    %dma_wait3A_171 = tpu.memref_slice %arg4[%dma_wait3A_170] : memref<13631488xf32, #tpu.memory_space<hbm>> -> memref<4096xf32, #tpu.memory_space<hbm>>
    %dma_wait3A_172 = arith.constant 0 : i32
    %dma_wait3A_173 = tpu.memref_slice %arg4[%dma_wait3A_172] : memref<13631488xf32, #tpu.memory_space<hbm>> -> memref<4096xf32, #tpu.memory_space<hbm>>
    %dma_wait3A_174 = arith.constant 0 : i32
    %dma_wait3A_175 = tpu.memref_slice %arg8[%dma_wait3A_166, %dma_wait3A_174] : memref<6x4096xf32, #tpu.memory_space<vmem>> -> memref<1x4096xf32, #tpu.memory_space<vmem>>
    %dma_wait3A_176 = tpu.memref_squeeze %dma_wait3A_175 : memref<1x4096xf32, #tpu.memory_space<vmem>> -> memref<4096xf32, #tpu.memory_space<vmem>>
    tpu.wait_dma2 semaphore(%arg10 : memref<!tpu.dma_semaphore, #tpu.memory_space<semaphore_mem>>) src(%dma_wait3A_176 : memref<4096xf32, #tpu.memory_space<vmem>>) dst(%dma_wait3A_173 : memref<4096xf32, #tpu.memory_space<hbm>>)
    return
  }
}

</mosaic_0001>

<sc_bundles>
// kernel: kernel.4.cloned.1.call-start
scs
__scs_entry_jumppad:
0x0: {  	(pc) =	sbr.rel $0x88, $3  }
0x1: {  	(tag) =	ssettag $0x0;
	lr =	simm.s32 $0x1  }
0x2: {  	[smem:$0x3F9F] =	sst lr;
	_ =	strace $0xD0000000  }
0x3: {  	_ = 	snop  }
0x4: {  	_ = 	snop  }
0x5: {  	_ = 	snop  }
0x6: {  	_ = 	snop  }
0x7: {  	_ = 	snop  }
__scs_overlays_trampoline_lowered:
0x8: {  	[smem:$0x3FAE] =	sst s0  }
0x9: {  	[smem:$0x3FAF] =	sst s1  }
0xa: {  	[smem:$0x3FB0] =	sst s2  }
0xb: {  	[smem:$0x3FB1] =	sst s3  }
0xc: {  	[smem:$0x3FB2] =	sst s4  }
0xd: {  	[smem:$0x3FB3] =	sst s5  }
0xe: {  	[smem:$0x3FB4] =	sst s6  }
0xf: {  	[smem:$0x3FB5] =	sst s7  }
0x10: {  	[smem:$0x3FB6] =	sst s8  }
0x11: {  	[smem:$0x3FB7] =	sst s9;
	s0 =	simm.s32 @!p0 $0x0  }
0x12: {  	s1 =	sld [smem:$0x3F9D];
	s0 =	simm.s32 @p0 $0x1  }
0x13: {  	[smem:$0x3FB8] =	sst s0;
	s0 =	simm.s32 @!p1 $0x0  }
0x14: {  	s2 =	sld [smem:$0x3F9C];
	s0 =	simm.s32 @p1 $0x1  }
0x15: {  	[smem:$0x3FB9] =	sst s0;
	s0 =	simm.s32 @!p2 $0x0  }
0x16: {  	s3 =	sld [smem:$0x3FDB];
	s0 =	simm.s32 @p2 $0x1  }
0x17: {  	s4 =	simm.s32 $0x1BF5;
	[smem:$0x3FBB] =	sst s0  }
0x18: {  	s0 =	sld [smem:$0x3F9E];
	_ =	swait.ge [sflag:s4], $0x0  }
0x19: {  	s7 =	sld [smem:$0x3F9F]  }
0x1a: {  	s8 =	sadd.s32 $0xFFFFE003, lr  }
0x1b: {  	s9 =	sadd.s32 $0xFFFFFEF7, lr;
	s5 =	simm.s32 $0xFFFFFFFF;
	p2 =	slt.u32 s8, $0xFFFFF086  }
0x1c: {  	p1 =	slt.u32 s9, $0xF7A;
	s5 =	simm.s32 @!p2 $0x0  }
0x1d: {  	s5 =	simm.s32 @p1 $0x1;
	p0 =	seq.s32 s7, s2  }
0x1e: {  	s7 =	smul.u32 @!p0 $0xF7A, s2;
	p2 =	seq.s32 @!p0 s5, $0x0  }
0x1f: {  	s9 =	smul.u32 $0xF7A, s1;
	s8 =	simm.s32 @!p0 $0x1BF5;
	p2 =	por !p2, p0  }
0x20: {  	[sflag:s8] =	ssyncset.s32 @!p0 $0xFFFFF086;
	s6 =	sadd.s32 @!p0 s3, s7;
	s7 =	simm.s32 @!p0 $0x108  }
0x21: {  	s3 =	sadd.s32 s3, s9;
	s6 =	sadd.s32 @!p0 $0x88, s6;
	s7 =	simm.s32 @p2 $0x1082  }
0x22: {  	[simem:s7], [sflag:s8] =	dma.local @!p0 [hbm:s6], $0xF7A  }
0x23: {  	s9 =	sor.u32 $0xD0000000, s2;
	s6 =	simm.s32 $0x108;
	_ =	swait.ge @!p0 [sflag:s8], $0x0  }
0x24: {  	s3 =	sadd.s32 $0x88, s3;
	s6 =	simm.s32 @!p1 $0x1082;
	[sflag:s4] =	ssyncset.s32 $0xFFFFF086  }
0x25: {  	[simem:s6], [sflag:s4] =	dma.local [hbm:s3], $0xF7A  }
0x26: {  	[smem:$0x3F9F] =	sst s1;
	(tag) =	ssettag s2;
	_ =	strace s9  }
0x27: {  	s1 =	sld [smem:$0x3FAF]  }
0x28: {  	s2 =	sld [smem:$0x3FB0]  }
0x29: {  	s4 =	sld [smem:$0x3FB2]  }
0x2a: {  	p0 =	seq.s32 s5, $0x0;
	s5 =	sld [smem:$0x3FB3]  }
0x2b: {  	s6 =	sld [smem:$0x3FB4]  }
0x2c: {  	s7 =	sld [smem:$0x3FB5]  }
0x2d: {  	s3 =	simm.s32 $0x108;
	s8 =	sld [smem:$0x3FB6]  }
0x2e: {  	s3 =	simm.s32 @!p0 $0x1082;
	s9 =	sld [smem:$0x3FB7]  }
0x2f: {  	lr =	sadd.s32 s0, s3;
	s0 =	sld [smem:$0x3FAE]  }
0x30: {  	s3 =	sld [smem:$0x3FB1]  }
0x31: {  	[smem:$0x3FBA] =	sst s10  }
0x32: {  	s10 =	sld [smem:$0x3FB8];
	_ =	sdelay $0x3  }
0x33: {  	p0 =	seq.s32 s10, $0x1;
	s10 =	sld [smem:$0x3FBA];
	_ =	sdelay $0x3  }
0x34: {  	[smem:$0x3FBA] =	sst s10  }
0x35: {  	s10 =	sld [smem:$0x3FB9];
	_ =	sdelay $0x3  }
0x36: {  	p1 =	seq.s32 s10, $0x1;
	s10 =	sld [smem:$0x3FBA];
	_ =	sdelay $0x3  }
0x37: {  	[smem:$0x3FBA] =	sst s10  }
0x38: {  	s10 =	sld [smem:$0x3FBB]  }
0x39: {  	_ = 	snop;
	(pc) =	sbr.ind lr, $3  }
0x3a: {  	_ = 	snop  }
0x3b: {  	_ = 	snop  }
0x3c: {  	p2 =	seq.s32 s10, $0x1;
	s10 =	sld [smem:$0x3FBA]  }
0x3d: {  	_ =	shalt  }
0x3e: {  	_ =	shalt  }
0x3f: {  	_ =	shalt  }
0x40: {  	_ =	shalt  }
0x41: {  	_ =	shalt  }
0x42: {  	_ =	shalt  }
0x43: {  	_ =	shalt  }
0x44: {  	_ =	shalt  }
0x45: {  	_ =	shalt  }
0x46: {  	_ =	shalt  }
0x47: {  	_ =	shalt  }
0x48: {  	_ =	shalt  }
0x49: {  	_ =	shalt  }
0x4a: {  	_ =	shalt  }
0x4b: {  	_ =	shalt  }
0x4c: {  	_ =	shalt  }
0x4d: {  	_ =	shalt  }
0x4e: {  	_ =	shalt  }
0x4f: {  	_ =	shalt  }
0x50: {  	_ =	shalt  }
0x51: {  	_ =	shalt  }
0x52: {  	_ =	shalt  }
0x53: {  	_ =	shalt  }
0x54: {  	_ =	shalt  }
0x55: {  	_ =	shalt  }
0x56: {  	_ =	shalt  }
0x57: {  	_ =	shalt  }
0x58: {  	_ =	shalt  }
0x59: {  	_ =	shalt  }
0x5a: {  	_ =	shalt  }
0x5b: {  	_ =	shalt  }
0x5c: {  	_ =	shalt  }
0x5d: {  	_ =	shalt  }
0x5e: {  	_ =	shalt  }
0x5f: {  	_ =	shalt  }
0x60: {  	_ =	shalt  }
0x61: {  	_ =	shalt  }
0x62: {  	_ =	shalt  }
0x63: {  	_ =	shalt  }
0x64: {  	_ =	shalt  }
0x65: {  	_ =	shalt  }
0x66: {  	_ =	shalt  }
0x67: {  	_ =	shalt  }
0x68: {  	_ =	shalt  }
0x69: {  	_ =	shalt  }
0x6a: {  	_ =	shalt  }
0x6b: {  	_ =	shalt  }
0x6c: {  	_ =	shalt  }
0x6d: {  	_ =	shalt  }
0x6e: {  	_ =	shalt  }
0x6f: {  	_ =	shalt  }
0x70: {  	_ =	shalt  }
0x71: {  	_ =	shalt  }
0x72: {  	_ =	shalt  }
0x73: {  	_ =	shalt  }
0x74: {  	_ =	shalt  }
0x75: {  	_ =	shalt  }
0x76: {  	_ =	shalt  }
0x77: {  	_ =	shalt  }
0x78: {  	_ =	shalt  }
0x79: {  	_ =	shalt  }
0x7a: {  	_ =	shalt  }
0x7b: {  	_ =	shalt  }
0x7c: {  	_ =	shalt  }
0x7d: {  	_ =	shalt  }
0x7e: {  	_ =	shalt  }
0x7f: {  	_ =	shalt  }
0x80: {  	_ =	shalt  }
0x81: {  	_ =	shalt  }
0x82: {  	_ =	shalt  }
0x83: {  	_ =	shalt  }
0x84: {  	_ =	shalt  }
0x85: {  	_ =	shalt  }
0x86: {  	_ =	shalt  }
0x87: {  	_ =	shalt  }
.Lfunc_end0:
.L_simem_size_0:
called_computation_lowered:
.L_overlay_start_0:
0x88: {  	s2 =	sld [smem:$0x3FD9]  }
0x89: {  	s3 =	sld [smem:$0x3FFE];
	_ =	sdelay $0x1  }
0x8a: {  	s1 =	srdreg.scid  }
0x8b: {  	s0 =	sand.u32 $0x1, s1  }
0x8c: {  	s17 =	sshll.u32 s0, $0xA;
	s2 =	sadd.s32 s3, s2  }
0x8d: {  	s2 =	sadd.s32 s2, s17  }
0x8e: {  	[smem:$0x3FC6] =	sst s2  }
0x8f: {  	_ = 	snop  }
0x90: {  	s2 =	sld [smem:$0x3FC8]  }
0x91: {  	s18 =	sld [smem:$0x3FD0];
	(tm) =	ssettm $0x1  }
0x92: {  	s4 =	sld [smem:$0x3FFB];
	_ =	sdelay $0x3  }
0x93: {  	_ =	strace s4  }
0x94: {  	s4 =	sld [smem:$0x3FFC];
	_ =	sdelay $0x3  }
0x95: {  	_ =	strace s4  }
0x96: {  	s4 =	sld [smem:$0x3FFD];
	_ =	sdelay $0x3  }
0x97: {  	_ =	strace s4  }
0x98: {  	_ =	strace $0x8FFFFFFF  }
0x99: {  	s19 =	sld [smem:$0x3FDB];
	_ =	sdelay $0x1  }
0x9a: {  	s5 =	simm.s32 $_scs_section_size  }
0x9b: {  	s6 =	simm.s32 $_size__tile_overlayer_lowered;
	s7 =	simm.s32 $_tile_overlayer_lowered  }
0x9c: {  	s22 =	simm.s32 $0x1BFF;
	s21 =	sshll.u32 s7, $0x1;
	s4 =	sadd.s32 s5, s19  }
0x9d: {  	s8 =	simm.s32 $0x0;
	s20 =	sshll.u32 s6, $0x1;
	s6 =	sadd.s32 s21, s4  }
0x9e: {  	[timem:s8], [sflag:s22] =	dma.local [hbm:s6], s20  }
0x9f: {  	_ =	swait.ge [sflag:s22], s20  }
0xa0: {  	s5 =	ssub.s32 $0x0, s20;
	[sflag:s22] =	ssyncset.done $0x0  }
0xa1: {  	[sflag:s22] =	ssyncadd.s32 s5;
	_ =	sdelay $0x1  }
0xa2: {  	s23 =	simm.s32 $0x1B8B  }
0xa3: {  	_ =	swait.ge [sflag:s23], $0x1  }
0xa4: {  	[sflag:s23] =	ssyncset.done $0x0  }
0xa5: {  	s25 =	simm.s32 $0x1B8E;
	s24 =	sld [smem:$0x3FFE];
	[sflag:s23] =	ssyncadd.s32 $0xFFFFFFFF  }
0xa6: {  	s26 =	simm.s32 $execute0_lowered;
	[smem:$0x3FD2] =	sst s25  }
0xa7: {  	s6 =	sshll.u32 s26, $0x1;
	_ =	strace $0x80000046;
	[dreg:$0x1] =	wrdreg $0xFFFFFFFF  }
0xa8: {  	s28 =	simm.s32 $_size_execute0_lowered;
	s4 =	sadd.s32 s4, s6;
	[dreg:$0x0] =	wrdreg $0x0  }
0xa9: {  	s6 =	sshll.u32 s28, $0x1;
	[dreg:$0x2] =	wrdreg s4  }
0xaa: {  	[dreg:$0x3] =	wrdreg s6  }
0xab: {  	[dreg:$0x4] =	wrdreg $0xC0  }
0xac: {  	_ =	task [dreg:s8], $0x5FFFF  }
0xad: {  	[dreg:$0x1] =	wrdreg $0xFFFFFFFF  }
0xae: {  	[dreg:$0x0] =	wrdreg $0x60  }
0xaf: {  	[dreg:$0x2] =	wrdreg s2  }
0xb0: {  	[dreg:$0x3] =	wrdreg s18  }
0xb1: {  	[dreg:$0x4] =	wrdreg s24  }
0xb2: {  	[dreg:$0x5] =	wrdreg $0x9  }
0xb3: {  	_ =	task.clear_ibuf [dreg:s8], $0x6FFFF;
	_ =	strace $0x90000046  }
0xb4: {  	s29 =	simm.s32 $0x9;
	_ =	strace $0x80000048  }
0xb5: {  	_ =	swait.ge [sflag:s29], $0x1  }
0xb6: {  	[sflag:s29] =	ssyncadd.s32 $0xFFFFFFFF  }
0xb7: {  	_ =	strace $0x90000048  }
0xb8: {  	_ =	sfence  }
0xb9: {  	s30 =	sld [smem:$0x0];
	_ =	sdelay $0x2  }
0xba: {  	s31 =	sshll.u32 s1, $0xD;
	s1 =	sshrl.u32 s1, $0x2  }
0xbb: {  	s3 =	sand.u32 $0x4000, s31;
	s1 =	sadd.s32 s1, s30  }
0xbc: {  	s0 =	sor.u32 s3, s0;
	s1 =	sshll.u32 s1, $0x11  }
0xbd: {  	s0 =	sor.u32 s1, s0  }
0xbe: {  	s0 =	sadd.s32 $0x8F2B, s0  }
0xbf: {  	[sflag:s0] =	ssyncadd.remote.s32 $0x1  }
0xc0: {  	_ =	sfence.sel $0xFFFF  }
0xc1: {  	[dreg:$0x0] =	wrdreg $0xFFFFFFFF;
	(pc) =	sbr.abs _section_cstart, $3  }
0xc2: {  	[dreg:$0x1] =	wrdreg $0xFFFFFFFF  }
0xc3: {  	_ =	task.clear_ibuf [dreg:s8], $0x2FFFF;
	_ =	strace $0x9FFFFFFF  }
0xc4: {  	(tm) =	ssettm $0x7FFFFFFF  }
0xc5: {  	_ =	shalt  }
tec
execute0_lowered:
.L_overlay_start_1:
0x0: {  	(tag) =	ssettag $0x1  }
0x1: {  	v0 =	vimm.s32 $0xF80;
	vm0 =	vcmask $0x300  }
0x2: {  	v1 =	vimm.s32 $0x2780;
	vm1 =	vcmask $0x704;
	vm15 =	vcmask $0xB08  }
0x3: {  	vm4 =	vcmask $0xF0C;
	vm5 =	vcmask $0x1310;
	vm6 =	vcmask $0x1714  }
0x4: {  	vm7 =	vcmask $0x1B18;
	v0 =	vsel vm0, $0x0, v0;
	v1 =	vsel vm0, $0x1800, v1  }
0x5: {  	vm8 =	vcmask $0x1F1C;
	v0 =	vsel vm1, $0x80, v0;
	v1 =	vsel vm1, $0x1880, v1  }
0x6: {  	s1 =	rddreg [dreg:$0x0];
	vm9 =	vcmask $0x2320;
	v0 =	vsel vm15, $0x100, v0;
	v1 =	vsel vm15, $0x1900, v1  }
0x7: {  	s0 =	rddreg [dreg:$0x2];
	s2 =	srdreg.scid;
	vm10 =	vcmask $0x2724;
	v0 =	vsel vm4, $0x180, v0;
	v1 =	vsel vm4, $0x1980, v1  }
0x8: {  	s3 =	stileid.u32;
	s4 =	simm.s32 $0x0;
	vm11 =	vcmask $0x2B28;
	s31 =	simm.s32 $0x7800;
	v0 =	vsel vm5, $0x200, v0;
	v1 =	vsel vm5, $0x1A00, v1  }
0x9: {  	vm12 =	vcmask $0x2F2C;
	s21 =	simm.s32 $0x0;
	s2 =	sand.u32 $0x1, s2;
	s3 =	sshll.u32 s3, $0x1;
	v0 =	vsel vm6, $0x280, v0;
	v1 =	vsel vm6, $0x1A80, v1  }
0xa: {  	[smem:$0x7FF] =	sst s4;
	s6 =	sadd.s32 $0x3D1200, s0;
	s8 =	sadd.s32 $0xA00, s0;
	v0 =	vsel vm7, $0x300, v0;
	v1 =	vsel vm7, $0x1B00, v1  }
0xb: {  	vm13 =	vcmask $0x3330;
	s5 =	sor.u32 s2, s3;
	_ =	strace $0x80000047;
	s30 =	ssub.s32 $0x2, s2;
	v0 =	vsel vm8, $0x380, v0;
	v1 =	vsel vm8, $0x1B80, v1  }
0xc: {  	vm14 =	vcmask $0x3734;
	s3 =	sshll.u32 s5, $0x8;
	s2 =	sshrl.u32 s30, $0x1;
	p0 =	sne.s32 s5, $0x0;
	v0 =	vsel vm9, $0xC00, v0;
	v1 =	vsel vm9, $0x2400, v1  }
0xd: {  	vm15 =	vcmask $0x3B38;
	s7 =	sadd.s32 s1, s3;
	s0 =	ssub.s32 s30, s2;
	s2 =	simm.s32 $0x1;
	v0 =	vsel vm10, $0xC80, v0;
	v1 =	vsel vm10, $0x2480, v1  }
.Ltmp0:
0xe: {  	s9 =	sadd.s32 $0x1E8500, s7;
	s10 =	sadd.s32 $0xF4280, s7;
	v0 =	vsel vm11, $0xD00, v0;
	v1 =	vsel vm11, $0x2500, v1;
	(pc) =	sbr.rel .LBB2_1-.Ltmp0, $4  }
0xf: {  	s3 =	simm.s32 $0x2;
	s11 =	sadd.s32 $0x2DC780, s7;
	s13 =	sadd.s32 $0x1EA500, s7;
	v0 =	vsel vm12, $0xD80, v0;
	v1 =	vsel vm12, $0x2580, v1  }
0x10: {  	s12 =	sadd.s32 $0x2000, s7;
	s14 =	sadd.s32 $0xF6280, s7;
	s15 =	sadd.s32 $0x2DE780, s7;
	v0 =	vsel vm13, $0xE00, v0;
	v1 =	vsel vm13, $0x2600, v1  }
0x11: {  	s16 =	sadd.s32 $0x4000, s7;
	s17 =	sadd.s32 $0x1EC500, s7;
	s18 =	sadd.s32 $0xF8280, s7;
	v0 =	vsel vm14, $0xE80, v0;
	v1 =	vsel vm14, $0x2680, v1  }
0x12: {  	s19 =	sadd.s32 $0x2E0780, s7;
	s20 =	smax.u32 s0, $0x1;
	s0 =	simm.s32 $0x8400;
	v0 =	vsel vm15, $0xF00, v0;
	v1 =	vsel vm15, $0x2700, v1  }
.LBB2_11:
0x13: {  	_ =	swait.ge [sflag:s3], $0x2000  }
0x14: {  	[sflag:s3] =	ssyncset.done $0x0  }
0x15: {  	[sflag:s3] =	ssyncadd.s32 $0xFFFFE000  }
0x16: {  	_ =	swait.ge [sflag:s3], $0x2000  }
0x17: {  	[sflag:s3] =	ssyncset.done $0x0  }
0x18: {  	s21 =	sadd.s32 $0x1, s21;
	[sflag:s3] =	ssyncadd.s32 $0xFFFFE000  }
0x19: {  	p1 =	sne.s32 s21, s20;
	_ =	swait.ge [sflag:s3], $0x2000  }
.Ltmp1:
0x1a: {  	[sflag:s3] =	ssyncset.done $0x0;
	(pc) =	sbr.rel @!p1 .LBB2_12-.Ltmp1, $4  }
0x1b: {  	[sflag:s3] =	ssyncadd.s32 $0xFFFFE000  }
0x1c: {  	_ =	swait.ge [sflag:s3], $0x2000  }
0x1d: {  	[sflag:s3] =	ssyncset.done $0x0  }
0x1e: {  	[sflag:s3] =	ssyncadd.s32 $0xFFFFE000  }
.LBB2_1:
0x1f: {  	s22 =	simm.s32 @!p0 $0x0;
	s23 =	simm.s32 @!p0 $0x14000;
	s24 =	rddreg [dreg:$0x1]  }
0x20: {  	[tilespmem:s23], [sflag:$0x3] =	stream.linear.gather @!p0 [hbm4b:s24+s22], $0x800, $0x38;
	[tilespmem:$0x14800] =	vst v63  }
0x21: {  	s24 =	simm.s32 @!p0 $0x3  }
0x22: {  	_ =	swait.ge @!p0 [sflag:s24], $0x800  }
0x23: {  	[sflag:s24] =	ssyncset.done @!p0 $0x0  }
0x24: {  	[sflag:s24] =	ssyncadd.s32 @!p0 $0xFFFFF800  }
0x25: {  	[hbm4b:s6+s22] =	stream.linear.scatter @!p0 [tilespmem:s23], [sflag:$0x3], $0x800, $0x38;
	[tilespmem:$0x14800] =	vst v63  }
0x26: {  	_ =	swait.ge @!p0 [sflag:s24], $0x800  }
0x27: {  	[sflag:s24] =	ssyncset.done @!p0 $0x0  }
0x28: {  	[sflag:s24] =	ssyncadd.s32 @!p0 $0xFFFFF800  }
0x29: {  	[tilespmem:s4], [sflag:$0x1] =	stream.linear.gather [hbm4b:s7+s4], $0x800, $0x38;
	[tilespmem:$0x14800] =	vst v63  }
0x2a: {  	s29 =	simm.s32 $0xC00  }
0x2b: {  	[tilespmem:s29], [sflag:$0x1] =	stream.linear.gather [hbm4b:s10+s4], $0x800, $0x38;
	[tilespmem:$0x14800] =	vst v63  }
0x2c: {  	s30 =	simm.s32 $0x1800  }
0x2d: {  	[tilespmem:s30], [sflag:$0x1] =	stream.linear.gather [hbm4b:s9+s4], $0x800, $0x38;
	[tilespmem:$0x14800] =	vst v63  }
0x2e: {  	s23 =	simm.s32 $0x2400  }
0x2f: {  	[tilespmem:s23], [sflag:$0x1] =	stream.linear.gather [hbm4b:s11+s4], $0x800, $0x38;
	[tilespmem:$0x14800] =	vst v63  }
0x30: {  	s24 =	simm.s32 $0x3000  }
0x31: {  	[tilespmem:s24], [sflag:$0x1] =	stream.linear.gather [hbm4b:s12+s4], $0x800, $0x38;
	[tilespmem:$0x14800] =	vst v63  }
0x32: {  	s25 =	simm.s32 $0x3C00  }
0x33: {  	[tilespmem:s25], [sflag:$0x1] =	stream.linear.gather [hbm4b:s14+s4], $0x800, $0x38;
	[tilespmem:$0x14800] =	vst v63  }
0x34: {  	s26 =	simm.s32 $0x4800  }
0x35: {  	[tilespmem:s26], [sflag:$0x1] =	stream.linear.gather [hbm4b:s13+s4], $0x800, $0x38;
	[tilespmem:$0x14800] =	vst v63  }
0x36: {  	s28 =	simm.s32 $0x5400  }
0x37: {  	[tilespmem:s28], [sflag:$0x1] =	stream.linear.gather [hbm4b:s15+s4], $0x800, $0x38;
	[tilespmem:$0x14800] =	vst v63  }
0x38: {  	s29 =	simm.s32 $0x6000  }
0x39: {  	[tilespmem:s29], [sflag:$0x1] =	stream.linear.gather [hbm4b:s16+s4], $0x800, $0x38;
	[tilespmem:$0x14800] =	vst v63  }
0x3a: {  	s30 =	simm.s32 $0x6C00  }
0x3b: {  	[tilespmem:s30], [sflag:$0x1] =	stream.linear.gather [hbm4b:s18+s4], $0x800, $0x38;
	[tilespmem:$0x14800] =	vst v63  }
.Ltmp2:
0x3c: {  	_ = 	snop;
	(pc) =	sbr.rel .LBB2_2-.Ltmp2, $4  }
0x3d: {  	_ = 	snop  }
0x3e: {  	[tilespmem:s31], [sflag:$0x1] =	stream.linear.gather [hbm4b:s17+s4], $0x800, $0x38;
	[tilespmem:$0x14800] =	vst v63  }
0x3f: {  	s22 =	simm.s32 $0x0;
	s23 =	simm.s32 $0x0  }
0x40: {  	[tilespmem:s0], [sflag:$0x1] =	stream.linear.gather [hbm4b:s19+s4], $0x800, $0x38;
	[tilespmem:$0x14800] =	vst v63  }
.LBB2_10:
0x41: {  	s23 =	sadd.s32 $0x1, s23  }
0x42: {  	p1 =	sne.s32 s23, $0x7B  }
.Ltmp3:
0x43: {  	_ = 	snop;
	(pc) =	sbr.rel @!p1 .LBB2_11-.Ltmp3, $2  }
0x44: {  	_ =	sdelay $0x2  }
0x45: {  	s22 =	sadd.s32 $0x1, s22  }
.LBB2_2:
0x46: {  	s24 =	sshll.u32 s23, $0x5  }
0x47: {  	s24 =	sor.u32 s5, s24  }
0x48: {  	p1 =	sgt.u32 s24, $0xEE1  }
.Ltmp4:
0x49: {  	_ = 	snop;
	(pc) =	sbr.rel @p1 .LBB2_4-.Ltmp4, $1  }
0x4a: {  	_ =	sdelay $0x3  }
0x4b: {  	s25 =	sadd.s32 $0xFFFFFFFF, s23  }
0x4c: {  	s26 =	sshll.u32 s24, $0x8;
	s25 =	sand.u32 $0x3, s25  }
0x4d: {  	s26 =	sand.u32 $0x1FFFFF00, s26;
	s25 =	smul.u32 $0xC000, s25  }
0x4e: {  	s26 =	sadd.s32 s1, s26  }
0x4f: {  	s28 =	sadd.s32 $0x6000, s26;
	s25 =	sshrl.u32 s25, $0x2  }
0x50: {  	[tilespmem:s25], [sflag:$0x1] =	stream.linear.gather [hbm4b:s28+s4], $0x800, $0x38;
	[tilespmem:$0x14800] =	vst v63  }
0x51: {  	s29 =	sadd.s32 $0xFA280, s26;
	s30 =	sor.u32 $0xC00, s25  }
0x52: {  	[tilespmem:s30], [sflag:$0x1] =	stream.linear.gather [hbm4b:s29+s4], $0x800, $0x38;
	[tilespmem:$0x14800] =	vst v63  }
.Ltmp5:
0x53: {  	_ = 	snop;
	(pc) =	sbr.rel .LBB2_5-.Ltmp5, $4  }
0x54: {  	s28 =	sadd.s32 $0x1800, s25;
	s30 =	sadd.s32 $0x1EE500, s26  }
0x55: {  	[tilespmem:s28], [sflag:$0x1] =	stream.linear.gather [hbm4b:s30+s4], $0x800, $0x38;
	[tilespmem:$0x14800] =	vst v63  }
0x56: {  	s25 =	sadd.s32 $0x2400, s25;
	s26 =	sadd.s32 $0x2E2780, s26  }
0x57: {  	[tilespmem:s25], [sflag:$0x1] =	stream.linear.gather [hbm4b:s26+s4], $0x800, $0x38;
	[tilespmem:$0x14800] =	vst v63  }
.LBB2_4:
0x58: {  	p1 =	sgt.u32 s24, $0xF41  }
.Ltmp6:
0x59: {  	_ = 	snop;
	(pc) =	sbr.rel @p1 .LBB2_10-.Ltmp6, $1  }
0x5a: {  	_ =	sdelay $0x3  }
.LBB2_5:
0x5b: {  	s25 =	sand.u32 $0x3, s23  }
0x5c: {  	s26 =	simm.s32 $0x0;
	s30 =	simm.s32 $0x1;
	s28 =	simm.s32 $0x5;
	v2 =	vmov s25  }
0x5d: {  	v4 =	vmov s26;
	v6 =	vmov s30;
	v10 =	vmov s28  }
0x5e: {  	s26 =	simm.s32 $0x2;
	s30 =	simm.s32 $0x4;
	v2 =	vmul.u32 $0x3000, v2;
	v5 =	vand.u32 $0x78, v4;
	v4 =	vshll.u32 v4, $0x3  }
0x5f: {  	v7 =	vmov s26;
	s26 =	simm.s32 $0x3;
	v9 =	vmov s30;
	v12 =	vand.u32 $0x79, v6  }
0x60: {  	v16 =	vand.u32 $0x7D, v10;
	v10 =	vshll.u32 v10, $0x3;
	v8 =	vmov s26  }
0x61: {  	v13 =	vand.u32 $0x7A, v7;
	v15 =	vand.u32 $0x7C, v9;
	v18 =	vand.u32 $0x400, v4  }
0x62: {  	s26 =	simm.s32 $0x6;
	v4 =	vshll.u32 v6, $0x3;
	v6 =	vshll.u32 v7, $0x3;
	v2 =	vbroadcast v2, $0x0  }
0x63: {  	s30 =	simm.s32 $0x7;
	v11 =	vmov s26;
	v14 =	vand.u32 $0x7B, v8;
	v7 =	vshll.u32 v8, $0x3  }
0x64: {  	v8 =	vshll.u32 v9, $0x3;
	v9 =	vmov s30;
	v4 =	vand.u32 $0x400, v4  }
0x65: {  	v23 =	vand.u32 $0x400, v6;
	v19 =	vshll.u32 v9, $0x3;
	v3 =	vor.u32 v0, v2  }
0x66: {  	_ =	swait.ge [sflag:s2], $0x2000;
	v17 =	vshll.u32 v11, $0x3;
	v19 =	vand.u32 $0x400, v19;
	v20 =	vadd.s32 v3, v18  }
0x67: {  	p1 =	slt.u32 s23, $0x4;
	[sflag:s2] =	ssyncset.done $0x0;
	v9 =	vand.u32 $0x7F, v9;
	v21 =	vadd.s32 v3, v19;
	v20 =	vor.u32 v5, v20  }
0x68: {  	s25 =	simm.s32 @!p1 $0x2;
	[sflag:s2] =	ssyncadd.s32 $0xFFFFE000;
	v7 =	vand.u32 $0x400, v7;
	v22 =	vadd.s32 v3, v4;
	v21 =	vor.u32 v9, v21  }
0x69: {  	_ =	swait.ge @!p1 [sflag:s25], $0x2000;
	v17 =	vand.u32 $0x400, v17;
	v6 =	vadd.s32 v3, v23;
	v22 =	vor.u32 v12, v22  }
0x6a: {  	[sflag:s25] =	ssyncset.done @!p1 $0x0;
	v11 =	vand.u32 $0x7E, v11;
	v27 =	vadd.s32 v3, v17;
	v24 =	vor.u32 v13, v6  }
0x6b: {  	v8 =	vand.u32 $0x400, v8;
	[sflag:s25] =	ssyncadd.s32 @!p1 $0xFFFFE000;
	v6 =	vadd.s32 v3, v7;
	v27 =	vor.u32 v11, v27  }
0x6c: {  	v10 =	vand.u32 $0x400, v10;
	v26 =	vadd.s32 v3, v8;
	v25 =	vor.u32 v14, v6;
	v6 =	vld.idx.msk [tilespmem:v20+s4+$0x0], $0xffff  }
0x6d: {  	v2 =	vadd.s32 v1, v2;
	v20 =	vor.u32 v15, v26;
	v26 =	vadd.s32 v3, v10;
	v21 =	vld.idx.msk [tilespmem:v21+s4+$0x0], $0xffff  }
0x6e: {  	v19 =	vadd.s32 v2, v19;
	v22 =	vld.idx.msk [tilespmem:v22+s4+$0x0], $0xffff;
	v26 =	vor.u32 v16, v26  }
0x6f: {  	s28 =	simm.s32 $0x9;
	v4 =	vadd.s32 v2, v4;
	v9 =	vor.u32 v9, v19;
	v24 =	vld.idx.msk [tilespmem:v24+s4+$0x0], $0xffff  }
0x70: {  	v31 =	vmov s28;
	s28 =	simm.s32 $0xA;
	s30 =	sshll.u32 s22, $0x7;
	v23 =	vadd.s32 v2, v23;
	v12 =	vor.u32 v12, v4;
	v27 =	vld.idx.msk [tilespmem:v27+s4+$0x0], $0xffff  }
0x71: {  	v33 =	vmov s28;
	s26 =	simm.s32 $0x8;
	s30 =	sand.u32 $0x180, s30;
	v28 =	vor.u32 v13, v23;
	v7 =	vadd.s32 v2, v7;
	v25 =	vld.idx.msk [tilespmem:v25+s4+$0x0], $0xffff  }
0x72: {  	v8 =	vadd.s32 v2, v8;
	v19 =	vmov s26;
	s26 =	sor.u32 $0xC200, s30;
	v7 =	vor.u32 v14, v7;
	v29 =	vld.idx.msk [tilespmem:v20+s4+$0x0], $0xffff  }
0x73: {  	v32 =	vor.u32 v15, v8;
	v8 =	vadd.s32 v2, v10;
	v4 =	vand.u32 $0x78, v19;
	[tilespmem:s26+$0x60] =	vst v21;
	v26 =	vld.idx.msk [tilespmem:v26+s4+$0x0], $0xffff  }
0x74: {  	v30 =	vshll.u32 v19, $0x3;
	v34 =	vor.u32 v16, v8;
	v8 =	vadd.s32 v2, v17;
	[tilespmem:s26+$0xFFFFFE20] =	vst v22;
	v17 =	vld.idx.msk [tilespmem:v9+s4+$0x0], $0xffff  }
0x75: {  	s29 =	simm.s32 $0xC;
	s28 =	simm.s32 $0xB;
	v19 =	vor.u32 v11, v8;
	v8 =	vadd.s32 v2, v18;
	v11 =	vand.u32 $0x79, v31;
	[tilespmem:s26+$0xFFFFFE40] =	vst v24;
	v13 =	vld.idx.msk [tilespmem:v12+s4+$0x0], $0xffff  }
0x76: {  	v21 =	vmov s28;
	v22 =	vmov s29;
	s28 =	simm.s32 $0xD;
	v20 =	vor.u32 v5, v8;
	v14 =	vld.idx.msk [tilespmem:v28+s4+$0x0], $0xffff;
	[tilespmem:s26+$0xFFFFFE60] =	vst v25  }
0x77: {  	s29 =	simm.s32 $0xE;
	v5 =	vand.u32 $0x400, v30;
	v24 =	vshll.u32 v33, $0x3;
	v23 =	vmov s28;
	v15 =	vld.idx.msk [tilespmem:v7+s4+$0x0], $0xffff;
	[tilespmem:s26+$0x0] =	vst v29  }
0x78: {  	v12 =	vmov s29;
	v9 =	vand.u32 $0x7A, v33;
	v10 =	vand.u32 $0x7B, v21;
	v16 =	vld.idx.msk [tilespmem:v32+s4+$0x0], $0xffff;
	[tilespmem:s26+$0x20] =	vst v26  }
0x79: {  	s25 =	sor.u32 $0xC000, s30;
	[tilespmem:s26+$0x40] =	vst v27;
	v8 =	vand.u32 $0x7C, v22;
	v25 =	vshll.u32 v31, $0x3;
	s29 =	simm.s32 $0xF;
	s28 =	simm.s32 $0x10;
	v7 =	vand.u32 $0x7D, v23;
	v18 =	vld.idx.msk [tilespmem:v34+s4+$0x0], $0xffff  }
.LBB2_6:
0x7a: {  	p1 =	slt.u32 s28, $0xF8;
	v21 =	vshll.u32 v21, $0x3;
	v22 =	vshll.u32 v22, $0x3;
	v26 =	vmov s29;
	v19 =	vld.idx.msk [tilespmem:v19+s4+$0x0], $0xffff;
	[tilespmem:s26+$0x70] =	vst v17  }
0x7b: {  	v17 =	vshll.u32 v23, $0x3;
	v23 =	vshll.u32 v12, $0x3;
	v27 =	vshll.u32 v26, $0x3;
	[tilespmem:s26+$0xFFFFFE00] =	vst v6  }
0x7c: {  	v25 =	vand.u32 $0x400, v25;
	v6 =	vadd.s32 v3, v5;
	v27 =	vand.u32 $0x400, v27;
	v20 =	vld.idx.msk [tilespmem:v20+s4+$0x0], $0xffff;
	[tilespmem:s26+$0xFFFFFE30] =	vst v13  }
0x7d: {  	v6 =	vor.u32 v4, v6;
	v13 =	vand.u32 $0x7F, v26;
	v26 =	vadd.s32 v3, v27;
	[tilespmem:s26+$0xFFFFFE50] =	vst v14  }
0x7e: {  	v24 =	vand.u32 $0x400, v24;
	v14 =	vadd.s32 v3, v25;
	v26 =	vor.u32 v13, v26;
	[tilespmem:s26+$0xFFFFFE70] =	vst v15  }
0x7f: {  	v21 =	vand.u32 $0x400, v21;
	v14 =	vor.u32 v11, v14;
	v15 =	vadd.s32 v3, v24;
	[tilespmem:s26+$0x10] =	vst v16  }
0x80: {  	v22 =	vand.u32 $0x400, v22;
	v15 =	vor.u32 v9, v15;
	v16 =	vadd.s32 v3, v21;
	[tilespmem:s26+$0x30] =	vst v18  }
0x81: {  	v17 =	vand.u32 $0x400, v17;
	v16 =	vor.u32 v10, v16;
	v18 =	vadd.s32 v3, v22;
	[tilespmem:s26+$0x50] =	vst v19  }
0x82: {  	v23 =	vand.u32 $0x400, v23;
	v18 =	vor.u32 v8, v18;
	v19 =	vadd.s32 v3, v17;
	v6 =	vld.idx.msk [tilespmem:v6+s4+$0x0], $0xffff;
	[tilespmem:s26+$0xFFFFFE10] =	vst v20  }
0x83: {  	v12 =	vand.u32 $0x7E, v12;
	v19 =	vor.u32 v7, v19;
	v20 =	vadd.s32 v3, v23;
	v26 =	vld.idx.msk [tilespmem:v26+s4+$0x0], $0xffff  }
0x84: {  	v27 =	vadd.s32 v2, v27;
	v20 =	vor.u32 v12, v20;
	v14 =	vld.idx.msk [tilespmem:v14+s4+$0x0], $0xffff  }
0x85: {  	v25 =	vadd.s32 v2, v25;
	v13 =	vor.u32 v13, v27;
	v15 =	vld.idx.msk [tilespmem:v15+s4+$0x0], $0xffff  }
0x86: {  	v27 =	vmov s28;
	v11 =	vor.u32 v11, v25;
	v24 =	vadd.s32 v2, v24;
	v16 =	vld.idx.msk [tilespmem:v16+s4+$0x0], $0xffff  }
0x87: {  	v25 =	vand.u32 $0x78, v27;
	v9 =	vor.u32 v9, v24;
	v21 =	vadd.s32 v2, v21;
	v18 =	vld.idx.msk [tilespmem:v18+s4+$0x0], $0xffff  }
0x88: {  	s29 =	sadd.s32 $0x1, s28;
	v24 =	vshll.u32 v27, $0x3;
	v10 =	vor.u32 v10, v21;
	v21 =	vadd.s32 v2, v22;
	s26 =	sadd.s32 $0x400, s26;
	v27 =	vld.idx.msk [tilespmem:v19+s4+$0x0], $0xffff  }
0x89: {  	v28 =	vmov s29;
	s29 =	sadd.s32 $0x2, s28;
	v29 =	vor.u32 v8, v21;
	v8 =	vadd.s32 v2, v17;
	v30 =	vld.idx.msk [tilespmem:v20+s4+$0x0], $0xffff;
	[tilespmem:s26+$0x60] =	vst v26  }
0x8a: {  	s30 =	sadd.s32 $0x4, s28;
	v31 =	vor.u32 v7, v8;
	v7 =	vadd.s32 v2, v23;
	v26 =	vmov s29;
	s29 =	sadd.s32 $0x3, s28;
	[tilespmem:s26+$0xFFFFFE20] =	vst v14;
	v17 =	vld.idx.msk [tilespmem:v13+s4+$0x0], $0xffff  }
.Ltmp7:
0x8b: {  	v22 =	vmov s30;
	s30 =	sadd.s32 $0x6, s28;
	v19 =	vor.u32 v12, v7;
	v21 =	vmov s29;
	s29 =	sadd.s32 $0x5, s28;
	v13 =	vld.idx.msk [tilespmem:v11+s4+$0x0], $0xffff;
	[tilespmem:s26+$0xFFFFFE40] =	vst v15;
	(pc) =	sbr.rel @p1 .LBB2_6-.Ltmp7, $4  }
0x8c: {  	v5 =	vadd.s32 v2, v5;
	v12 =	vmov s30;
	v23 =	vmov s29;
	v14 =	vld.idx.msk [tilespmem:v9+s4+$0x0], $0xffff;
	[tilespmem:s26+$0xFFFFFE60] =	vst v16  }
0x8d: {  	v20 =	vor.u32 v4, v5;
	v4 =	vmovc v25;
	v11 =	vand.u32 $0x79, v28;
	v9 =	vand.u32 $0x7A, v26;
	v15 =	vld.idx.msk [tilespmem:v10+s4+$0x0], $0xffff;
	[tilespmem:s26+$0x0] =	vst v18  }
0x8e: {  	v8 =	vand.u32 $0x7C, v22;
	v7 =	vand.u32 $0x7D, v23;
	v10 =	vand.u32 $0x7B, v21;
	v16 =	vld.idx.msk [tilespmem:v29+s4+$0x0], $0xffff;
	[tilespmem:s26+$0x20] =	vst v27  }
0x8f: {  	v5 =	vand.u32 $0x400, v24;
	v25 =	vshll.u32 v28, $0x3;
	v24 =	vshll.u32 v26, $0x3;
	s29 =	sadd.s32 $0x7, s28;
	s28 =	sadd.s32 $0x8, s28;
	v18 =	vld.idx.msk [tilespmem:v31+s4+$0x0], $0xffff;
	[tilespmem:s26+$0x40] =	vst v30  }
0x90: {  	v26 =	vmov s29  }
0x91: {  	v21 =	vshll.u32 v21, $0x3;
	v22 =	vshll.u32 v22, $0x3;
	v23 =	vshll.u32 v23, $0x3  }
0x92: {  	v28 =	vshll.u32 v12, $0x3;
	v25 =	vand.u32 $0x400, v25;
	v24 =	vand.u32 $0x400, v24  }
0x93: {  	v46 =	vand.u32 $0x7E, v12;
	v27 =	vshll.u32 v26, $0x3;
	v30 =	vadd.s32 v3, v25  }
0x94: {  	v38 =	vadd.s32 v3, v24;
	v21 =	vand.u32 $0x400, v21;
	v37 =	vor.u32 v11, v30  }
0x95: {  	[tilespmem:s26+$0x70] =	vst v17;
	v22 =	vand.u32 $0x400, v22;
	v39 =	vor.u32 v9, v38;
	v40 =	vadd.s32 v3, v21  }
0x96: {  	[tilespmem:s26+$0xFFFFFE00] =	vst v6;
	v23 =	vand.u32 $0x400, v23;
	v42 =	vadd.s32 v3, v22;
	v41 =	vor.u32 v10, v40  }
0x97: {  	v19 =	vld.idx.msk [tilespmem:v19+s4+$0x0], $0xffff;
	[tilespmem:s26+$0xFFFFFE30] =	vst v13;
	v28 =	vand.u32 $0x400, v28;
	v44 =	vadd.s32 v3, v23;
	v43 =	vor.u32 v8, v42  }
0x98: {  	v20 =	vld.idx.msk [tilespmem:v20+s4+$0x0], $0xffff;
	[tilespmem:s26+$0xFFFFFE50] =	vst v14;
	v27 =	vand.u32 $0x400, v27;
	v47 =	vadd.s32 v3, v28;
	v45 =	vor.u32 v7, v44  }
0x99: {  	v26 =	vand.u32 $0x7F, v26;
	[tilespmem:s26+$0xFFFFFE70] =	vst v15;
	v29 =	vadd.s32 v3, v27;
	v49 =	vor.u32 v46, v47;
	v48 =	vld.idx.msk [tilespmem:v37+s4+$0x0], $0xffff  }
0x9a: {  	[tilespmem:s26+$0x10] =	vst v16;
	v3 =	vadd.s32 v3, v5;
	v29 =	vor.u32 v26, v29;
	v6 =	vld.idx.msk [tilespmem:v39+s4+$0x0], $0xffff  }
0x9b: {  	v51 =	vadd.s32 v2, v25;
	[tilespmem:s26+$0x30] =	vst v18;
	v3 =	vor.u32 v4, v3;
	v13 =	vld.idx.msk [tilespmem:v41+s4+$0x0], $0xffff  }
0x9c: {  	v53 =	vadd.s32 v2, v24;
	v52 =	vor.u32 v11, v51;
	[tilespmem:s26+$0x50] =	vst v19;
	v14 =	vld.idx.msk [tilespmem:v43+s4+$0x0], $0xffff  }
0x9d: {  	s30 =	sadd.s32 $0x400, s26;
	v54 =	vor.u32 v9, v53;
	v55 =	vadd.s32 v2, v21;
	[tilespmem:s26+$0xFFFFFE10] =	vst v20;
	v15 =	vld.idx.msk [tilespmem:v45+s4+$0x0], $0xffff  }
0x9e: {  	v57 =	vadd.s32 v2, v22;
	v56 =	vor.u32 v10, v55;
	v17 =	vld.idx.msk [tilespmem:v49+s4+$0x0], $0xffff;
	[tilespmem:s30+$0xFFFFFE20] =	vst v48  }
0x9f: {  	v59 =	vadd.s32 v2, v23;
	v58 =	vor.u32 v8, v57;
	v29 =	vld.idx.msk [tilespmem:v29+s4+$0x0], $0xffff;
	[tilespmem:s30+$0xFFFFFE40] =	vst v6  }
0xa0: {  	v61 =	vadd.s32 v2, v28;
	v60 =	vor.u32 v7, v59;
	v3 =	vld.idx.msk [tilespmem:v3+s4+$0x0], $0xffff;
	[tilespmem:s30+$0xFFFFFE60] =	vst v13  }
0xa1: {  	v27 =	vadd.s32 v2, v27;
	v7 =	vor.u32 v46, v61;
	v11 =	vld.idx.msk [tilespmem:v52+s4+$0x0], $0xffff;
	[tilespmem:s30+$0x0] =	vst v14  }
0xa2: {  	v2 =	vadd.s32 v2, v5;
	v50 =	vor.u32 v26, v27;
	v62 =	vld.idx.msk [tilespmem:v54+s4+$0x0], $0xffff;
	[tilespmem:s30+$0x20] =	vst v15  }
0xa3: {  	v2 =	vor.u32 v4, v2;
	[tilespmem:s30+$0x40] =	vst v17;
	v63 =	vld.idx.msk [tilespmem:v56+s4+$0x0], $0xffff  }
0xa4: {  	[tilespmem:s30+$0x60] =	vst v29;
	v8 =	vld.idx.msk [tilespmem:v58+s4+$0x0], $0xffff  }
0xa5: {  	v6 =	vld.idx.msk [tilespmem:v60+s4+$0x0], $0xffff;
	[tilespmem:s30+$0xFFFFFE00] =	vst v3  }
0xa6: {  	v3 =	vld.idx.msk [tilespmem:v7+s4+$0x0], $0xffff;
	[tilespmem:s30+$0xFFFFFE30] =	vst v11  }
0xa7: {  	v18 =	vld.idx.msk [tilespmem:v50+s4+$0x0], $0xffff;
	[tilespmem:s30+$0xFFFFFE50] =	vst v62  }
0xa8: {  	v2 =	vld.idx.msk [tilespmem:v2+s4+$0x0], $0xffff;
	[tilespmem:s30+$0xFFFFFE70] =	vst v63  }
0xa9: {  	[tilespmem:s30+$0x10] =	vst v8  }
0xaa: {  	[tilespmem:s30+$0x30] =	vst v6  }
0xab: {  	s24 =	sshll.u32 s24, $0xA;
	[tilespmem:s30+$0x50] =	vst v3  }
0xac: {  	s24 =	sadd.s32 s8, s24;
	[tilespmem:s30+$0x70] =	vst v18  }
0xad: {  	s28 =	sadd.s32 $0x200, s25;
	s29 =	sadd.s32 $0x0, s24;
	s26 =	simm.s32 $0x10;
	[tilespmem:s30+$0xFFFFFE10] =	vst v2  }
.LBB2_8:
0xae: {  	[hbm4b:s29+s4] =	stream.linear.scatter [tilespmem:s25], [sflag:$0x2], $0x80, $0x38;
	[tilespmem:$0x14800] =	vst v63  }
0xaf: {  	s29 =	smov.u32 s26;
	s25 =	smov.u32 s28;
	p1 =	sne.s32 s26, $0x3F0  }
.Ltmp8:
0xb0: {  	s26 =	sadd.s32 $0x10, s26;
	(pc) =	sbr.rel @p1 .LBB2_8-.Ltmp8, $2  }
0xb1: {  	_ =	sdelay $0x2  }
0xb2: {  	s28 =	sadd.s32 $0x200, s28;
	s29 =	sadd.s32 s29, s24  }
.Ltmp9:
0xb3: {  	(pc) =	sbr.rel .LBB2_10-.Ltmp9, $2  }
0xb4: {  	_ =	sdelay $0x2  }
0xb5: {  	[hbm4b:s29+s4] =	stream.linear.scatter [tilespmem:s25], [sflag:$0x2], $0x80, $0x38;
	[tilespmem:$0x14800] =	vst v63  }
.LBB2_12:
0xb6: {  	_ =	sfence.sel $0x180000  }
0xb7: {  	[bflag:$0x0] =	sbarrier.arrive $0xFFFF  }
0xb8: {  	_ =	strace $0x90000047  }
0xb9: {  	s0 =	stileid.u32;
	[bflag:$0x2] =	sbarrier.arrive $0xFFFF  }
0xba: {  	p0 =	sne.s32 s0, $0x0;
	s0 =	rddreg [dreg:$0x3]  }
0xbb: {  	s0 =	sadd.s32 @!p0 $0x100000, s0  }
0xbc: {  	[sflag:s0] =	ssyncadd.tile.s32 @!p0 $0x1;
	_ =	shalt  }
.Lfunc_end2:
_tile_overlayer_lowered:
.L_overlay_start_2:
0xbd: {  	(tag) =	ssettag $0x2  }
0xbe: {  	s0 =	rddreg [dreg:$0x0];
	s2 =	stileid.u32  }
0xbf: {  	s1 =	rddreg [dreg:$0x1];
	p0 =	sne.s32 s2, $0x0  }
0xc0: {  	s3 =	rddreg [dreg:$0x2];
	[bflag:$0x3] =	sbarrier.arrive $0xFFFF;
	s2 =	simm.s32 @!p0 $0x1C03  }
0xc1: {  	[timem:s3], [sflag:s2] =	dma.local @!p0 [hbm:s0], s1  }
0xc2: {  	s0 =	simm.s32 @!p0 $0x3  }
0xc3: {  	_ =	swait.ge @!p0 [sflag:s0], s1  }
0xc4: {  	s1 =	ssub.s32 @!p0 $0x0, s1;
	[sflag:s0] =	ssyncset.done @!p0 $0x0  }
0xc5: {  	[sflag:s0] =	ssyncadd.s32 @!p0 s1  }
0xc6: {  	[bflag:$0x3] =	sbarrier.arrive $0xFFFF  }
0xc7: {  	_ =	shalt  }

// kernel: kernel.7.cloned.1.call-start
scs
__scs_entry_jumppad:
0x0: {  	(pc) =	sbr.rel $0x88, $3  }
0x1: {  	(tag) =	ssettag $0x0;
	lr =	simm.s32 $0x1  }
0x2: {  	[smem:$0x3F9F] =	sst lr;
	_ =	strace $0xD0000000  }
0x3: {  	_ = 	snop  }
0x4: {  	_ = 	snop  }
0x5: {  	_ = 	snop  }
0x6: {  	_ = 	snop  }
0x7: {  	_ = 	snop  }
__scs_overlays_trampoline_lowered:
0x8: {  	[smem:$0x3FAE] =	sst s0  }
0x9: {  	[smem:$0x3FAF] =	sst s1  }
0xa: {  	[smem:$0x3FB0] =	sst s2  }
0xb: {  	[smem:$0x3FB1] =	sst s3  }
0xc: {  	[smem:$0x3FB2] =	sst s4  }
0xd: {  	[smem:$0x3FB3] =	sst s5  }
0xe: {  	[smem:$0x3FB4] =	sst s6  }
0xf: {  	[smem:$0x3FB5] =	sst s7  }
0x10: {  	[smem:$0x3FB6] =	sst s8  }
0x11: {  	[smem:$0x3FB7] =	sst s9;
	s0 =	simm.s32 @!p0 $0x0  }
0x12: {  	s1 =	sld [smem:$0x3F9D];
	s0 =	simm.s32 @p0 $0x1  }
0x13: {  	[smem:$0x3FB8] =	sst s0;
	s0 =	simm.s32 @!p1 $0x0  }
0x14: {  	s2 =	sld [smem:$0x3F9C];
	s0 =	simm.s32 @p1 $0x1  }
0x15: {  	[smem:$0x3FB9] =	sst s0;
	s0 =	simm.s32 @!p2 $0x0  }
0x16: {  	s3 =	sld [smem:$0x3FDB];
	s0 =	simm.s32 @p2 $0x1  }
0x17: {  	s4 =	simm.s32 $0x1BF5;
	[smem:$0x3FBB] =	sst s0  }
0x18: {  	s0 =	sld [smem:$0x3F9E];
	_ =	swait.ge [sflag:s4], $0x0  }
0x19: {  	s7 =	sld [smem:$0x3F9F]  }
0x1a: {  	s8 =	sadd.s32 $0xFFFFE003, lr  }
0x1b: {  	s9 =	sadd.s32 $0xFFFFFEF7, lr;
	s5 =	simm.s32 $0xFFFFFFFF;
	p2 =	slt.u32 s8, $0xFFFFF086  }
0x1c: {  	p1 =	slt.u32 s9, $0xF7A;
	s5 =	simm.s32 @!p2 $0x0  }
0x1d: {  	s5 =	simm.s32 @p1 $0x1;
	p0 =	seq.s32 s7, s2  }
0x1e: {  	s7 =	smul.u32 @!p0 $0xF7A, s2;
	p2 =	seq.s32 @!p0 s5, $0x0  }
0x1f: {  	s9 =	smul.u32 $0xF7A, s1;
	s8 =	simm.s32 @!p0 $0x1BF5;
	p2 =	por !p2, p0  }
0x20: {  	[sflag:s8] =	ssyncset.s32 @!p0 $0xFFFFF086;
	s6 =	sadd.s32 @!p0 s3, s7;
	s7 =	simm.s32 @!p0 $0x108  }
0x21: {  	s3 =	sadd.s32 s3, s9;
	s6 =	sadd.s32 @!p0 $0x88, s6;
	s7 =	simm.s32 @p2 $0x1082  }
0x22: {  	[simem:s7], [sflag:s8] =	dma.local @!p0 [hbm:s6], $0xF7A  }
0x23: {  	s9 =	sor.u32 $0xD0000000, s2;
	s6 =	simm.s32 $0x108;
	_ =	swait.ge @!p0 [sflag:s8], $0x0  }
0x24: {  	s3 =	sadd.s32 $0x88, s3;
	s6 =	simm.s32 @!p1 $0x1082;
	[sflag:s4] =	ssyncset.s32 $0xFFFFF086  }
0x25: {  	[simem:s6], [sflag:s4] =	dma.local [hbm:s3], $0xF7A  }
0x26: {  	[smem:$0x3F9F] =	sst s1;
	(tag) =	ssettag s2;
	_ =	strace s9  }
0x27: {  	s1 =	sld [smem:$0x3FAF]  }
0x28: {  	s2 =	sld [smem:$0x3FB0]  }
0x29: {  	s4 =	sld [smem:$0x3FB2]  }
0x2a: {  	p0 =	seq.s32 s5, $0x0;
	s5 =	sld [smem:$0x3FB3]  }
0x2b: {  	s6 =	sld [smem:$0x3FB4]  }
0x2c: {  	s7 =	sld [smem:$0x3FB5]  }
0x2d: {  	s3 =	simm.s32 $0x108;
	s8 =	sld [smem:$0x3FB6]  }
0x2e: {  	s3 =	simm.s32 @!p0 $0x1082;
	s9 =	sld [smem:$0x3FB7]  }
0x2f: {  	lr =	sadd.s32 s0, s3;
	s0 =	sld [smem:$0x3FAE]  }
0x30: {  	s3 =	sld [smem:$0x3FB1]  }
0x31: {  	[smem:$0x3FBA] =	sst s10  }
0x32: {  	s10 =	sld [smem:$0x3FB8];
	_ =	sdelay $0x3  }
0x33: {  	p0 =	seq.s32 s10, $0x1;
	s10 =	sld [smem:$0x3FBA];
	_ =	sdelay $0x3  }
0x34: {  	[smem:$0x3FBA] =	sst s10  }
0x35: {  	s10 =	sld [smem:$0x3FB9];
	_ =	sdelay $0x3  }
0x36: {  	p1 =	seq.s32 s10, $0x1;
	s10 =	sld [smem:$0x3FBA];
	_ =	sdelay $0x3  }
0x37: {  	[smem:$0x3FBA] =	sst s10  }
0x38: {  	s10 =	sld [smem:$0x3FBB]  }
0x39: {  	_ = 	snop;
	(pc) =	sbr.ind lr, $3  }
0x3a: {  	_ = 	snop  }
0x3b: {  	_ = 	snop  }
0x3c: {  	p2 =	seq.s32 s10, $0x1;
	s10 =	sld [smem:$0x3FBA]  }
0x3d: {  	_ =	shalt  }
0x3e: {  	_ =	shalt  }
0x3f: {  	_ =	shalt  }
0x40: {  	_ =	shalt  }
0x41: {  	_ =	shalt  }
0x42: {  	_ =	shalt  }
0x43: {  	_ =	shalt  }
0x44: {  	_ =	shalt  }
0x45: {  	_ =	shalt  }
0x46: {  	_ =	shalt  }
0x47: {  	_ =	shalt  }
0x48: {  	_ =	shalt  }
0x49: {  	_ =	shalt  }
0x4a: {  	_ =	shalt  }
0x4b: {  	_ =	shalt  }
0x4c: {  	_ =	shalt  }
0x4d: {  	_ =	shalt  }
0x4e: {  	_ =	shalt  }
0x4f: {  	_ =	shalt  }
0x50: {  	_ =	shalt  }
0x51: {  	_ =	shalt  }
0x52: {  	_ =	shalt  }
0x53: {  	_ =	shalt  }
0x54: {  	_ =	shalt  }
0x55: {  	_ =	shalt  }
0x56: {  	_ =	shalt  }
0x57: {  	_ =	shalt  }
0x58: {  	_ =	shalt  }
0x59: {  	_ =	shalt  }
0x5a: {  	_ =	shalt  }
0x5b: {  	_ =	shalt  }
0x5c: {  	_ =	shalt  }
0x5d: {  	_ =	shalt  }
0x5e: {  	_ =	shalt  }
0x5f: {  	_ =	shalt  }
0x60: {  	_ =	shalt  }
0x61: {  	_ =	shalt  }
0x62: {  	_ =	shalt  }
0x63: {  	_ =	shalt  }
0x64: {  	_ =	shalt  }
0x65: {  	_ =	shalt  }
0x66: {  	_ =	shalt  }
0x67: {  	_ =	shalt  }
0x68: {  	_ =	shalt  }
0x69: {  	_ =	shalt  }
0x6a: {  	_ =	shalt  }
0x6b: {  	_ =	shalt  }
0x6c: {  	_ =	shalt  }
0x6d: {  	_ =	shalt  }
0x6e: {  	_ =	shalt  }
0x6f: {  	_ =	shalt  }
0x70: {  	_ =	shalt  }
0x71: {  	_ =	shalt  }
0x72: {  	_ =	shalt  }
0x73: {  	_ =	shalt  }
0x74: {  	_ =	shalt  }
0x75: {  	_ =	shalt  }
0x76: {  	_ =	shalt  }
0x77: {  	_ =	shalt  }
0x78: {  	_ =	shalt  }
0x79: {  	_ =	shalt  }
0x7a: {  	_ =	shalt  }
0x7b: {  	_ =	shalt  }
0x7c: {  	_ =	shalt  }
0x7d: {  	_ =	shalt  }
0x7e: {  	_ =	shalt  }
0x7f: {  	_ =	shalt  }
0x80: {  	_ =	shalt  }
0x81: {  	_ =	shalt  }
0x82: {  	_ =	shalt  }
0x83: {  	_ =	shalt  }
0x84: {  	_ =	shalt  }
0x85: {  	_ =	shalt  }
0x86: {  	_ =	shalt  }
0x87: {  	_ =	shalt  }
.Lfunc_end0:
.L_simem_size_0:
called_computation.1_lowered:
.L_overlay_start_0:
0x88: {  	s2 =	sld [smem:$0x3FD9]  }
0x89: {  	s3 =	sld [smem:$0x3FFE];
	_ =	sdelay $0x1  }
0x8a: {  	s1 =	srdreg.scid  }
0x8b: {  	s0 =	sand.u32 $0x1, s1  }
0x8c: {  	s17 =	sshll.u32 s0, $0xA;
	s2 =	sadd.s32 s3, s2  }
0x8d: {  	s2 =	sadd.s32 s2, s17  }
0x8e: {  	[smem:$0x3FC6] =	sst s2  }
0x8f: {  	_ = 	snop  }
0x90: {  	s2 =	sld [smem:$0x3FD0];
	(tm) =	ssettm $0x1  }
0x91: {  	s18 =	sld [smem:$0x3FFB];
	_ =	sdelay $0x3  }
0x92: {  	_ =	strace s18  }
0x93: {  	s3 =	sld [smem:$0x3FFC];
	_ =	sdelay $0x3  }
0x94: {  	_ =	strace s3  }
0x95: {  	s3 =	sld [smem:$0x3FFD];
	_ =	sdelay $0x3  }
0x96: {  	_ =	strace s3  }
0x97: {  	_ =	strace $0x8FFFFFFF  }
0x98: {  	s19 =	sld [smem:$0x3FDB];
	_ =	sdelay $0x1  }
0x99: {  	s4 =	simm.s32 $_scs_section_size  }
0x9a: {  	s5 =	simm.s32 $_size__tile_overlayer_lowered;
	s6 =	simm.s32 $_tile_overlayer_lowered  }
0x9b: {  	s22 =	simm.s32 $0x1BFF;
	s21 =	sshll.u32 s6, $0x1;
	s3 =	sadd.s32 s4, s19  }
0x9c: {  	s7 =	simm.s32 $0x0;
	s20 =	sshll.u32 s5, $0x1;
	s5 =	sadd.s32 s21, s3  }
0x9d: {  	[timem:s7], [sflag:s22] =	dma.local [hbm:s5], s20  }
0x9e: {  	_ =	swait.ge [sflag:s22], s20  }
0x9f: {  	s4 =	ssub.s32 $0x0, s20;
	[sflag:s22] =	ssyncset.done $0x0  }
0xa0: {  	[sflag:s22] =	ssyncadd.s32 s4;
	_ =	sdelay $0x1  }
0xa1: {  	s23 =	simm.s32 $0x1B8B  }
0xa2: {  	_ =	swait.ge [sflag:s23], $0x1  }
0xa3: {  	[sflag:s23] =	ssyncset.done $0x0  }
0xa4: {  	s25 =	simm.s32 $0x1B8E;
	s24 =	sld [smem:$0x3FFE];
	[sflag:s23] =	ssyncadd.s32 $0xFFFFFFFF  }
0xa5: {  	s26 =	simm.s32 $execute0_lowered;
	[smem:$0x3FD2] =	sst s25  }
0xa6: {  	s5 =	sshll.u32 s26, $0x1;
	_ =	strace $0x80000049;
	[dreg:$0x1] =	wrdreg $0xFFFFFFFF  }
0xa7: {  	s28 =	simm.s32 $_size_execute0_lowered;
	s3 =	sadd.s32 s3, s5;
	[dreg:$0x0] =	wrdreg $0x0  }
0xa8: {  	s5 =	sshll.u32 s28, $0x1;
	[dreg:$0x2] =	wrdreg s3  }
0xa9: {  	[dreg:$0x3] =	wrdreg s5  }
0xaa: {  	[dreg:$0x4] =	wrdreg $0xC0  }
0xab: {  	_ =	task [dreg:s7], $0x5FFFF  }
0xac: {  	[dreg:$0x1] =	wrdreg $0xFFFFFFFF  }
0xad: {  	[dreg:$0x0] =	wrdreg $0x60  }
0xae: {  	[dreg:$0x2] =	wrdreg s24  }
0xaf: {  	[dreg:$0x3] =	wrdreg s2  }
0xb0: {  	[dreg:$0x4] =	wrdreg $0x9  }
0xb1: {  	_ =	task.clear_ibuf [dreg:s7], $0x5FFFF;
	_ =	strace $0x90000049  }
0xb2: {  	s29 =	simm.s32 $0x9;
	_ =	strace $0x8000004B  }
0xb3: {  	_ =	swait.ge [sflag:s29], $0x1  }
0xb4: {  	[sflag:s29] =	ssyncadd.s32 $0xFFFFFFFF  }
0xb5: {  	_ =	strace $0x9000004B  }
0xb6: {  	_ =	sfence  }
0xb7: {  	s30 =	sld [smem:$0x0];
	_ =	sdelay $0x2  }
0xb8: {  	s31 =	sshll.u32 s1, $0xD;
	s1 =	sshrl.u32 s1, $0x2  }
0xb9: {  	s3 =	sand.u32 $0x4000, s31;
	s1 =	sadd.s32 s1, s30  }
0xba: {  	s0 =	sor.u32 s3, s0;
	s1 =	sshll.u32 s1, $0x11  }
0xbb: {  	s0 =	sor.u32 s1, s0  }
0xbc: {  	s0 =	sadd.s32 $0x8F2B, s0  }
0xbd: {  	[sflag:s0] =	ssyncadd.remote.s32 $0x1  }
0xbe: {  	_ =	sfence.sel $0xFFFF  }
0xbf: {  	[dreg:$0x0] =	wrdreg $0xFFFFFFFF;
	(pc) =	sbr.abs _section_cstart, $3  }
0xc0: {  	[dreg:$0x1] =	wrdreg $0xFFFFFFFF  }
0xc1: {  	_ =	task.clear_ibuf [dreg:s7], $0x2FFFF;
	_ =	strace $0x9FFFFFFF  }
0xc2: {  	(tm) =	ssettm $0x7FFFFFFF  }
0xc3: {  	_ =	shalt  }
tec
execute0_lowered:
.L_overlay_start_1:
0x0: {  	(tag) =	ssettag $0x1  }
0x1: {  	v40 =	vlaneseq.u32  }
0x2: {  	v0 =	vmul.u32 $0x1A, v40  }
0x3: {  	v40 =	vmul.u32 $0x20, v40  }
0x4: {  	s4 =	rddreg [dreg:$0x0];
	v1 =	vadd.s32 $0x1A0, v0;
	v2 =	vadd.s32 $0x340, v0;
	v3 =	vadd.s32 $0x4E0, v0  }
0x5: {  	s1 =	srdreg.scid;
	s0 =	stileid.u32;
	v4 =	vadd.s32 $0x680, v0;
	v5 =	vadd.s32 $0x820, v0;
	v6 =	vadd.s32 $0x9C0, v0  }
0x6: {  	s2 =	rddreg [dreg:$0x1];
	s3 =	simm.s32 $0x0;
	s10 =	simm.s32 $0x3;
	v7 =	vadd.s32 $0xB60, v0;
	v8 =	vadd.s32 $0xD00, v0;
	v9 =	vadd.s32 $0xEA0, v0  }
0x7: {  	s11 =	simm.s32 $0x80;
	s12 =	simm.s32 $0x3400;
	s13 =	simm.s32 $0x3700;
	v10 =	vadd.s32 $0x1040, v0;
	v11 =	vadd.s32 $0x11E0, v0;
	v12 =	vadd.s32 $0x1380, v0  }
0x8: {  	s14 =	simm.s32 $0x3480;
	s15 =	simm.s32 $0x4700;
	s16 =	simm.s32 $0x3500;
	v13 =	vadd.s32 $0x1520, v0;
	v14 =	vadd.s32 $0x16C0, v0;
	v15 =	vadd.s32 $0x1860, v0  }
0x9: {  	s17 =	simm.s32 $0x5700;
	s18 =	simm.s32 $0x3580;
	s19 =	simm.s32 $0x6700;
	v16 =	vor.u32 $0x1A00, v0;
	v17 =	vadd.s32 $0x1BA0, v0;
	v18 =	vadd.s32 $0x1D40, v0  }
0xa: {  	s20 =	simm.s32 $0x3600;
	s21 =	simm.s32 $0x7700;
	s22 =	simm.s32 $0x2;
	v19 =	vadd.s32 $0x1EE0, v0;
	v20 =	vadd.s32 $0x2080, v0;
	v21 =	vadd.s32 $0x2220, v0  }
0xb: {  	s23 =	simm.s32 $0x1;
	s5 =	sand.u32 $0x1, s1;
	s6 =	sshll.u32 s0, $0x1;
	v22 =	vadd.s32 $0x23C0, v0;
	v23 =	vadd.s32 $0x2560, v0;
	v24 =	vadd.s32 $0x2700, v0  }
0xc: {  	s24 =	simm.s32 $0x0;
	s6 =	sor.u32 s5, s6;
	s5 =	ssub.s32 $0x2, s5;
	v25 =	vadd.s32 $0x28A0, v0;
	v26 =	vadd.s32 $0x2A40, v0;
	v27 =	vadd.s32 $0x2BE0, v0  }
0xd: {  	[smem:$0x7FF] =	sst s3;
	s7 =	smul.u32 $0x680, s6;
	s8 =	sshrl.u32 s5, $0x1;
	v28 =	vadd.s32 $0x2D80, v0;
	v29 =	vadd.s32 $0x2F20, v0;
	v30 =	vadd.s32 $0x30C0, v0  }
0xe: {  	_ =	strace $0x8000004A;
	s6 =	sshll.u32 s6, $0x9;
	v31 =	vadd.s32 $0x3260, v0;
	v32 =	vor.u32 $0x1, v0;
	v33 =	vadd.s32 $0x1A1, v0;
	s9 =	ssub.s32 s5, s8  }
0xf: {  	v34 =	vadd.s32 $0x341, v0;
	v35 =	vadd.s32 $0x4E1, v0;
	v36 =	vadd.s32 $0x681, v0;
	s8 =	sadd.s32 $0x8000, s2;
	s7 =	sadd.s32 s7, s4;
	s4 =	sadd.s32 $0xA00, s4  }
0x10: {  	v37 =	vadd.s32 $0x821, v0;
	v38 =	vadd.s32 $0x9C1, v0;
	v39 =	vadd.s32 $0xB61, v0;
	s9 =	smax.u32 s9, $0x1;
	s5 =	sadd.s32 $0x3D1400, s7;
	s7 =	sadd.s32 $0x4000, s2  }
.LBB2_1:
0x11: {  	[tilespmem:s3], [sflag:$0x3] =	stream.linear.gather [hbm4b:s5+s3], $0x3400, $0x38;
	[tilespmem:$0xF700] =	vst v63  }
0x12: {  	_ =	swait.ge [sflag:s10], $0x3400  }
0x13: {  	[sflag:s10] =	ssyncset.done $0x0  }
0x14: {  	[sflag:s10] =	ssyncadd.s32 $0xFFFFCC00  }
0x15: {  	v41 =	vld.idx.msk [tilespmem:v0+s3+$0x0], $0xffff  }
0x16: {  	v42 =	vld.idx.msk [tilespmem:v1+s3+$0x0], $0xffff  }
0x17: {  	v43 =	vld.idx.msk [tilespmem:v2+s3+$0x0], $0xffff  }
0x18: {  	v44 =	vld.idx.msk [tilespmem:v3+s3+$0x0], $0xffff  }
0x19: {  	v45 =	vld.idx.msk [tilespmem:v4+s3+$0x0], $0xffff  }
0x1a: {  	v49 =	vld.idx.msk [tilespmem:v5+s3+$0x0], $0xffff;
	[tilespmem:$0x3400] =	vst v41  }
0x1b: {  	v50 =	vld.idx.msk [tilespmem:v6+s3+$0x0], $0xffff;
	[tilespmem:$0x3410] =	vst v42  }
0x1c: {  	v51 =	vld.idx.msk [tilespmem:v7+s3+$0x0], $0xffff;
	[tilespmem:$0x3420] =	vst v43  }
0x1d: {  	[tilespmem:$0x3430] =	vst v44  }
0x1e: {  	[tilespmem:$0x3440] =	vst v45  }
0x1f: {  	[tilespmem:$0x3450] =	vst v49  }
0x20: {  	[tilespmem:$0x3460] =	vst v50  }
0x21: {  	[tilespmem:$0x3470] =	vst v51  }
0x22: {  	[tilespmem:s13], [sflag:$0x1] =	stream.indirect.gather [hbm4b:s4+s11], $0x20, s12, s11, $0xb8;
	[tilespmem:$0xF700] =	vst v63  }
0x23: {  	v41 =	vld.idx.msk [tilespmem:v8+s3+$0x0], $0xffff  }
0x24: {  	v42 =	vld.idx.msk [tilespmem:v9+s3+$0x0], $0xffff  }
0x25: {  	v43 =	vld.idx.msk [tilespmem:v10+s3+$0x0], $0xffff  }
0x26: {  	v44 =	vld.idx.msk [tilespmem:v11+s3+$0x0], $0xffff  }
0x27: {  	v45 =	vld.idx.msk [tilespmem:v12+s3+$0x0], $0xffff  }
0x28: {  	v52 =	vld.idx.msk [tilespmem:v13+s3+$0x0], $0xffff;
	[tilespmem:$0x3480] =	vst v41  }
0x29: {  	v53 =	vld.idx.msk [tilespmem:v14+s3+$0x0], $0xffff;
	[tilespmem:$0x3490] =	vst v42  }
0x2a: {  	v54 =	vld.idx.msk [tilespmem:v15+s3+$0x0], $0xffff;
	[tilespmem:$0x34A0] =	vst v43  }
0x2b: {  	[tilespmem:$0x34B0] =	vst v44  }
0x2c: {  	[tilespmem:$0x34C0] =	vst v45  }
0x2d: {  	[tilespmem:$0x34D0] =	vst v52  }
0x2e: {  	[tilespmem:$0x34E0] =	vst v53  }
0x2f: {  	[tilespmem:$0x34F0] =	vst v54  }
0x30: {  	[tilespmem:s15], [sflag:$0x1] =	stream.indirect.gather [hbm4b:s4+s11], $0x20, s14, s11, $0xb8;
	[tilespmem:$0xF700] =	vst v63  }
0x31: {  	v41 =	vld.idx.msk [tilespmem:v16+s3+$0x0], $0xffff  }
0x32: {  	v42 =	vld.idx.msk [tilespmem:v17+s3+$0x0], $0xffff  }
0x33: {  	v43 =	vld.idx.msk [tilespmem:v18+s3+$0x0], $0xffff  }
0x34: {  	v44 =	vld.idx.msk [tilespmem:v19+s3+$0x0], $0xffff  }
0x35: {  	v45 =	vld.idx.msk [tilespmem:v20+s3+$0x0], $0xffff  }
0x36: {  	v55 =	vld.idx.msk [tilespmem:v21+s3+$0x0], $0xffff;
	[tilespmem:$0x3500] =	vst v41  }
0x37: {  	v56 =	vld.idx.msk [tilespmem:v22+s3+$0x0], $0xffff;
	[tilespmem:$0x3510] =	vst v42  }
0x38: {  	v57 =	vld.idx.msk [tilespmem:v23+s3+$0x0], $0xffff;
	[tilespmem:$0x3520] =	vst v43  }
0x39: {  	[tilespmem:$0x3530] =	vst v44  }
0x3a: {  	[tilespmem:$0x3540] =	vst v45  }
0x3b: {  	[tilespmem:$0x3550] =	vst v55  }
0x3c: {  	[tilespmem:$0x3560] =	vst v56  }
0x3d: {  	[tilespmem:$0x3570] =	vst v57  }
0x3e: {  	[tilespmem:s17], [sflag:$0x1] =	stream.indirect.gather [hbm4b:s4+s11], $0x20, s16, s11, $0xb8;
	[tilespmem:$0xF700] =	vst v63  }
0x3f: {  	v41 =	vld.idx.msk [tilespmem:v24+s3+$0x0], $0xffff  }
0x40: {  	v42 =	vld.idx.msk [tilespmem:v25+s3+$0x0], $0xffff  }
0x41: {  	v43 =	vld.idx.msk [tilespmem:v26+s3+$0x0], $0xffff  }
0x42: {  	v44 =	vld.idx.msk [tilespmem:v27+s3+$0x0], $0xffff  }
0x43: {  	v45 =	vld.idx.msk [tilespmem:v28+s3+$0x0], $0xffff  }
0x44: {  	v58 =	vld.idx.msk [tilespmem:v29+s3+$0x0], $0xffff;
	[tilespmem:$0x3580] =	vst v41  }
0x45: {  	v59 =	vld.idx.msk [tilespmem:v30+s3+$0x0], $0xffff;
	[tilespmem:$0x3590] =	vst v42  }
0x46: {  	v60 =	vld.idx.msk [tilespmem:v31+s3+$0x0], $0xffff;
	[tilespmem:$0x35A0] =	vst v43  }
0x47: {  	[tilespmem:$0x35B0] =	vst v44  }
0x48: {  	[tilespmem:$0x35C0] =	vst v45  }
0x49: {  	[tilespmem:$0x35D0] =	vst v58  }
0x4a: {  	[tilespmem:$0x35E0] =	vst v59  }
0x4b: {  	[tilespmem:$0x35F0] =	vst v60  }
0x4c: {  	[tilespmem:s19], [sflag:$0x1] =	stream.indirect.gather [hbm4b:s4+s11], $0x20, s18, s11, $0xb8;
	[tilespmem:$0xF700] =	vst v63  }
0x4d: {  	v41 =	vld.idx.msk [tilespmem:v32+s3+$0x0], $0xffff  }
0x4e: {  	v42 =	vld.idx.msk [tilespmem:v33+s3+$0x0], $0xffff  }
0x4f: {  	v43 =	vld.idx.msk [tilespmem:v34+s3+$0x0], $0xffff  }
0x50: {  	v44 =	vld.idx.msk [tilespmem:v35+s3+$0x0], $0xffff  }
0x51: {  	v45 =	vld.idx.msk [tilespmem:v36+s3+$0x0], $0xffff  }
0x52: {  	v61 =	vld.idx.msk [tilespmem:v37+s3+$0x0], $0xffff;
	[tilespmem:$0x3600] =	vst v41  }
0x53: {  	v62 =	vld.idx.msk [tilespmem:v38+s3+$0x0], $0xffff;
	[tilespmem:$0x3610] =	vst v42  }
0x54: {  	v63 =	vld.idx.msk [tilespmem:v39+s3+$0x0], $0xffff;
	[tilespmem:$0x3620] =	vst v43  }
0x55: {  	[tilespmem:$0x3630] =	vst v44  }
0x56: {  	[tilespmem:$0x3640] =	vst v45  }
0x57: {  	[tilespmem:$0x3650] =	vst v61  }
0x58: {  	[tilespmem:$0x3660] =	vst v62  }
0x59: {  	s25 =	simm.s32 $0x0;
	[tilespmem:$0x3670] =	vst v63  }
0x5a: {  	[tilespmem:s21], [sflag:$0x1] =	stream.indirect.gather [hbm4b:s4+s11], $0x20, s20, s11, $0xb8;
	[tilespmem:$0xF700] =	vst v63  }
.LBB2_2:
0x5b: {  	p0 =	sgt.u32 s25, $0x62  }
0x5c: {  	s26 =	sadd.s32 @!p0 $0x5, s25  }
0x5d: {  	s28 =	sshll.u32 @!p0 s26, $0x7  }
0x5e: {  	s28 =	sand.u32 @!p0 $0x180, s28  }
0x5f: {  	v41 =	vlaneseq.u32 @!p0;
	s28 =	smul.u32 @!p0 $0x1A, s28  }
0x60: {  	s29 =	sshrl.u32 @!p0 s26, $0x2;
	v41 =	vmul.u32 @!p0 $0x1A, v41  }
0x61: {  	s30 =	sor.u32 @!p0 s29, s28  }
0x62: {  	s31 =	smul.u32 @!p0 $0xAB, s26;
	s28 =	sadd.s32 @!p0 s29, s28;
	v42 =	vadd.s32 @!p0 s30, v41;
	s1 =	sadd.s32 @!p0 $0x1A0, s30  }
0x63: {  	v43 =	vadd.s32 @!p0 s1, v41;
	s1 =	sadd.s32 @!p0 $0x340, s28  }
0x64: {  	s29 =	sshrl.u32 @!p0 s31, $0xA;
	v44 =	vadd.s32 @!p0 s1, v41;
	s1 =	sadd.s32 @!p0 $0x4E0, s30  }
0x65: {  	s29 =	sand.u32 @!p0 $0x3F, s29;
	v45 =	vadd.s32 @!p0 s1, v41;
	s1 =	sadd.s32 @!p0 $0x680, s28  }
0x66: {  	s31 =	simm.s32 @!p0 $0x0;
	s29 =	smul.u32 @!p0 $0x6, s29;
	v46 =	vadd.s32 @!p0 s1, v41;
	s1 =	sadd.s32 @!p0 $0x820, s30  }
0x67: {  	v42 =	vld.idx.msk @!p0 [tilespmem:v42+s31+$0x0], $0xffff;
	v47 =	vadd.s32 @!p0 s1, v41;
	s1 =	sadd.s32 @!p0 $0x9C0, s28  }
0x68: {  	s26 =	ssub.s32 @!p0 s26, s29;
	v43 =	vld.idx.msk @!p0 [tilespmem:v43+s31+$0x0], $0xffff;
	v48 =	vadd.s32 @!p0 s1, v41;
	s1 =	sadd.s32 @!p0 $0xB60, s30  }
0x69: {  	s26 =	sand.u32 @!p0 $0xFF, s26;
	v44 =	vld.idx.msk @!p0 [tilespmem:v44+s31+$0x0], $0xffff;
	v41 =	vadd.s32 @!p0 s1, v41  }
0x6a: {  	s1 =	sshll.u32 @!p0 s26, $0x7;
	v45 =	vld.idx.msk @!p0 [tilespmem:v45+s31+$0x0], $0xffff  }
0x6b: {  	s28 =	sor.u32 @!p0 $0x3400, s1;
	v46 =	vld.idx.msk @!p0 [tilespmem:v46+s31+$0x0], $0xffff  }
0x6c: {  	s29 =	sor.u32 @!p0 $0x3410, s1;
	[tilespmem:s28+$0x0] =	vst @!p0 v42;
	v42 =	vld.idx.msk @!p0 [tilespmem:v47+s31+$0x0], $0xffff  }
0x6d: {  	[tilespmem:s29+$0x0] =	vst @!p0 v43;
	s29 =	sor.u32 @!p0 $0x3420, s1;
	v43 =	vld.idx.msk @!p0 [tilespmem:v48+s31+$0x0], $0xffff  }
0x6e: {  	[tilespmem:s29+$0x0] =	vst @!p0 v44;
	s29 =	sor.u32 @!p0 $0x3430, s1;
	v41 =	vld.idx.msk @!p0 [tilespmem:v41+s31+$0x0], $0xffff  }
0x6f: {  	[tilespmem:s29+$0x0] =	vst @!p0 v45;
	s29 =	sor.u32 @!p0 $0x3440, s1  }
0x70: {  	[tilespmem:s29+$0x0] =	vst @!p0 v46;
	s29 =	sor.u32 @!p0 $0x3450, s1  }
0x71: {  	[tilespmem:s29+$0x0] =	vst @!p0 v42;
	s29 =	sor.u32 @!p0 $0x3460, s1  }
0x72: {  	s26 =	sshll.u32 @!p0 s26, $0xC;
	s1 =	sor.u32 @!p0 $0x3470, s1;
	[tilespmem:s29+$0x0] =	vst @!p0 v43  }
0x73: {  	s31 =	smul.u32 $0xAB, s25;
	[tilespmem:s1+$0x0] =	vst @!p0 v41;
	s1 =	sadd.s32 @!p0 $0x3700, s26;
	s26 =	simm.s32 @!p0 $0x80  }
0x74: {  	[tilespmem:s1], [sflag:$0x1] =	stream.indirect.gather @!p0 [hbm4b:s4+s26], $0x20, s28, s26, $0xb8;
	[tilespmem:$0xF700] =	vst v63  }
0x75: {  	s1 =	sshrl.u32 s31, $0xA  }
0x76: {  	p1 =	slt.u32 @!p0 s25, $0x6;
	s1 =	sand.u32 $0x3F, s1  }
0x77: {  	p0 =	por p0, !p1;
	s1 =	smul.u32 $0x6, s1  }
0x78: {  	_ =	swait.ge @p0 [sflag:s22], $0x1000  }
0x79: {  	[sflag:s22] =	ssyncset.done @p0 $0x0;
	s1 =	ssub.s32 s25, s1  }
0x7a: {  	[sflag:s22] =	ssyncadd.s32 @p0 $0xFFFFF000;
	s1 =	sand.u32 $0xFF, s1  }
0x7b: {  	_ =	swait.ge [sflag:s23], $0x1000;
	s26 =	sshll.u32 s1, $0xC  }
0x7c: {  	[sflag:s23] =	ssyncset.done $0x0;
	s28 =	sadd.s32 $0x9700, s26  }
0x7d: {  	s29 =	simm.s32 $0x0;
	p0 =	por $0x1, $0x1;
	[sflag:s23] =	ssyncadd.s32 $0xFFFFF000;
	v41 =	vmov s26;
	v42 =	vmov s28  }
.LBB2_3:
0x7e: {  	v43 =	vmov s29;
	s1 =	sor.u32 $0x10, s29;
	s30 =	sor.u32 $0x20, s29  }
0x7f: {  	s31 =	sor.u32 $0x30, s29;
	v43 =	vshll.u32 v43, $0x5;
	v44 =	vmov s1;
	v45 =	vmov s30  }
0x80: {  	v46 =	vmov s31;
	v43 =	vor.u32 v40, v43;
	v44 =	vshll.u32 v44, $0x5  }
0x81: {  	v45 =	vshll.u32 v45, $0x5;
	v43 =	vor.u32 v41, v43;
	v44 =	vor.u32 v40, v44  }
0x82: {  	v46 =	vshll.u32 v46, $0x5;
	v45 =	vor.u32 v40, v45;
	v44 =	vor.u32 v41, v44  }
0x83: {  	v46 =	vor.u32 v40, v46;
	v45 =	vor.u32 v41, v45  }
0x84: {  	v46 =	vor.u32 v41, v46;
	_ =	sdelay $0x1  }
0x85: {  	v47 =	vld.idx.msk [tilespmem:v43+s13+$0x0], $0xffff  }
0x86: {  	v48 =	vld.idx.msk [tilespmem:v44+s13+$0x0], $0xffff  }
0x87: {  	v49 =	vld.idx.msk [tilespmem:v45+s13+$0x0], $0xffff  }
0x88: {  	v50 =	vor.u32 $0x1, v43;
	v51 =	vld.idx.msk [tilespmem:v46+s13+$0x0], $0xffff  }
0x89: {  	v52 =	vor.u32 $0x1, v44  }
0x8a: {  	v53 =	vor.u32 $0x1, v45;
	v47 =	vmul.f32 $1.000000000e+01, v47  }
0x8b: {  	v54 =	vor.u32 $0x1, v46;
	v48 =	vmul.f32 $1.000000000e+01, v48  }
0x8c: {  	v62 =	vmul.f32 $1.000000000e+01, v49;
	[tilespmem:v42+s29+$0x0 ss:$0x1] =	vst.idx.msk $0xffff, v47  }
0x8d: {  	v56 =	vmul.f32 $1.000000000e+01, v51;
	[tilespmem:v42+s1+$0x0 ss:$0x1] =	vst.idx.msk $0xffff, v48;
	v63 =	vld.idx.msk [tilespmem:v50+s13+$0x0], $0xffff  }
0x8e: {  	[tilespmem:v42+s30+$0x0 ss:$0x1] =	vst.idx.msk $0xffff, v62;
	v57 =	vld.idx.msk [tilespmem:v52+s13+$0x0], $0xffff  }
0x8f: {  	[tilespmem:v42+s31+$0x0 ss:$0x1] =	vst.idx.msk $0xffff, v56;
	v58 =	vld.idx.msk [tilespmem:v53+s13+$0x0], $0xffff  }
0x90: {  	v59 =	vor.u32 $0x2, v43;
	v60 =	vld.idx.msk [tilespmem:v54+s13+$0x0], $0xffff  }
0x91: {  	v61 =	vor.u32 $0x2, v44  }
0x92: {  	v62 =	vor.u32 $0x2, v45;
	v48 =	vmul.f32 $1.000000000e+01, v63  }
0x93: {  	v63 =	vor.u32 $0x2, v46;
	v47 =	vmul.f32 $1.000000000e+01, v57  }
0x94: {  	v57 =	vmul.f32 $1.000000000e+01, v58;
	[tilespmem:v42+s29+$0x80 ss:$0x1] =	vst.idx.msk $0xffff, v48  }
0x95: {  	v58 =	vmul.f32 $1.000000000e+01, v60;
	v49 =	vld.idx.msk [tilespmem:v59+s13+$0x0], $0xffff;
	[tilespmem:v42+s29+$0x90 ss:$0x1] =	vst.idx.msk $0xffff, v47  }
0x96: {  	[tilespmem:v42+s29+$0xA0 ss:$0x1] =	vst.idx.msk $0xffff, v57;
	v59 =	vld.idx.msk [tilespmem:v61+s13+$0x0], $0xffff  }
0x97: {  	[tilespmem:v42+s29+$0xB0 ss:$0x1] =	vst.idx.msk $0xffff, v58;
	v48 =	vld.idx.msk [tilespmem:v62+s13+$0x0], $0xffff  }
0x98: {  	v60 =	vor.u32 $0x3, v43;
	v61 =	vld.idx.msk [tilespmem:v63+s13+$0x0], $0xffff  }
0x99: {  	v62 =	vor.u32 $0x3, v44  }
0x9a: {  	v63 =	vor.u32 $0x3, v45;
	v49 =	vmul.f32 $1.000000000e+01, v49  }
0x9b: {  	v57 =	vor.u32 $0x3, v46;
	v50 =	vmul.f32 $1.000000000e+01, v59  }
0x9c: {  	v48 =	vmul.f32 $1.000000000e+01, v48;
	[tilespmem:v42+s29+$0x100 ss:$0x1] =	vst.idx.msk $0xffff, v49  }
0x9d: {  	v58 =	vmul.f32 $1.000000000e+01, v61;
	v47 =	vld.idx.msk [tilespmem:v60+s13+$0x0], $0xffff;
	[tilespmem:v42+s29+$0x110 ss:$0x1] =	vst.idx.msk $0xffff, v50  }
0x9e: {  	[tilespmem:v42+s29+$0x120 ss:$0x1] =	vst.idx.msk $0xffff, v48;
	v50 =	vld.idx.msk [tilespmem:v62+s13+$0x0], $0xffff  }
0x9f: {  	v48 =	vld.idx.msk [tilespmem:v63+s13+$0x0], $0xffff;
	[tilespmem:v42+s29+$0x130 ss:$0x1] =	vst.idx.msk $0xffff, v58  }
0xa0: {  	v59 =	vor.u32 $0x4, v43;
	v60 =	vld.idx.msk [tilespmem:v57+s13+$0x0], $0xffff  }
0xa1: {  	v61 =	vor.u32 $0x4, v44  }
0xa2: {  	v62 =	vor.u32 $0x4, v45;
	v47 =	vmul.f32 $1.000000000e+01, v47  }
0xa3: {  	v63 =	vor.u32 $0x4, v46;
	v50 =	vmul.f32 $1.000000000e+01, v50  }
0xa4: {  	v57 =	vmul.f32 $1.000000000e+01, v48;
	[tilespmem:v42+s29+$0x180 ss:$0x1] =	vst.idx.msk $0xffff, v47  }
0xa5: {  	v58 =	vld.idx.msk [tilespmem:v59+s13+$0x0], $0xffff;
	[tilespmem:v42+s29+$0x190 ss:$0x1] =	vst.idx.msk $0xffff, v50;
	v59 =	vmul.f32 $1.000000000e+01, v60  }
0xa6: {  	[tilespmem:v42+s29+$0x1A0 ss:$0x1] =	vst.idx.msk $0xffff, v57;
	v50 =	vld.idx.msk [tilespmem:v61+s13+$0x0], $0xffff  }
0xa7: {  	v47 =	vld.idx.msk [tilespmem:v62+s13+$0x0], $0xffff;
	[tilespmem:v42+s29+$0x1B0 ss:$0x1] =	vst.idx.msk $0xffff, v59  }
0xa8: {  	v60 =	vor.u32 $0x5, v43;
	v61 =	vld.idx.msk [tilespmem:v63+s13+$0x0], $0xffff  }
0xa9: {  	v62 =	vor.u32 $0x5, v44  }
0xaa: {  	v63 =	vor.u32 $0x5, v45;
	v48 =	vmul.f32 $1.000000000e+01, v58  }
0xab: {  	v57 =	vor.u32 $0x5, v46;
	v50 =	vmul.f32 $1.000000000e+01, v50  }
0xac: {  	v47 =	vmul.f32 $1.000000000e+01, v47;
	[tilespmem:v42+s29+$0x200 ss:$0x1] =	vst.idx.msk $0xffff, v48  }
0xad: {  	v48 =	vld.idx.msk [tilespmem:v60+s13+$0x0], $0xffff;
	[tilespmem:v42+s29+$0x210 ss:$0x1] =	vst.idx.msk $0xffff, v50;
	v58 =	vmul.f32 $1.000000000e+01, v61  }
0xae: {  	[tilespmem:v42+s29+$0x220 ss:$0x1] =	vst.idx.msk $0xffff, v47;
	v50 =	vld.idx.msk [tilespmem:v62+s13+$0x0], $0xffff  }
0xaf: {  	v47 =	vld.idx.msk [tilespmem:v63+s13+$0x0], $0xffff;
	[tilespmem:v42+s29+$0x230 ss:$0x1] =	vst.idx.msk $0xffff, v58  }
0xb0: {  	v59 =	vor.u32 $0x6, v43;
	v60 =	vld.idx.msk [tilespmem:v57+s13+$0x0], $0xffff  }
0xb1: {  	v61 =	vor.u32 $0x6, v44  }
0xb2: {  	v62 =	vor.u32 $0x6, v45;
	v48 =	vmul.f32 $1.000000000e+01, v48  }
0xb3: {  	v63 =	vor.u32 $0x6, v46;
	v50 =	vmul.f32 $1.000000000e+01, v50  }
0xb4: {  	v47 =	vmul.f32 $1.000000000e+01, v47;
	[tilespmem:v42+s29+$0x280 ss:$0x1] =	vst.idx.msk $0xffff, v48  }
0xb5: {  	v48 =	vld.idx.msk [tilespmem:v59+s13+$0x0], $0xffff;
	[tilespmem:v42+s29+$0x290 ss:$0x1] =	vst.idx.msk $0xffff, v50;
	v56 =	vmul.f32 $1.000000000e+01, v60  }
0xb6: {  	[tilespmem:v42+s29+$0x2A0 ss:$0x1] =	vst.idx.msk $0xffff, v47;
	v50 =	vld.idx.msk [tilespmem:v61+s13+$0x0], $0xffff  }
0xb7: {  	v47 =	vld.idx.msk [tilespmem:v62+s13+$0x0], $0xffff;
	[tilespmem:v42+s29+$0x2B0 ss:$0x1] =	vst.idx.msk $0xffff, v56  }
0xb8: {  	v57 =	vor.u32 $0x7, v43;
	v58 =	vld.idx.msk [tilespmem:v63+s13+$0x0], $0xffff  }
0xb9: {  	v59 =	vor.u32 $0x7, v44  }
0xba: {  	v60 =	vor.u32 $0x7, v45;
	v48 =	vmul.f32 $1.000000000e+01, v48  }
0xbb: {  	v61 =	vor.u32 $0x7, v46;
	v50 =	vmul.f32 $1.000000000e+01, v50  }
0xbc: {  	v47 =	vmul.f32 $1.000000000e+01, v47;
	[tilespmem:v42+s29+$0x300 ss:$0x1] =	vst.idx.msk $0xffff, v48  }
0xbd: {  	v48 =	vld.idx.msk [tilespmem:v57+s13+$0x0], $0xffff;
	[tilespmem:v42+s29+$0x310 ss:$0x1] =	vst.idx.msk $0xffff, v50;
	v62 =	vmul.f32 $1.000000000e+01, v58  }
0xbe: {  	[tilespmem:v42+s29+$0x320 ss:$0x1] =	vst.idx.msk $0xffff, v47;
	v50 =	vld.idx.msk [tilespmem:v59+s13+$0x0], $0xffff  }
0xbf: {  	v47 =	vld.idx.msk [tilespmem:v60+s13+$0x0], $0xffff;
	[tilespmem:v42+s29+$0x330 ss:$0x1] =	vst.idx.msk $0xffff, v62  }
0xc0: {  	v63 =	vor.u32 $0x8, v43;
	v57 =	vld.idx.msk [tilespmem:v61+s13+$0x0], $0xffff  }
0xc1: {  	v58 =	vor.u32 $0x8, v44  }
0xc2: {  	v59 =	vor.u32 $0x8, v45;
	v48 =	vmul.f32 $1.000000000e+01, v48  }
0xc3: {  	v60 =	vor.u32 $0x8, v46;
	v50 =	vmul.f32 $1.000000000e+01, v50  }
0xc4: {  	v47 =	vmul.f32 $1.000000000e+01, v47;
	[tilespmem:v42+s29+$0x380 ss:$0x1] =	vst.idx.msk $0xffff, v48  }
0xc5: {  	v48 =	vld.idx.msk [tilespmem:v63+s13+$0x0], $0xffff;
	[tilespmem:v42+s29+$0x390 ss:$0x1] =	vst.idx.msk $0xffff, v50;
	v61 =	vmul.f32 $1.000000000e+01, v57  }
0xc6: {  	[tilespmem:v42+s29+$0x3A0 ss:$0x1] =	vst.idx.msk $0xffff, v47;
	v50 =	vld.idx.msk [tilespmem:v58+s13+$0x0], $0xffff  }
0xc7: {  	v47 =	vld.idx.msk [tilespmem:v59+s13+$0x0], $0xffff;
	[tilespmem:v42+s29+$0x3B0 ss:$0x1] =	vst.idx.msk $0xffff, v61  }
0xc8: {  	v62 =	vor.u32 $0x9, v43;
	v63 =	vld.idx.msk [tilespmem:v60+s13+$0x0], $0xffff  }
0xc9: {  	v57 =	vor.u32 $0x9, v44  }
0xca: {  	v58 =	vor.u32 $0x9, v45;
	v48 =	vmul.f32 $1.000000000e+01, v48  }
0xcb: {  	v59 =	vor.u32 $0x9, v46;
	v50 =	vmul.f32 $1.000000000e+01, v50  }
0xcc: {  	v47 =	vmul.f32 $1.000000000e+01, v47;
	[tilespmem:v42+s29+$0x400 ss:$0x1] =	vst.idx.msk $0xffff, v48  }
0xcd: {  	v48 =	vld.idx.msk [tilespmem:v62+s13+$0x0], $0xffff;
	[tilespmem:v42+s29+$0x410 ss:$0x1] =	vst.idx.msk $0xffff, v50;
	v60 =	vmul.f32 $1.000000000e+01, v63  }
0xce: {  	[tilespmem:v42+s29+$0x420 ss:$0x1] =	vst.idx.msk $0xffff, v47;
	v50 =	vld.idx.msk [tilespmem:v57+s13+$0x0], $0xffff  }
0xcf: {  	v47 =	vld.idx.msk [tilespmem:v58+s13+$0x0], $0xffff;
	[tilespmem:v42+s29+$0x430 ss:$0x1] =	vst.idx.msk $0xffff, v60  }
0xd0: {  	v61 =	vor.u32 $0xA, v43;
	v62 =	vld.idx.msk [tilespmem:v59+s13+$0x0], $0xffff  }
0xd1: {  	v63 =	vor.u32 $0xA, v44  }
0xd2: {  	v57 =	vor.u32 $0xA, v45;
	v48 =	vmul.f32 $1.000000000e+01, v48  }
0xd3: {  	v58 =	vor.u32 $0xA, v46;
	v50 =	vmul.f32 $1.000000000e+01, v50  }
0xd4: {  	v47 =	vmul.f32 $1.000000000e+01, v47;
	[tilespmem:v42+s29+$0x480 ss:$0x1] =	vst.idx.msk $0xffff, v48  }
0xd5: {  	v48 =	vld.idx.msk [tilespmem:v61+s13+$0x0], $0xffff;
	[tilespmem:v42+s29+$0x490 ss:$0x1] =	vst.idx.msk $0xffff, v50;
	v59 =	vmul.f32 $1.000000000e+01, v62  }
0xd6: {  	[tilespmem:v42+s29+$0x4A0 ss:$0x1] =	vst.idx.msk $0xffff, v47;
	v50 =	vld.idx.msk [tilespmem:v63+s13+$0x0], $0xffff  }
0xd7: {  	v47 =	vld.idx.msk [tilespmem:v57+s13+$0x0], $0xffff;
	[tilespmem:v42+s29+$0x4B0 ss:$0x1] =	vst.idx.msk $0xffff, v59  }
0xd8: {  	v60 =	vor.u32 $0xB, v43;
	v61 =	vld.idx.msk [tilespmem:v58+s13+$0x0], $0xffff  }
0xd9: {  	v62 =	vor.u32 $0xB, v44  }
0xda: {  	v63 =	vor.u32 $0xB, v45;
	v48 =	vmul.f32 $1.000000000e+01, v48  }
0xdb: {  	v57 =	vor.u32 $0xB, v46;
	v50 =	vmul.f32 $1.000000000e+01, v50  }
0xdc: {  	v47 =	vmul.f32 $1.000000000e+01, v47;
	[tilespmem:v42+s29+$0x500 ss:$0x1] =	vst.idx.msk $0xffff, v48  }
0xdd: {  	v48 =	vld.idx.msk [tilespmem:v60+s13+$0x0], $0xffff;
	[tilespmem:v42+s29+$0x510 ss:$0x1] =	vst.idx.msk $0xffff, v50;
	v58 =	vmul.f32 $1.000000000e+01, v61  }
0xde: {  	[tilespmem:v42+s29+$0x520 ss:$0x1] =	vst.idx.msk $0xffff, v47;
	v50 =	vld.idx.msk [tilespmem:v62+s13+$0x0], $0xffff  }
0xdf: {  	v47 =	vld.idx.msk [tilespmem:v63+s13+$0x0], $0xffff;
	[tilespmem:v42+s29+$0x530 ss:$0x1] =	vst.idx.msk $0xffff, v58  }
0xe0: {  	v59 =	vor.u32 $0xC, v43;
	v60 =	vld.idx.msk [tilespmem:v57+s13+$0x0], $0xffff  }
0xe1: {  	v61 =	vor.u32 $0xC, v44  }
0xe2: {  	v62 =	vor.u32 $0xC, v45;
	v48 =	vmul.f32 $1.000000000e+01, v48  }
0xe3: {  	v63 =	vor.u32 $0xC, v46;
	v50 =	vmul.f32 $1.000000000e+01, v50  }
0xe4: {  	v47 =	vmul.f32 $1.000000000e+01, v47;
	[tilespmem:v42+s29+$0x580 ss:$0x1] =	vst.idx.msk $0xffff, v48  }
0xe5: {  	v48 =	vld.idx.msk [tilespmem:v59+s13+$0x0], $0xffff;
	[tilespmem:v42+s29+$0x590 ss:$0x1] =	vst.idx.msk $0xffff, v50;
	v56 =	vmul.f32 $1.000000000e+01, v60  }
0xe6: {  	[tilespmem:v42+s29+$0x5A0 ss:$0x1] =	vst.idx.msk $0xffff, v47;
	v50 =	vld.idx.msk [tilespmem:v61+s13+$0x0], $0xffff  }
0xe7: {  	v47 =	vld.idx.msk [tilespmem:v62+s13+$0x0], $0xffff;
	[tilespmem:v42+s29+$0x5B0 ss:$0x1] =	vst.idx.msk $0xffff, v56  }
0xe8: {  	v57 =	vor.u32 $0xD, v43;
	v58 =	vld.idx.msk [tilespmem:v63+s13+$0x0], $0xffff  }
0xe9: {  	v59 =	vor.u32 $0xD, v44  }
0xea: {  	v60 =	vor.u32 $0xD, v45;
	v48 =	vmul.f32 $1.000000000e+01, v48  }
0xeb: {  	v61 =	vor.u32 $0xD, v46;
	v50 =	vmul.f32 $1.000000000e+01, v50  }
0xec: {  	v47 =	vmul.f32 $1.000000000e+01, v47;
	[tilespmem:v42+s29+$0x600 ss:$0x1] =	vst.idx.msk $0xffff, v48  }
0xed: {  	v48 =	vld.idx.msk [tilespmem:v57+s13+$0x0], $0xffff;
	[tilespmem:v42+s29+$0x610 ss:$0x1] =	vst.idx.msk $0xffff, v50;
	v62 =	vmul.f32 $1.000000000e+01, v58  }
0xee: {  	[tilespmem:v42+s29+$0x620 ss:$0x1] =	vst.idx.msk $0xffff, v47;
	v50 =	vld.idx.msk [tilespmem:v59+s13+$0x0], $0xffff  }
0xef: {  	v47 =	vld.idx.msk [tilespmem:v60+s13+$0x0], $0xffff;
	[tilespmem:v42+s29+$0x630 ss:$0x1] =	vst.idx.msk $0xffff, v62  }
0xf0: {  	v63 =	vor.u32 $0xE, v43;
	v57 =	vld.idx.msk [tilespmem:v61+s13+$0x0], $0xffff  }
0xf1: {  	v58 =	vor.u32 $0xE, v44  }
0xf2: {  	v59 =	vor.u32 $0xE, v45;
	v48 =	vmul.f32 $1.000000000e+01, v48  }
0xf3: {  	v60 =	vor.u32 $0xE, v46;
	v50 =	vmul.f32 $1.000000000e+01, v50  }
0xf4: {  	v47 =	vmul.f32 $1.000000000e+01, v47;
	[tilespmem:v42+s29+$0x680 ss:$0x1] =	vst.idx.msk $0xffff, v48  }
0xf5: {  	v48 =	vld.idx.msk [tilespmem:v63+s13+$0x0], $0xffff;
	[tilespmem:v42+s29+$0x690 ss:$0x1] =	vst.idx.msk $0xffff, v50;
	v61 =	vmul.f32 $1.000000000e+01, v57  }
0xf6: {  	[tilespmem:v42+s29+$0x6A0 ss:$0x1] =	vst.idx.msk $0xffff, v47;
	v50 =	vld.idx.msk [tilespmem:v58+s13+$0x0], $0xffff  }
0xf7: {  	v47 =	vld.idx.msk [tilespmem:v59+s13+$0x0], $0xffff;
	[tilespmem:v42+s29+$0x6B0 ss:$0x1] =	vst.idx.msk $0xffff, v61  }
0xf8: {  	v62 =	vor.u32 $0xF, v43;
	v63 =	vld.idx.msk [tilespmem:v60+s13+$0x0], $0xffff  }
0xf9: {  	v57 =	vor.u32 $0xF, v44  }
0xfa: {  	v58 =	vor.u32 $0xF, v45;
	v48 =	vmul.f32 $1.000000000e+01, v48  }
0xfb: {  	v59 =	vor.u32 $0xF, v46;
	v50 =	vmul.f32 $1.000000000e+01, v50  }
0xfc: {  	v47 =	vmul.f32 $1.000000000e+01, v47;
	[tilespmem:v42+s29+$0x700 ss:$0x1] =	vst.idx.msk $0xffff, v48  }
0xfd: {  	v48 =	vld.idx.msk [tilespmem:v62+s13+$0x0], $0xffff;
	[tilespmem:v42+s29+$0x710 ss:$0x1] =	vst.idx.msk $0xffff, v50;
	v60 =	vmul.f32 $1.000000000e+01, v63  }
0xfe: {  	[tilespmem:v42+s29+$0x720 ss:$0x1] =	vst.idx.msk $0xffff, v47;
	v50 =	vld.idx.msk [tilespmem:v57+s13+$0x0], $0xffff  }
0xff: {  	v47 =	vld.idx.msk [tilespmem:v58+s13+$0x0], $0xffff;
	[tilespmem:v42+s29+$0x730 ss:$0x1] =	vst.idx.msk $0xffff, v60  }
0x100: {  	v61 =	vor.u32 $0x10, v43;
	v62 =	vld.idx.msk [tilespmem:v59+s13+$0x0], $0xffff  }
0x101: {  	v63 =	vor.u32 $0x10, v44  }
0x102: {  	v57 =	vor.u32 $0x10, v45;
	v48 =	vmul.f32 $1.000000000e+01, v48  }
0x103: {  	v58 =	vor.u32 $0x10, v46;
	v50 =	vmul.f32 $1.000000000e+01, v50  }
0x104: {  	v47 =	vmul.f32 $1.000000000e+01, v47;
	[tilespmem:v42+s29+$0x780 ss:$0x1] =	vst.idx.msk $0xffff, v48  }
0x105: {  	v48 =	vld.idx.msk [tilespmem:v61+s13+$0x0], $0xffff;
	[tilespmem:v42+s29+$0x790 ss:$0x1] =	vst.idx.msk $0xffff, v50;
	v59 =	vmul.f32 $1.000000000e+01, v62  }
0x106: {  	[tilespmem:v42+s29+$0x7A0 ss:$0x1] =	vst.idx.msk $0xffff, v47;
	v50 =	vld.idx.msk [tilespmem:v63+s13+$0x0], $0xffff  }
0x107: {  	v47 =	vld.idx.msk [tilespmem:v57+s13+$0x0], $0xffff;
	[tilespmem:v42+s29+$0x7B0 ss:$0x1] =	vst.idx.msk $0xffff, v59  }
0x108: {  	v60 =	vor.u32 $0x11, v43;
	v61 =	vld.idx.msk [tilespmem:v58+s13+$0x0], $0xffff  }
0x109: {  	v62 =	vor.u32 $0x11, v44  }
0x10a: {  	v63 =	vor.u32 $0x11, v45;
	v48 =	vmul.f32 $1.000000000e+01, v48  }
0x10b: {  	v57 =	vor.u32 $0x11, v46;
	v50 =	vmul.f32 $1.000000000e+01, v50  }
0x10c: {  	v47 =	vmul.f32 $1.000000000e+01, v47;
	[tilespmem:v42+s29+$0x800 ss:$0x1] =	vst.idx.msk $0xffff, v48  }
0x10d: {  	v48 =	vld.idx.msk [tilespmem:v60+s13+$0x0], $0xffff;
	[tilespmem:v42+s29+$0x810 ss:$0x1] =	vst.idx.msk $0xffff, v50;
	v58 =	vmul.f32 $1.000000000e+01, v61  }
0x10e: {  	[tilespmem:v42+s29+$0x820 ss:$0x1] =	vst.idx.msk $0xffff, v47;
	v50 =	vld.idx.msk [tilespmem:v62+s13+$0x0], $0xffff  }
0x10f: {  	v47 =	vld.idx.msk [tilespmem:v63+s13+$0x0], $0xffff;
	[tilespmem:v42+s29+$0x830 ss:$0x1] =	vst.idx.msk $0xffff, v58  }
0x110: {  	v59 =	vor.u32 $0x12, v43;
	v60 =	vld.idx.msk [tilespmem:v57+s13+$0x0], $0xffff  }
0x111: {  	v61 =	vor.u32 $0x12, v44  }
0x112: {  	v62 =	vor.u32 $0x12, v45;
	v48 =	vmul.f32 $1.000000000e+01, v48  }
0x113: {  	v63 =	vor.u32 $0x12, v46;
	v50 =	vmul.f32 $1.000000000e+01, v50  }
0x114: {  	v47 =	vmul.f32 $1.000000000e+01, v47;
	[tilespmem:v42+s29+$0x880 ss:$0x1] =	vst.idx.msk $0xffff, v48  }
0x115: {  	v48 =	vld.idx.msk [tilespmem:v59+s13+$0x0], $0xffff;
	[tilespmem:v42+s29+$0x890 ss:$0x1] =	vst.idx.msk $0xffff, v50;
	v56 =	vmul.f32 $1.000000000e+01, v60  }
0x116: {  	[tilespmem:v42+s29+$0x8A0 ss:$0x1] =	vst.idx.msk $0xffff, v47;
	v50 =	vld.idx.msk [tilespmem:v61+s13+$0x0], $0xffff  }
0x117: {  	v47 =	vld.idx.msk [tilespmem:v62+s13+$0x0], $0xffff;
	[tilespmem:v42+s29+$0x8B0 ss:$0x1] =	vst.idx.msk $0xffff, v56  }
0x118: {  	v57 =	vor.u32 $0x13, v43;
	v58 =	vld.idx.msk [tilespmem:v63+s13+$0x0], $0xffff  }
0x119: {  	v59 =	vor.u32 $0x13, v44  }
0x11a: {  	v60 =	vor.u32 $0x13, v45;
	v48 =	vmul.f32 $1.000000000e+01, v48  }
0x11b: {  	v61 =	vor.u32 $0x13, v46;
	v50 =	vmul.f32 $1.000000000e+01, v50  }
0x11c: {  	v47 =	vmul.f32 $1.000000000e+01, v47;
	[tilespmem:v42+s29+$0x900 ss:$0x1] =	vst.idx.msk $0xffff, v48  }
0x11d: {  	v48 =	vld.idx.msk [tilespmem:v57+s13+$0x0], $0xffff;
	[tilespmem:v42+s29+$0x910 ss:$0x1] =	vst.idx.msk $0xffff, v50;
	v62 =	vmul.f32 $1.000000000e+01, v58  }
0x11e: {  	[tilespmem:v42+s29+$0x920 ss:$0x1] =	vst.idx.msk $0xffff, v47;
	v50 =	vld.idx.msk [tilespmem:v59+s13+$0x0], $0xffff  }
0x11f: {  	v47 =	vld.idx.msk [tilespmem:v60+s13+$0x0], $0xffff;
	[tilespmem:v42+s29+$0x930 ss:$0x1] =	vst.idx.msk $0xffff, v62  }
0x120: {  	v63 =	vor.u32 $0x14, v43;
	v57 =	vld.idx.msk [tilespmem:v61+s13+$0x0], $0xffff  }
0x121: {  	v58 =	vor.u32 $0x14, v44  }
0x122: {  	v59 =	vor.u32 $0x14, v45;
	v48 =	vmul.f32 $1.000000000e+01, v48  }
0x123: {  	v60 =	vor.u32 $0x14, v46;
	v50 =	vmul.f32 $1.000000000e+01, v50  }
0x124: {  	v47 =	vmul.f32 $1.000000000e+01, v47;
	[tilespmem:v42+s29+$0x980 ss:$0x1] =	vst.idx.msk $0xffff, v48  }
0x125: {  	v48 =	vld.idx.msk [tilespmem:v63+s13+$0x0], $0xffff;
	[tilespmem:v42+s29+$0x990 ss:$0x1] =	vst.idx.msk $0xffff, v50;
	v61 =	vmul.f32 $1.000000000e+01, v57  }
0x126: {  	[tilespmem:v42+s29+$0x9A0 ss:$0x1] =	vst.idx.msk $0xffff, v47;
	v50 =	vld.idx.msk [tilespmem:v58+s13+$0x0], $0xffff  }
0x127: {  	v47 =	vld.idx.msk [tilespmem:v59+s13+$0x0], $0xffff;
	[tilespmem:v42+s29+$0x9B0 ss:$0x1] =	vst.idx.msk $0xffff, v61  }
0x128: {  	v62 =	vor.u32 $0x15, v43;
	v63 =	vld.idx.msk [tilespmem:v60+s13+$0x0], $0xffff  }
0x129: {  	v57 =	vor.u32 $0x15, v44  }
0x12a: {  	v58 =	vor.u32 $0x15, v45;
	v48 =	vmul.f32 $1.000000000e+01, v48  }
0x12b: {  	v59 =	vor.u32 $0x15, v46;
	v50 =	vmul.f32 $1.000000000e+01, v50  }
0x12c: {  	v47 =	vmul.f32 $1.000000000e+01, v47;
	[tilespmem:v42+s29+$0xA00 ss:$0x1] =	vst.idx.msk $0xffff, v48  }
0x12d: {  	v48 =	vld.idx.msk [tilespmem:v62+s13+$0x0], $0xffff;
	[tilespmem:v42+s29+$0xA10 ss:$0x1] =	vst.idx.msk $0xffff, v50;
	v60 =	vmul.f32 $1.000000000e+01, v63  }
0x12e: {  	[tilespmem:v42+s29+$0xA20 ss:$0x1] =	vst.idx.msk $0xffff, v47;
	v50 =	vld.idx.msk [tilespmem:v57+s13+$0x0], $0xffff  }
0x12f: {  	v47 =	vld.idx.msk [tilespmem:v58+s13+$0x0], $0xffff;
	[tilespmem:v42+s29+$0xA30 ss:$0x1] =	vst.idx.msk $0xffff, v60  }
0x130: {  	v61 =	vor.u32 $0x16, v43;
	v62 =	vld.idx.msk [tilespmem:v59+s13+$0x0], $0xffff  }
0x131: {  	v63 =	vor.u32 $0x16, v44  }
0x132: {  	v57 =	vor.u32 $0x16, v45;
	v48 =	vmul.f32 $1.000000000e+01, v48  }
0x133: {  	v58 =	vor.u32 $0x16, v46;
	v50 =	vmul.f32 $1.000000000e+01, v50  }
0x134: {  	v47 =	vmul.f32 $1.000000000e+01, v47;
	[tilespmem:v42+s29+$0xA80 ss:$0x1] =	vst.idx.msk $0xffff, v48  }
0x135: {  	v48 =	vld.idx.msk [tilespmem:v61+s13+$0x0], $0xffff;
	[tilespmem:v42+s29+$0xA90 ss:$0x1] =	vst.idx.msk $0xffff, v50;
	v59 =	vmul.f32 $1.000000000e+01, v62  }
0x136: {  	[tilespmem:v42+s29+$0xAA0 ss:$0x1] =	vst.idx.msk $0xffff, v47;
	v50 =	vld.idx.msk [tilespmem:v63+s13+$0x0], $0xffff  }
0x137: {  	v47 =	vld.idx.msk [tilespmem:v57+s13+$0x0], $0xffff;
	[tilespmem:v42+s29+$0xAB0 ss:$0x1] =	vst.idx.msk $0xffff, v59  }
0x138: {  	v60 =	vor.u32 $0x17, v43;
	v61 =	vld.idx.msk [tilespmem:v58+s13+$0x0], $0xffff  }
0x139: {  	v62 =	vor.u32 $0x17, v44  }
0x13a: {  	v63 =	vor.u32 $0x17, v45;
	v48 =	vmul.f32 $1.000000000e+01, v48  }
0x13b: {  	v57 =	vor.u32 $0x17, v46;
	v50 =	vmul.f32 $1.000000000e+01, v50  }
0x13c: {  	v47 =	vmul.f32 $1.000000000e+01, v47;
	[tilespmem:v42+s29+$0xB00 ss:$0x1] =	vst.idx.msk $0xffff, v48  }
0x13d: {  	v48 =	vld.idx.msk [tilespmem:v60+s13+$0x0], $0xffff;
	[tilespmem:v42+s29+$0xB10 ss:$0x1] =	vst.idx.msk $0xffff, v50;
	v58 =	vmul.f32 $1.000000000e+01, v61  }
0x13e: {  	[tilespmem:v42+s29+$0xB20 ss:$0x1] =	vst.idx.msk $0xffff, v47;
	v50 =	vld.idx.msk [tilespmem:v62+s13+$0x0], $0xffff  }
0x13f: {  	v47 =	vld.idx.msk [tilespmem:v63+s13+$0x0], $0xffff;
	[tilespmem:v42+s29+$0xB30 ss:$0x1] =	vst.idx.msk $0xffff, v58  }
0x140: {  	v59 =	vor.u32 $0x18, v43;
	v60 =	vld.idx.msk [tilespmem:v57+s13+$0x0], $0xffff  }
0x141: {  	v61 =	vor.u32 $0x18, v44  }
0x142: {  	v62 =	vor.u32 $0x18, v45;
	v48 =	vmul.f32 $1.000000000e+01, v48  }
0x143: {  	v63 =	vor.u32 $0x18, v46;
	v50 =	vmul.f32 $1.000000000e+01, v50  }
0x144: {  	v47 =	vmul.f32 $1.000000000e+01, v47;
	[tilespmem:v42+s29+$0xB80 ss:$0x1] =	vst.idx.msk $0xffff, v48  }
0x145: {  	v48 =	vld.idx.msk [tilespmem:v59+s13+$0x0], $0xffff;
	[tilespmem:v42+s29+$0xB90 ss:$0x1] =	vst.idx.msk $0xffff, v50;
	v56 =	vmul.f32 $1.000000000e+01, v60  }
0x146: {  	[tilespmem:v42+s29+$0xBA0 ss:$0x1] =	vst.idx.msk $0xffff, v47;
	v50 =	vld.idx.msk [tilespmem:v61+s13+$0x0], $0xffff  }
0x147: {  	v47 =	vld.idx.msk [tilespmem:v62+s13+$0x0], $0xffff;
	[tilespmem:v42+s29+$0xBB0 ss:$0x1] =	vst.idx.msk $0xffff, v56  }
0x148: {  	v57 =	vor.u32 $0x19, v43;
	v58 =	vld.idx.msk [tilespmem:v63+s13+$0x0], $0xffff  }
0x149: {  	v59 =	vor.u32 $0x19, v44  }
0x14a: {  	v60 =	vor.u32 $0x19, v45;
	v48 =	vmul.f32 $1.000000000e+01, v48  }
0x14b: {  	v61 =	vor.u32 $0x19, v46;
	v50 =	vmul.f32 $1.000000000e+01, v50  }
0x14c: {  	v47 =	vmul.f32 $1.000000000e+01, v47;
	[tilespmem:v42+s29+$0xC00 ss:$0x1] =	vst.idx.msk $0xffff, v48  }
0x14d: {  	v48 =	vld.idx.msk [tilespmem:v57+s13+$0x0], $0xffff;
	[tilespmem:v42+s29+$0xC10 ss:$0x1] =	vst.idx.msk $0xffff, v50;
	v62 =	vmul.f32 $1.000000000e+01, v58  }
0x14e: {  	[tilespmem:v42+s29+$0xC20 ss:$0x1] =	vst.idx.msk $0xffff, v47;
	v50 =	vld.idx.msk [tilespmem:v59+s13+$0x0], $0xffff  }
0x14f: {  	v47 =	vld.idx.msk [tilespmem:v60+s13+$0x0], $0xffff;
	[tilespmem:v42+s29+$0xC30 ss:$0x1] =	vst.idx.msk $0xffff, v62  }
0x150: {  	v63 =	vor.u32 $0x1A, v43;
	v57 =	vld.idx.msk [tilespmem:v61+s13+$0x0], $0xffff  }
0x151: {  	v58 =	vor.u32 $0x1A, v44  }
0x152: {  	v59 =	vor.u32 $0x1A, v45;
	v48 =	vmul.f32 $1.000000000e+01, v48  }
0x153: {  	v60 =	vor.u32 $0x1A, v46;
	v50 =	vmul.f32 $1.000000000e+01, v50  }
0x154: {  	v47 =	vmul.f32 $1.000000000e+01, v47;
	[tilespmem:v42+s29+$0xC80 ss:$0x1] =	vst.idx.msk $0xffff, v48  }
0x155: {  	v48 =	vld.idx.msk [tilespmem:v63+s13+$0x0], $0xffff;
	[tilespmem:v42+s29+$0xC90 ss:$0x1] =	vst.idx.msk $0xffff, v50;
	v61 =	vmul.f32 $1.000000000e+01, v57  }
0x156: {  	[tilespmem:v42+s29+$0xCA0 ss:$0x1] =	vst.idx.msk $0xffff, v47;
	v50 =	vld.idx.msk [tilespmem:v58+s13+$0x0], $0xffff  }
0x157: {  	v47 =	vld.idx.msk [tilespmem:v59+s13+$0x0], $0xffff;
	[tilespmem:v42+s29+$0xCB0 ss:$0x1] =	vst.idx.msk $0xffff, v61  }
0x158: {  	v62 =	vor.u32 $0x1B, v43;
	v63 =	vld.idx.msk [tilespmem:v60+s13+$0x0], $0xffff  }
0x159: {  	v57 =	vor.u32 $0x1B, v44  }
0x15a: {  	v58 =	vor.u32 $0x1B, v45;
	v48 =	vmul.f32 $1.000000000e+01, v48  }
0x15b: {  	v59 =	vor.u32 $0x1B, v46;
	v50 =	vmul.f32 $1.000000000e+01, v50  }
0x15c: {  	v47 =	vmul.f32 $1.000000000e+01, v47;
	[tilespmem:v42+s29+$0xD00 ss:$0x1] =	vst.idx.msk $0xffff, v48  }
0x15d: {  	v48 =	vld.idx.msk [tilespmem:v62+s13+$0x0], $0xffff;
	[tilespmem:v42+s29+$0xD10 ss:$0x1] =	vst.idx.msk $0xffff, v50;
	v60 =	vmul.f32 $1.000000000e+01, v63  }
0x15e: {  	[tilespmem:v42+s29+$0xD20 ss:$0x1] =	vst.idx.msk $0xffff, v47;
	v50 =	vld.idx.msk [tilespmem:v57+s13+$0x0], $0xffff  }
0x15f: {  	v47 =	vld.idx.msk [tilespmem:v58+s13+$0x0], $0xffff;
	[tilespmem:v42+s29+$0xD30 ss:$0x1] =	vst.idx.msk $0xffff, v60  }
0x160: {  	v61 =	vor.u32 $0x1C, v43;
	v62 =	vld.idx.msk [tilespmem:v59+s13+$0x0], $0xffff  }
0x161: {  	v63 =	vor.u32 $0x1C, v44  }
0x162: {  	v57 =	vor.u32 $0x1C, v45;
	v48 =	vmul.f32 $1.000000000e+01, v48  }
0x163: {  	v58 =	vor.u32 $0x1C, v46;
	v50 =	vmul.f32 $1.000000000e+01, v50  }
0x164: {  	v47 =	vmul.f32 $1.000000000e+01, v47;
	[tilespmem:v42+s29+$0xD80 ss:$0x1] =	vst.idx.msk $0xffff, v48  }
0x165: {  	v48 =	vld.idx.msk [tilespmem:v61+s13+$0x0], $0xffff;
	[tilespmem:v42+s29+$0xD90 ss:$0x1] =	vst.idx.msk $0xffff, v50;
	v59 =	vmul.f32 $1.000000000e+01, v62  }
0x166: {  	[tilespmem:v42+s29+$0xDA0 ss:$0x1] =	vst.idx.msk $0xffff, v47;
	v50 =	vld.idx.msk [tilespmem:v63+s13+$0x0], $0xffff  }
0x167: {  	v47 =	vld.idx.msk [tilespmem:v57+s13+$0x0], $0xffff;
	[tilespmem:v42+s29+$0xDB0 ss:$0x1] =	vst.idx.msk $0xffff, v59  }
0x168: {  	v60 =	vor.u32 $0x1D, v43;
	v61 =	vld.idx.msk [tilespmem:v58+s13+$0x0], $0xffff  }
0x169: {  	v62 =	vor.u32 $0x1D, v44  }
0x16a: {  	v63 =	vor.u32 $0x1D, v45;
	v48 =	vmul.f32 $1.000000000e+01, v48  }
0x16b: {  	v57 =	vor.u32 $0x1D, v46;
	v50 =	vmul.f32 $1.000000000e+01, v50  }
0x16c: {  	v47 =	vmul.f32 $1.000000000e+01, v47;
	[tilespmem:v42+s29+$0xE00 ss:$0x1] =	vst.idx.msk $0xffff, v48  }
0x16d: {  	v48 =	vld.idx.msk [tilespmem:v60+s13+$0x0], $0xffff;
	[tilespmem:v42+s29+$0xE10 ss:$0x1] =	vst.idx.msk $0xffff, v50;
	v58 =	vmul.f32 $1.000000000e+01, v61  }
0x16e: {  	[tilespmem:v42+s29+$0xE20 ss:$0x1] =	vst.idx.msk $0xffff, v47;
	v50 =	vld.idx.msk [tilespmem:v62+s13+$0x0], $0xffff  }
0x16f: {  	v47 =	vld.idx.msk [tilespmem:v63+s13+$0x0], $0xffff;
	[tilespmem:v42+s29+$0xE30 ss:$0x1] =	vst.idx.msk $0xffff, v58  }
0x170: {  	v59 =	vor.u32 $0x1E, v43;
	v60 =	vld.idx.msk [tilespmem:v57+s13+$0x0], $0xffff  }
0x171: {  	v61 =	vor.u32 $0x1E, v44  }
0x172: {  	v62 =	vor.u32 $0x1E, v45;
	v48 =	vmul.f32 $1.000000000e+01, v48  }
0x173: {  	v63 =	vor.u32 $0x1E, v46;
	v50 =	vmul.f32 $1.000000000e+01, v50  }
0x174: {  	v47 =	vmul.f32 $1.000000000e+01, v47;
	[tilespmem:v42+s29+$0xE80 ss:$0x1] =	vst.idx.msk $0xffff, v48  }
0x175: {  	[tilespmem:v42+s29+$0xE90 ss:$0x1] =	vst.idx.msk $0xffff, v50;
	v48 =	vld.idx.msk [tilespmem:v59+s13+$0x0], $0xffff;
	v56 =	vmul.f32 $1.000000000e+01, v60  }
0x176: {  	[tilespmem:v42+s29+$0xEA0 ss:$0x1] =	vst.idx.msk $0xffff, v47;
	v57 =	vld.idx.msk [tilespmem:v61+s13+$0x0], $0xffff  }
0x177: {  	v58 =	vld.idx.msk [tilespmem:v62+s13+$0x0], $0xffff;
	[tilespmem:v42+s29+$0xEB0 ss:$0x1] =	vst.idx.msk $0xffff, v56  }
0x178: {  	v43 =	vor.u32 $0x1F, v43;
	v59 =	vld.idx.msk [tilespmem:v63+s13+$0x0], $0xffff  }
0x179: {  	v44 =	vor.u32 $0x1F, v44  }
0x17a: {  	v45 =	vor.u32 $0x1F, v45;
	v48 =	vmul.f32 $1.000000000e+01, v48  }
0x17b: {  	v46 =	vor.u32 $0x1F, v46;
	v47 =	vmul.f32 $1.000000000e+01, v57  }
0x17c: {  	v60 =	vmul.f32 $1.000000000e+01, v58;
	[tilespmem:v42+s29+$0xF00 ss:$0x1] =	vst.idx.msk $0xffff, v48  }
0x17d: {  	[tilespmem:v42+s29+$0xF10 ss:$0x1] =	vst.idx.msk $0xffff, v47;
	v43 =	vld.idx.msk [tilespmem:v43+s13+$0x0], $0xffff;
	v61 =	vmul.f32 $1.000000000e+01, v59  }
0x17e: {  	[tilespmem:v42+s29+$0xF20 ss:$0x1] =	vst.idx.msk $0xffff, v60;
	v44 =	vld.idx.msk [tilespmem:v44+s13+$0x0], $0xffff  }
0x17f: {  	v45 =	vld.idx.msk [tilespmem:v45+s13+$0x0], $0xffff;
	[tilespmem:v42+s29+$0xF30 ss:$0x1] =	vst.idx.msk $0xffff, v61  }
0x180: {  	v46 =	vld.idx.msk [tilespmem:v46+s13+$0x0], $0xffff;
	_ =	sdelay $0x1  }
0x181: {  	p1 =	por p0, p0;
	v43 =	vmul.f32 $1.000000000e+01, v43  }
.Ltmp0:
0x182: {  	v44 =	vmul.f32 $1.000000000e+01, v44;
	(pc) =	sbr.rel @p1 .LBB2_3-.Ltmp0, $4  }
0x183: {  	v62 =	vmul.f32 $1.000000000e+01, v45;
	[tilespmem:v42+s29+$0xF80 ss:$0x1] =	vst.idx.msk $0xffff, v43  }
0x184: {  	[tilespmem:v42+s29+$0xF90 ss:$0x1] =	vst.idx.msk $0xffff, v44;
	v63 =	vmul.f32 $1.000000000e+01, v46  }
0x185: {  	[tilespmem:v42+s29+$0xFA0 ss:$0x1] =	vst.idx.msk $0xffff, v62  }
0x186: {  	p0 =	por $0x0, $0x0;
	[tilespmem:v42+s29+$0xFB0 ss:$0x1] =	vst.idx.msk $0xffff, v63;
	s29 =	simm.s32 $0x40  }
0x187: {  	s1 =	sshll.u32 s25, $0xE;
	s29 =	sshll.u32 s25, $0x7  }
0x188: {  	s30 =	sand.u32 $0x1F0000, s1;
	s29 =	sand.u32 $0x180, s29  }
0x189: {  	s29 =	sor.u32 s6, s29;
	s31 =	sadd.s32 s2, s30  }
0x18a: {  	s31 =	sadd.s32 s29, s31  }
0x18b: {  	[hbm4b:s31+s3] =	stream.linear.scatter [tilespmem:s28], [sflag:$0x2], $0x400, $0x38;
	[tilespmem:$0xF700] =	vst v63  }
0x18c: {  	s25 =	sadd.s32 $0x1, s25;
	s28 =	sor.u32 s29, s30  }
0x18d: {  	p0 =	sne.s32 s25, $0x68;
	s31 =	sadd.s32 $0x9B00, s26;
	s30 =	sadd.s32 s28, s7  }
0x18e: {  	[hbm4b:s30+s3] =	stream.linear.scatter [tilespmem:s31], [sflag:$0x2], $0x400, $0x38;
	[tilespmem:$0xF700] =	vst v63  }
.Ltmp1:
0x18f: {  	s1 =	sor.u32 $0xC000, s1;
	(pc) =	sbr.rel @p0 .LBB2_2-.Ltmp1, $4  }
0x190: {  	s1 =	sadd.s32 s2, s1;
	s28 =	sadd.s32 s28, s8;
	s31 =	sadd.s32 $0x9F00, s26  }
0x191: {  	[hbm4b:s28+s3] =	stream.linear.scatter [tilespmem:s31], [sflag:$0x2], $0x400, $0x38;
	[tilespmem:$0xF700] =	vst v63  }
0x192: {  	s1 =	sadd.s32 s29, s1;
	s31 =	sadd.s32 $0xA300, s26  }
0x193: {  	[hbm4b:s1+s3] =	stream.linear.scatter [tilespmem:s31], [sflag:$0x2], $0x400, $0x38;
	[tilespmem:$0xF700] =	vst v63  }
0x194: {  	_ =	swait.ge [sflag:s22], $0x1000  }
0x195: {  	[sflag:s22] =	ssyncset.done $0x0  }
0x196: {  	[sflag:s22] =	ssyncadd.s32 $0xFFFFF000  }
0x197: {  	_ =	swait.ge [sflag:s22], $0x1000  }
0x198: {  	[sflag:s22] =	ssyncset.done $0x0  }
0x199: {  	[sflag:s22] =	ssyncadd.s32 $0xFFFFF000  }
0x19a: {  	_ =	swait.ge [sflag:s22], $0x1000  }
0x19b: {  	[sflag:s22] =	ssyncset.done $0x0  }
0x19c: {  	[sflag:s22] =	ssyncadd.s32 $0xFFFFF000  }
0x19d: {  	_ =	swait.ge [sflag:s22], $0x1000  }
0x19e: {  	[sflag:s22] =	ssyncset.done $0x0  }
0x19f: {  	s24 =	sadd.s32 $0x1, s24;
	[sflag:s22] =	ssyncadd.s32 $0xFFFFF000  }
0x1a0: {  	p0 =	sne.s32 s24, s9;
	_ =	swait.ge [sflag:s22], $0x1000  }
.Ltmp2:
0x1a1: {  	[sflag:s22] =	ssyncset.done $0x0;
	(pc) =	sbr.rel @p0 .LBB2_1-.Ltmp2, $4  }
0x1a2: {  	[sflag:s22] =	ssyncadd.s32 $0xFFFFF000  }
0x1a3: {  	_ =	swait.ge [sflag:s22], $0x1000  }
0x1a4: {  	[sflag:s22] =	ssyncset.done $0x0  }
0x1a5: {  	[sflag:s22] =	ssyncadd.s32 $0xFFFFF000  }
0x1a6: {  	_ =	sfence.sel $0x180000  }
0x1a7: {  	[bflag:$0x0] =	sbarrier.arrive $0xFFFF  }
0x1a8: {  	_ =	strace $0x9000004A  }
0x1a9: {  	[bflag:$0x2] =	sbarrier.arrive $0xFFFF  }
0x1aa: {  	p0 =	sne.s32 s0, $0x0;
	s0 =	rddreg [dreg:$0x2]  }
0x1ab: {  	s0 =	sadd.s32 @!p0 $0x100000, s0  }
0x1ac: {  	[sflag:s0] =	ssyncadd.tile.s32 @!p0 $0x1;
	_ =	shalt  }
.Lfunc_end2:
_tile_overlayer_lowered:
.L_overlay_start_2:
0x1ad: {  	(tag) =	ssettag $0x2  }
0x1ae: {  	s0 =	rddreg [dreg:$0x0];
	s2 =	stileid.u32  }
0x1af: {  	s1 =	rddreg [dreg:$0x1];
	p0 =	sne.s32 s2, $0x0  }
0x1b0: {  	s3 =	rddreg [dreg:$0x2];
	[bflag:$0x3] =	sbarrier.arrive $0xFFFF;
	s2 =	simm.s32 @!p0 $0x1C03  }
0x1b1: {  	[timem:s3], [sflag:s2] =	dma.local @!p0 [hbm:s0], s1  }
0x1b2: {  	s0 =	simm.s32 @!p0 $0x3  }
0x1b3: {  	_ =	swait.ge @!p0 [sflag:s0], s1  }
0x1b4: {  	s1 =	ssub.s32 @!p0 $0x0, s1;
	[sflag:s0] =	ssyncset.done @!p0 $0x0  }
0x1b5: {  	[sflag:s0] =	ssyncadd.s32 @!p0 s1  }
0x1b6: {  	[bflag:$0x3] =	sbarrier.arrive $0xFFFF  }
0x1b7: {  	_ =	shalt  }

</sc_bundles>
